<compile_context>
chip_gen: v7x
topology: tpu7x:2x2x1
jax: 0.10.2.dev20260603
libtpu: 0.0.44.dev20260713+nightly
codegen_flags: <defaults>
</compile_context>

<pallas_src>
import functools

import jax
import jax.numpy as jnp
import numpy as np
from jax import lax
from jax.experimental import pallas as pl
from jax.experimental.pallas import tpu as pltpu
from jax.experimental.pallas import tpu_sc as plsc

_N = 10000
_E = 320000
_D = 128
_HEADS = 8
_HID = 16

_NC = 2
_NS = 16
_CH = 128
_NCHUNK = _E // _CH
_RB = 80
_NRB = _N // _RB



def _mm_body(x_ref, w_ref, b_ref, o_ref):
  o_ref[...] = (
      jnp.dot(x_ref[...], w_ref[...], preferred_element_type=jnp.float32)
      + b_ref[...]
  )


def _matmul(x, w, b, block_rows):
  m, kdim = x.shape
  n = w.shape[1]
  return pl.pallas_call(
      _mm_body,
      grid=(m // block_rows,),
      in_specs=[
          pl.BlockSpec((block_rows, kdim), lambda i: (i, 0)),
          pl.BlockSpec((kdim, n), lambda i: (0, 0)),
          pl.BlockSpec((1, n), lambda i: (0, 0)),
      ],
      out_specs=pl.BlockSpec((block_rows, n), lambda i: (i, 0)),
      out_shape=jax.ShapeDtypeStruct((m, n), jnp.float32),
  )(x, w, b.reshape(1, n))


def _mm3_body(x_ref, w_ref, b_ref, o_ref):
  o_ref[0] = (
      jnp.dot(x_ref[...], w_ref[0], preferred_element_type=jnp.float32)
      + b_ref[0]
  )


def _ee_stacked_matmul(e, wst, bst, block_rows):
  m = e.shape[0]
  w_ = wst.shape[2]

  return pl.pallas_call(
      _mm3_body,
      grid=(_NC, m // block_rows),
      in_specs=[
          pl.BlockSpec((block_rows, 16), lambda g, i: (i, 0)),
          pl.BlockSpec((1, 16, w_), lambda g, i: (g, 0, 0)),
          pl.BlockSpec((1, 1, w_), lambda g, i: (g, 0, 0)),
      ],
      out_specs=pl.BlockSpec((1, block_rows, w_), lambda g, i: (g, i, 0)),
      out_shape=jax.ShapeDtypeStruct((_NC, m, w_), jnp.float32),
  )(e, wst, bst)


def _ep_body(u_ref, d_ref, s_ref, bm_ref, w_ref, b_ref, o_ref):
  dinv = 1.0 / jnp.maximum(d_ref[...], 1e-30)
  dbc = jnp.dot(dinv, bm_ref[...], preferred_element_type=jnp.float32)
  h = jnp.maximum(u_ref[...] * dbc + s_ref[...], 0.0)
  o_ref[...] = (
      jnp.dot(h, w_ref[...], preferred_element_type=jnp.float32) + b_ref[...]
  )


def _epilogue_proj(u, d, s, bmat, w, b, block_rows):
  m = u.shape[0]
  n = w.shape[1]
  return pl.pallas_call(
      _ep_body,
      grid=(m // block_rows,),
      in_specs=[
          pl.BlockSpec((block_rows, _D), lambda i: (i, 0)),
          pl.BlockSpec((block_rows, 16), lambda i: (i, 0)),
          pl.BlockSpec((block_rows, _D), lambda i: (i, 0)),
          pl.BlockSpec((16, _D), lambda i: (0, 0)),
          pl.BlockSpec((_D, n), lambda i: (0, 0)),
          pl.BlockSpec((1, n), lambda i: (0, 0)),
      ],
      out_specs=pl.BlockSpec((block_rows, n), lambda i: (i, 0)),
      out_shape=jax.ShapeDtypeStruct((m, n), jnp.float32),
  )(u, d, s, bmat, w, b.reshape(1, n))


def _ep_final_body(u_ref, d_ref, s_ref, bm_ref, o_ref):
  dinv = 1.0 / jnp.maximum(d_ref[...], 1e-30)
  dbc = jnp.dot(dinv, bm_ref[...], preferred_element_type=jnp.float32)
  o_ref[...] = jnp.maximum(u_ref[...] * dbc + s_ref[...], 0.0)


def _epilogue_final(u, d, s, bmat, block_rows):
  m = u.shape[0]
  return pl.pallas_call(
      _ep_final_body,
      grid=(m // block_rows,),
      in_specs=[
          pl.BlockSpec((block_rows, _D), lambda i: (i, 0)),
          pl.BlockSpec((block_rows, 16), lambda i: (i, 0)),
          pl.BlockSpec((block_rows, _D), lambda i: (i, 0)),
          pl.BlockSpec((16, _D), lambda i: (0, 0)),
      ],
      out_specs=pl.BlockSpec((block_rows, _D), lambda i: (i, 0)),
      out_shape=jax.ShapeDtypeStruct((m, _D), jnp.float32),
  )(u, d, s, bmat)



_SC_PARAMS = pltpu.CompilerParams(
    needs_layout_passes=False, use_tc_tiling_on_sc=False)
_SC_MESH = plsc.VectorSubcoreMesh(
    core_axis_name="c", subcore_axis_name="s",
    num_cores=_NC, num_subcores=_NS)
_ACC_SCRATCH = [
    pltpu.VMEM_SHARED((_N, 64), jnp.float32),
    pltpu.VMEM_SHARED((_N, 16), jnp.float32),
]
_SEMS = [pltpu.SemaphoreType.DMA] * 5


def _zero_and_plan(sid, ubuf, dbuf, acc_u, acc_d):
  zv = jnp.zeros((16,), jnp.float32)

  def zero_row(i, carry):
    for blk in range(64 // 16):
      ubuf[i, pl.ds(16 * blk, 16)] = zv
    dbuf[i, :] = zv
    return carry

  lax.fori_loop(0, _CH, zero_row, 0)
  nblk = jnp.where(sid < _NRB % _NS, _NRB // _NS + 1, _NRB // _NS)

  def zero_blk(j, carry):
    row = pl.multiple_of((sid + j * _NS) * _RB, _RB)
    pltpu.sync_copy(ubuf.at[pl.ds(0, _RB)], acc_u.at[pl.ds(row, _RB)])
    pltpu.sync_copy(dbuf.at[pl.ds(0, _RB)], acc_d.at[pl.ds(row, _RB)])
    return carry

  lax.fori_loop(0, nblk, zero_blk, 0)
  plsc.subcore_barrier()
  return nblk


def _copy_out(cid, sid, nblk, acc_u, acc_d, out_u, out_d):
  plsc.subcore_barrier()

  def out_blk(j, carry):
    row = pl.multiple_of((sid + j * _NS) * _RB, _RB)
    sl = pl.ds(row, _RB)
    pltpu.sync_copy(acc_u.at[sl], out_u.at[cid, sl])
    pltpu.sync_copy(acc_d.at[sl], out_d.at[cid, sl])
    return carry

  lax.fori_loop(0, nblk, out_blk, 0)


@functools.partial(
    pl.kernel,
    name="sc_edge_l1",
    compiler_params=_SC_PARAMS,
    out_type=[
        jax.ShapeDtypeStruct((_NC, _N, 64), jnp.float32),
        jax.ShapeDtypeStruct((_NC, _N, 16), jnp.float32),
    ],
    mesh=_SC_MESH,
    scratch_types=[
        pltpu.VMEM((_CH, 64), jnp.float32),
        pltpu.VMEM((_CH, 64), jnp.float32),
        pltpu.VMEM((_CH, 64), jnp.float32),
        pltpu.VMEM((_CH, 64), jnp.float32),
        pltpu.VMEM((_CH, 64), jnp.float32),
        pltpu.VMEM((_CH, 16), jnp.float32),
        pltpu.VMEM((1, _CH), jnp.int32),
        pltpu.VMEM((1, _CH), jnp.int32),
    ] + _ACC_SCRATCH + _SEMS,
)
def _sc_edge_l1(q_hbm, k_hbm, v_hbm, ee_hbm, src_hbm, dst_hbm,
                out_u, out_d,
                qbuf, kbuf, vbuf, eebuf, ubuf, dbuf, srcbuf, dstbuf,
                acc_u, acc_d, sem_q, sem_k, sem_v, sem_e, sem_e2):
  cid = lax.axis_index("c")
  sid = lax.axis_index("s")
  nblk = _zero_and_plan(sid, ubuf, dbuf, acc_u, acc_d)
  lane = lax.iota(jnp.int32, 16)
  zv = jnp.zeros((16,), jnp.float32)

  nch = jnp.where(sid < _NCHUNK % _NS, _NCHUNK // _NS + 1, _NCHUNK // _NS)

  def chunk_body(j, carry):
    chunk = sid + j * _NS
    base = pl.multiple_of(chunk * _CH, _CH)
    pltpu.sync_copy(src_hbm.at[pl.ds(chunk, 1)], srcbuf)
    pltpu.sync_copy(dst_hbm.at[pl.ds(chunk, 1)], dstbuf)
    cq = pltpu.async_copy(q_hbm.at[cid].at[dstbuf.at[0]], qbuf, sem_q)
    ck = pltpu.async_copy(k_hbm.at[cid].at[srcbuf.at[0]], kbuf, sem_k)
    cv = pltpu.async_copy(v_hbm.at[cid].at[srcbuf.at[0]], vbuf, sem_v)
    ce = pltpu.async_copy(ee_hbm.at[cid].at[pl.ds(base, _CH)], eebuf, sem_e)
    cq.wait()
    ck.wait()
    cv.wait()
    ce.wait()

    def edge_body(i, ecarry):
      dacc = zv
      for h in range(_HEADS // _NC):
        sl = pl.ds(16 * h, 16)
        kj = kbuf[i, sl] + eebuf[i, sl]
        s = jnp.sum(qbuf[i, sl] * kj)
        aev = jnp.exp(jnp.full((16,), s, jnp.float32))
        ubuf[i, sl] = (vbuf[i, sl] + eebuf[i, sl]) * aev
        dacc = dacc + jnp.where(lane == h, aev, 0.0)
      dbuf[i, :] = dacc
      return ecarry

    lax.fori_loop(0, _CH, edge_body, 0)
    pltpu.sync_copy(ubuf, acc_u.at[dstbuf.at[0]], add=True)
    pltpu.sync_copy(dbuf, acc_d.at[dstbuf.at[0]], add=True)
    return carry

  lax.fori_loop(0, nch, chunk_body, 0)
  _copy_out(cid, sid, nblk, acc_u, acc_d, out_u, out_d)


@functools.partial(
    pl.kernel,
    name="sc_edge_l2",
    compiler_params=_SC_PARAMS,
    out_type=[
        jax.ShapeDtypeStruct((_NC, _N, 64), jnp.float32),
        jax.ShapeDtypeStruct((_NC, _N, 16), jnp.float32),
    ],
    mesh=_SC_MESH,
    scratch_types=[
        pltpu.VMEM((_CH, _D), jnp.float32),
        pltpu.VMEM((_CH, _D), jnp.float32),
        pltpu.VMEM((_CH, 64), jnp.float32),
        pltpu.VMEM((_CH, _D), jnp.float32),
        pltpu.VMEM((_CH, 64), jnp.float32),
        pltpu.VMEM((_CH, 64), jnp.float32),
        pltpu.VMEM((_CH, 16), jnp.float32),
        pltpu.VMEM((1, _CH), jnp.int32),
        pltpu.VMEM((1, _CH), jnp.int32),
    ] + _ACC_SCRATCH + _SEMS,
)
def _sc_edge_l2(q_hbm, k_hbm, v_hbm, eef_hbm, ees_hbm, src_hbm, dst_hbm,
                out_u, out_d,
                qbuf, kbuf, vbuf, eebuf, eehbuf, ubuf, dbuf, srcbuf, dstbuf,
                acc_u, acc_d, sem_q, sem_k, sem_v, sem_e, sem_e2):
  cid = lax.axis_index("c")
  sid = lax.axis_index("s")
  nblk = _zero_and_plan(sid, ubuf, dbuf, acc_u, acc_d)
  lane = lax.iota(jnp.int32, 16)
  zv = jnp.zeros((16,), jnp.float32)

  nch = jnp.where(sid < _NCHUNK % _NS, _NCHUNK // _NS + 1, _NCHUNK // _NS)

  def chunk_body(j, carry):
    chunk = sid + j * _NS
    base = pl.multiple_of(chunk * _CH, _CH)
    pltpu.sync_copy(src_hbm.at[pl.ds(chunk, 1)], srcbuf)
    pltpu.sync_copy(dst_hbm.at[pl.ds(chunk, 1)], dstbuf)
    cq = pltpu.async_copy(q_hbm.at[dstbuf.at[0]], qbuf, sem_q)
    ck = pltpu.async_copy(k_hbm.at[srcbuf.at[0]], kbuf, sem_k)
    cv = pltpu.async_copy(v_hbm.at[cid].at[srcbuf.at[0]], vbuf, sem_v)
    ce = pltpu.async_copy(eef_hbm.at[pl.ds(base, _CH)], eebuf, sem_e)
    ce2 = pltpu.async_copy(ees_hbm.at[cid].at[pl.ds(base, _CH)], eehbuf, sem_e2)
    cq.wait()
    ck.wait()
    cv.wait()
    ce.wait()
    ce2.wait()

    def edge_body(i, ecarry):
      acc_t = zv
      for h in range(_D // 16):
        sl = pl.ds(16 * h, 16)
        kj = kbuf[i, sl] + eebuf[i, sl]
        acc_t = acc_t + qbuf[i, sl] * kj
      s = jnp.sum(acc_t)
      aev = jnp.exp(jnp.full((16,), s, jnp.float32))
      for h in range(64 // 16):
        sl = pl.ds(16 * h, 16)
        ubuf[i, sl] = (vbuf[i, sl] + eehbuf[i, sl]) * aev
      dbuf[i, :] = jnp.where(lane == 0, aev, 0.0)
      return ecarry

    lax.fori_loop(0, _CH, edge_body, 0)
    pltpu.sync_copy(ubuf, acc_u.at[dstbuf.at[0]], add=True)
    pltpu.sync_copy(dbuf, acc_d.at[dstbuf.at[0]], add=True)
    return carry

  lax.fori_loop(0, nch, chunk_body, 0)
  _copy_out(cid, sid, nblk, acc_u, acc_d, out_u, out_d)



def kernel(x, edge_index, edge_feats,
           Wq1, bq1, Wk1, bk1, Wv1, bv1, We1, be1, Ws1, bs1,
           Wq2, bq2, Wk2, bk2, Wv2, bv2, We2, be2, Ws2, bs2):
  scale1 = 1.0 / np.sqrt(np.float32(_HID))
  scale2 = 1.0 / np.sqrt(np.float32(_D))

  wcat1 = jnp.concatenate([Wq1 * scale1, Wk1, Wv1, Ws1], axis=1)
  bcat1 = jnp.concatenate([bq1 * scale1, bk1, bv1, bs1], axis=0)
  wcat2 = jnp.concatenate([Wq2 * scale2, Wk2, Wv2, Ws2], axis=1)
  bcat2 = jnp.concatenate([bq2 * scale2, bk2, bv2, bs2], axis=0)

  src2d = edge_index[0].reshape(_NCHUNK, _CH)
  dst2d = edge_index[1].reshape(_NCHUNK, _CH)

  heads_bm = np.zeros((16, _D), np.float32)
  for h in range(_HEADS):
    heads_bm[h, 16 * h:16 * (h + 1)] = 1.0
  heads_bm = jnp.asarray(heads_bm)
  ones_bm = np.zeros((16, _D), np.float32)
  ones_bm[0, :] = 1.0
  ones_bm = jnp.asarray(ones_bm)

  def split_cols(a):
    return jnp.stack([a[:, :64], a[:, 64:]])

  def split_stack(w, b):
    wst = jnp.stack([w[:, :64], w[:, 64:]])
    bst = jnp.stack([b[:64].reshape(1, 64), b[64:].reshape(1, 64)])
    return wst, bst

  p1 = _matmul(x, wcat1, bcat1, 400)
  wst1, bst1 = split_stack(We1, be1)
  ee1 = _ee_stacked_matmul(edge_feats, wst1, bst1, 2000)
  qs1 = split_cols(p1[:, 0:128])
  ks1 = split_cols(p1[:, 128:256])
  vs1 = split_cols(p1[:, 256:384])
  s1 = p1[:, 384:512]

  u1, d1 = _sc_edge_l1(qs1, ks1, vs1, ee1, src2d, dst2d)
  uu1 = jnp.concatenate([u1[0], u1[1]], axis=1)
  dd1 = jnp.concatenate(
      [d1[0, :, :4], d1[1, :, :4], jnp.zeros((_N, 8), jnp.float32)], axis=1)

  p2 = _epilogue_proj(uu1, dd1, s1, heads_bm, wcat2, bcat2, 400)
  ee2f = _matmul(edge_feats, We2, be2, 2000)
  wst2, bst2 = split_stack(We2, be2)
  ee2s = _ee_stacked_matmul(edge_feats, wst2, bst2, 2000)
  q2 = p2[:, 0:128]
  k2 = p2[:, 128:256]
  vs2 = split_cols(p2[:, 256:384])
  s2 = p2[:, 384:512]

  u2, d2 = _sc_edge_l2(q2, k2, vs2, ee2f, ee2s, src2d, dst2d)
  uu2 = jnp.concatenate([u2[0], u2[1]], axis=1)

  return _epilogue_final(uu2, d2[0], s2, ones_bm, 400)

# --- scband reference (transcript-rebuilt; emitter-appended) ---
"""Pipeline reference for scband-graph-attention-embedding-70669391888433 (READ-ONLY COPY).

The authoritative reference and input builder live on the scoring server;
editing this copy changes nothing except your own understanding.
"""

import jax, jax.numpy as jnp
import numpy as np

N = 10000
E = 320000
D_IN = 128
HID = 16
HEADS = 8
D_OUT = 128
D_EDGE = 16


def _lin(k, fi, fo):
    return jax.random.normal(k, (fi, fo), jnp.float32) / np.sqrt(fi)


def setup_inputs(seed: int = 0):
    key = jax.random.key(seed)
    ks = jax.random.split(key, 24)
    h1 = HEADS * HID
    inp = {
        'x': jax.random.normal(ks[0], (N, D_IN), jnp.float32),
        'edge_index': jax.random.randint(ks[1], (2, E), 0, N, dtype=jnp.int32),
        'edge_feats': jax.random.normal(ks[2], (E, D_EDGE), jnp.float32),
        'Wq1': _lin(ks[3], D_IN, h1), 'bq1': jnp.zeros((h1,), jnp.float32),
        'Wk1': _lin(ks[4], D_IN, h1), 'bk1': jnp.zeros((h1,), jnp.float32),
        'Wv1': _lin(ks[5], D_IN, h1), 'bv1': jnp.zeros((h1,), jnp.float32),
        'We1': _lin(ks[6], D_EDGE, h1), 'be1': jnp.zeros((h1,), jnp.float32),
        'Ws1': _lin(ks[7], D_IN, h1), 'bs1': jnp.zeros((h1,), jnp.float32),
        'Wq2': _lin(ks[8], h1, D_OUT), 'bq2': jnp.zeros((D_OUT,), jnp.float32),
        'Wk2': _lin(ks[9], h1, D_OUT), 'bk2': jnp.zeros((D_OUT,), jnp.float32),
        'Wv2': _lin(ks[10], h1, D_OUT), 'bv2': jnp.zeros((D_OUT,), jnp.float32),
        'We2': _lin(ks[11], D_EDGE, D_OUT), 'be2': jnp.zeros((D_OUT,), jnp.float32),
        'Ws2': _lin(ks[12], h1, D_OUT), 'bs2': jnp.zeros((D_OUT,), jnp.float32),
    }
    return inp


def transformer_conv(x, src, dst, e, Wq, bq, Wk, bk, Wv, bv, We, be, Ws, bs, H, dh, concat):
    n = x.shape[0]
    q = (x @ Wq + bq).reshape(n, H, dh)
    k = (x @ Wk + bk).reshape(n, H, dh)
    v = (x @ Wv + bv).reshape(n, H, dh)
    ee = (e @ We + be).reshape(-1, H, dh)
    kj = k[src] + ee
    vj = v[src] + ee
    qi = q[dst]
    alpha = (qi * kj).sum(-1) / jnp.sqrt(jnp.float32(dh))
    amax = jax.ops.segment_max(alpha, dst, num_segments=n)
    amax = jnp.where(jnp.isfinite(amax), amax, 0.0)
    aexp = jnp.exp(alpha - amax[dst])
    denom = jax.ops.segment_sum(aexp, dst, num_segments=n)
    att = aexp / jnp.clip(denom[dst], 1e-16, None)
    out = jax.ops.segment_sum(att[:, :, None] * vj, dst, num_segments=n)
    out = out.reshape(n, H * dh) if concat else out.mean(axis=1)
    return out + (x @ Ws + bs)


def reference(x, edge_index, edge_feats, Wq1, bq1, Wk1, bk1, Wv1, bv1, We1, be1, Ws1, bs1, Wq2, bq2, Wk2, bk2, Wv2, bv2, We2, be2, Ws2, bs2):
    src, dst = edge_index[0], edge_index[1]
    h = jax.nn.relu(transformer_conv(x, src, dst, edge_feats, Wq1, bq1, Wk1, bk1, Wv1, bv1, We1, be1, Ws1, bs1, HEADS, HID, True))
    out = jax.nn.relu(transformer_conv(h, src, dst, edge_feats, Wq2, bq2, Wk2, bk2, Wv2, bv2, We2, be2, Ws2, bs2, 1, D_OUT, False))
    return out

if __name__ == "__main__":
    import jax
    _d = setup_inputs()
    print(jax.jit(kernel)(*tuple(_d.values())))

</pallas_src>

<mosaic_0001>
#map = affine_map<(d0, d1) -> (0, 0, 0)>
#map1 = affine_map<(d0, d1) -> (0, 0)>
module attributes {stable_mosaic.version = 14 : i64} {
  func.func @sc_edge_l1(%arg0: i32, %arg1: i32, %arg2: memref<2x10000x64xf32, #tpu.memory_space<hbm>>, %arg3: memref<2x10000x64xf32, #tpu.memory_space<hbm>>, %arg4: memref<2x10000x64xf32, #tpu.memory_space<hbm>>, %arg5: memref<2x320000x64xf32, #tpu.memory_space<hbm>>, %arg6: memref<2500x128xi32, #tpu.memory_space<hbm>>, %arg7: memref<2500x128xi32, #tpu.memory_space<hbm>>, %arg8: memref<2x10000x64xf32, #tpu.memory_space<hbm>>, %arg9: memref<2x10000x16xf32, #tpu.memory_space<hbm>>, %arg10: memref<128x64xf32, #tpu.memory_space<vmem>>, %arg11: memref<128x64xf32, #tpu.memory_space<vmem>>, %arg12: memref<128x64xf32, #tpu.memory_space<vmem>>, %arg13: memref<128x64xf32, #tpu.memory_space<vmem>>, %arg14: memref<128x64xf32, #tpu.memory_space<vmem>>, %arg15: memref<128x16xf32, #tpu.memory_space<vmem>>, %arg16: memref<1x128xi32, #tpu.memory_space<vmem>>, %arg17: memref<1x128xi32, #tpu.memory_space<vmem>>, %arg18: memref<10000x64xf32, #tpu.memory_space<vmem_shared>>, %arg19: memref<10000x16xf32, #tpu.memory_space<vmem_shared>>, %arg20: memref<!tpu.dma_semaphore, #tpu.memory_space<semaphore_mem>>, %arg21: memref<!tpu.dma_semaphore, #tpu.memory_space<semaphore_mem>>, %arg22: memref<!tpu.dma_semaphore, #tpu.memory_space<semaphore_mem>>, %arg23: memref<!tpu.dma_semaphore, #tpu.memory_space<semaphore_mem>>, %arg24: memref<!tpu.dma_semaphore, #tpu.memory_space<semaphore_mem>>) attributes {dimension_semantics = [#tpu.dimension_semantics<core_parallel>, #tpu.dimension_semantics<subcore_parallel>], iteration_bounds = array<i64: 2, 16>, scalar_prefetch = 0 : i64, scratch_operands = 15 : i64, tpu.core_type = #tpu.core_type<sc_vector_subcore>, window_params = [{transform_indices = #map}, {transform_indices = #map}, {transform_indices = #map}, {transform_indices = #map}, {transform_indices = #map1}, {transform_indices = #map1}, {transform_indices = #map}, {transform_indices = #map}]} {
    %broadcast_in_dim3A = arith.constant 0.000000e+00 : f32
    %broadcast_in_dim3A_0 = vector.broadcast %broadcast_in_dim3A : f32 to vector<16xf32>
    %scan3A = arith.constant 0 : i32
    %scan3A_1 = arith.constant 0 : i32
    %scan3A_2 = arith.constant 128 : i32
    %scan3A_3 = arith.addi %scan3A_1, %scan3A_2 : i32
    %scan3A_4 = arith.constant 1 : i32
    scf.for %scan3A_45 = %scan3A_1 to %scan3A_3 step %scan3A_4  : i32 {
      %swap3A = arith.index_cast %scan3A_45 : i32 to index
      %swap3A_46 = arith.constant 0 : index
      %swap3A_47 = tpu.vector_load %arg14[%swap3A, %swap3A_46] {strides = array<i32>} : memref<128x64xf32, #tpu.memory_space<vmem>>, vector<16xf32>,
      tpu.vector_store %arg14[%swap3A, %swap3A_46], %broadcast_in_dim3A_0 {strides = array<i32>} : memref<128x64xf32, #tpu.memory_space<vmem>>, vector<16xf32>,
      %swap3A_48 = arith.index_cast %scan3A_45 : i32 to index
      %swap3A_49 = arith.constant 16 : index
      %swap3A_50 = tpu.vector_load %arg14[%swap3A_48, %swap3A_49] {strides = array<i32>} : memref<128x64xf32, #tpu.memory_space<vmem>>, vector<16xf32>,
      tpu.vector_store %arg14[%swap3A_48, %swap3A_49], %broadcast_in_dim3A_0 {strides = array<i32>} : memref<128x64xf32, #tpu.memory_space<vmem>>, vector<16xf32>,
      %swap3A_51 = arith.index_cast %scan3A_45 : i32 to index
      %swap3A_52 = arith.constant 32 : index
      %swap3A_53 = tpu.vector_load %arg14[%swap3A_51, %swap3A_52] {strides = array<i32>} : memref<128x64xf32, #tpu.memory_space<vmem>>, vector<16xf32>,
      tpu.vector_store %arg14[%swap3A_51, %swap3A_52], %broadcast_in_dim3A_0 {strides = array<i32>} : memref<128x64xf32, #tpu.memory_space<vmem>>, vector<16xf32>,
      %swap3A_54 = arith.index_cast %scan3A_45 : i32 to index
      %swap3A_55 = arith.constant 48 : index
      %swap3A_56 = tpu.vector_load %arg14[%swap3A_54, %swap3A_55] {strides = array<i32>} : memref<128x64xf32, #tpu.memory_space<vmem>>, vector<16xf32>,
      tpu.vector_store %arg14[%swap3A_54, %swap3A_55], %broadcast_in_dim3A_0 {strides = array<i32>} : memref<128x64xf32, #tpu.memory_space<vmem>>, vector<16xf32>,
      %swap3A_57 = arith.index_cast %scan3A_45 : i32 to index
      %swap3A_58 = arith.constant 0 : index
      %swap3A_59 = tpu.vector_load %arg15[%swap3A_57, %swap3A_58] {strides = array<i32>} : memref<128x16xf32, #tpu.memory_space<vmem>>, vector<16xf32>,
      tpu.vector_store %arg15[%swap3A_57, %swap3A_58], %broadcast_in_dim3A_0 {strides = array<i32>} : memref<128x16xf32, #tpu.memory_space<vmem>>, vector<16xf32>,
    }
    %scan3A_5 = arith.constant 128 : i32
    %lt3A = arith.constant 13 : i32
    %lt3A_6 = arith.cmpi slt, %arg1, %lt3A : i32
    %jit3A = arith.constant 8 : i32
    %jit3A_7 = arith.constant 7 : i32
    %select_n3A = arith.select %lt3A_6, %jit3A, %jit3A_7 : i32
    %while3A = arith.constant 0 : i32
    %while3A_8 = arith.constant 0 : i32
    %while3A_9 = arith.subi %select_n3A, %while3A_8 : i32
    %while3A_10 = arith.addi %while3A_8, %while3A_9 : i32
    %while3A_11 = arith.constant 1 : i32
    %while3A_12 = arith.divsi %while3A_9, %while3A_11 : i32
    %while3A_13 = arith.muli %while3A_12, %while3A_11 : i32
    %while3A_14 = arith.addi %while3A_8, %while3A_13 : i32
    %while3A_15 = arith.constant 1 : i32
    scf.for %while3A_45 = %while3A_8 to %while3A_14 step %while3A_15  : i32 {
      %mul3A = arith.constant 16 : i32
      %mul3A_46 = arith.muli %while3A_45, %mul3A : i32
      %add3A = arith.addi %arg1, %mul3A_46 : i32
      %mul3A_47 = arith.constant 80 : i32
      %mul3A_48 = arith.muli %add3A, %mul3A_47 : i32
      %multiple_of3A = tpu.assume_multiple %mul3A_48, 80 : i32
      "tpu.region"() ({
        %run_scoped3A = tpu.sem_alloc : memref<!tpu.dma_semaphore, #tpu.memory_space<semaphore_mem>>
        %dma_start3A = arith.constant 0 : i32
        %dma_start3A_49 = arith.constant 0 : i32
        %dma_start3A_50 = tpu.memref_slice %arg14[%dma_start3A, %dma_start3A_49] : memref<128x64xf32, #tpu.memory_space<vmem>> -> memref<80x64xf32, #tpu.memory_space<vmem>>
        %dma_start3A_51 = arith.constant 0 : i32
        %dma_start3A_52 = tpu.memref_slice %arg18[%multiple_of3A, %dma_start3A_51] : memref<10000x64xf32, #tpu.memory_space<vmem_shared>> -> memref<80x64xf32, #tpu.memory_space<vmem_shared>>
        %dma_start3A_53 = arith.constant 0 : i32
        %dma_start3A_54 = tpu.memref_slice %arg18[%multiple_of3A, %dma_start3A_53] : memref<10000x64xf32, #tpu.memory_space<vmem_shared>> -> memref<80x64xf32, #tpu.memory_space<vmem_shared>>
        %dma_start3A_55 = arith.constant 0 : i32
        %dma_start3A_56 = arith.constant 0 : i32
        %dma_start3A_57 = tpu.memref_slice %arg14[%dma_start3A_55, %dma_start3A_56] : memref<128x64xf32, #tpu.memory_space<vmem>> -> memref<80x64xf32, #tpu.memory_space<vmem>>
        tpu.enqueue_dma source(%dma_start3A_57 : memref<80x64xf32, #tpu.memory_space<vmem>>) target(%dma_start3A_54 : memref<80x64xf32, #tpu.memory_space<vmem_shared>>) target_semaphore(%run_scoped3A : memref<!tpu.dma_semaphore, #tpu.memory_space<semaphore_mem>>)
        %dma_wait3A = arith.constant 0 : i32
        %dma_wait3A_58 = arith.constant 0 : i32
        %dma_wait3A_59 = tpu.memref_slice %arg14[%dma_wait3A, %dma_wait3A_58] : memref<128x64xf32, #tpu.memory_space<vmem>> -> memref<80x64xf32, #tpu.memory_space<vmem>>
        %dma_wait3A_60 = arith.constant 0 : i32
        %dma_wait3A_61 = tpu.memref_slice %arg18[%multiple_of3A, %dma_wait3A_60] : memref<10000x64xf32, #tpu.memory_space<vmem_shared>> -> memref<80x64xf32, #tpu.memory_space<vmem_shared>>
        %dma_wait3A_62 = arith.constant 0 : i32
        %dma_wait3A_63 = tpu.memref_slice %arg18[%multiple_of3A, %dma_wait3A_62] : memref<10000x64xf32, #tpu.memory_space<vmem_shared>> -> memref<80x64xf32, #tpu.memory_space<vmem_shared>>
        %dma_wait3A_64 = arith.constant 0 : i32
        %dma_wait3A_65 = arith.constant 0 : i32
        %dma_wait3A_66 = tpu.memref_slice %arg14[%dma_wait3A_64, %dma_wait3A_65] : memref<128x64xf32, #tpu.memory_space<vmem>> -> memref<80x64xf32, #tpu.memory_space<vmem>>
        tpu.wait_dma2 semaphore(%run_scoped3A : memref<!tpu.dma_semaphore, #tpu.memory_space<semaphore_mem>>) src(%dma_wait3A_66 : memref<80x64xf32, #tpu.memory_space<vmem>>) dst(%dma_wait3A_63 : memref<80x64xf32, #tpu.memory_space<vmem_shared>>)
        tpu.yield
      }) : () -> ()
      "tpu.region"() ({
        %run_scoped3A = tpu.sem_alloc : memref<!tpu.dma_semaphore, #tpu.memory_space<semaphore_mem>>
        %dma_start3A = arith.constant 0 : i32
        %dma_start3A_49 = arith.constant 0 : i32
        %dma_start3A_50 = tpu.memref_slice %arg15[%dma_start3A, %dma_start3A_49] : memref<128x16xf32, #tpu.memory_space<vmem>> -> memref<80x16xf32, #tpu.memory_space<vmem>>
        %dma_start3A_51 = arith.constant 0 : i32
        %dma_start3A_52 = tpu.memref_slice %arg19[%multiple_of3A, %dma_start3A_51] : memref<10000x16xf32, #tpu.memory_space<vmem_shared>> -> memref<80x16xf32, #tpu.memory_space<vmem_shared>>
        %dma_start3A_53 = arith.constant 0 : i32
        %dma_start3A_54 = tpu.memref_slice %arg19[%multiple_of3A, %dma_start3A_53] : memref<10000x16xf32, #tpu.memory_space<vmem_shared>> -> memref<80x16xf32, #tpu.memory_space<vmem_shared>>
        %dma_start3A_55 = arith.constant 0 : i32
        %dma_start3A_56 = arith.constant 0 : i32
        %dma_start3A_57 = tpu.memref_slice %arg15[%dma_start3A_55, %dma_start3A_56] : memref<128x16xf32, #tpu.memory_space<vmem>> -> memref<80x16xf32, #tpu.memory_space<vmem>>
        tpu.enqueue_dma source(%dma_start3A_57 : memref<80x16xf32, #tpu.memory_space<vmem>>) target(%dma_start3A_54 : memref<80x16xf32, #tpu.memory_space<vmem_shared>>) target_semaphore(%run_scoped3A : memref<!tpu.dma_semaphore, #tpu.memory_space<semaphore_mem>>)
        %dma_wait3A = arith.constant 0 : i32
        %dma_wait3A_58 = arith.constant 0 : i32
        %dma_wait3A_59 = tpu.memref_slice %arg15[%dma_wait3A, %dma_wait3A_58] : memref<128x16xf32, #tpu.memory_space<vmem>> -> memref<80x16xf32, #tpu.memory_space<vmem>>
        %dma_wait3A_60 = arith.constant 0 : i32
        %dma_wait3A_61 = tpu.memref_slice %arg19[%multiple_of3A, %dma_wait3A_60] : memref<10000x16xf32, #tpu.memory_space<vmem_shared>> -> memref<80x16xf32, #tpu.memory_space<vmem_shared>>
        %dma_wait3A_62 = arith.constant 0 : i32
        %dma_wait3A_63 = tpu.memref_slice %arg19[%multiple_of3A, %dma_wait3A_62] : memref<10000x16xf32, #tpu.memory_space<vmem_shared>> -> memref<80x16xf32, #tpu.memory_space<vmem_shared>>
        %dma_wait3A_64 = arith.constant 0 : i32
        %dma_wait3A_65 = arith.constant 0 : i32
        %dma_wait3A_66 = tpu.memref_slice %arg15[%dma_wait3A_64, %dma_wait3A_65] : memref<128x16xf32, #tpu.memory_space<vmem>> -> memref<80x16xf32, #tpu.memory_space<vmem>>
        tpu.wait_dma2 semaphore(%run_scoped3A : memref<!tpu.dma_semaphore, #tpu.memory_space<semaphore_mem>>) src(%dma_wait3A_66 : memref<80x16xf32, #tpu.memory_space<vmem>>) dst(%dma_wait3A_63 : memref<80x16xf32, #tpu.memory_space<vmem_shared>>)
        tpu.yield
      }) : () -> ()
    }
    %while3A_16 = arith.constant 1 : i32
    scf.for %while3A_45 = %while3A_14 to %while3A_10 step %while3A_16  : i32 {
      %mul3A = arith.constant 16 : i32
      %mul3A_46 = arith.muli %while3A_45, %mul3A : i32
      %add3A = arith.addi %arg1, %mul3A_46 : i32
      %mul3A_47 = arith.constant 80 : i32
      %mul3A_48 = arith.muli %add3A, %mul3A_47 : i32
      %multiple_of3A = tpu.assume_multiple %mul3A_48, 80 : i32
      "tpu.region"() ({
        %run_scoped3A = tpu.sem_alloc : memref<!tpu.dma_semaphore, #tpu.memory_space<semaphore_mem>>
        %dma_start3A = arith.constant 0 : i32
        %dma_start3A_49 = arith.constant 0 : i32
        %dma_start3A_50 = tpu.memref_slice %arg14[%dma_start3A, %dma_start3A_49] : memref<128x64xf32, #tpu.memory_space<vmem>> -> memref<80x64xf32, #tpu.memory_space<vmem>>
        %dma_start3A_51 = arith.constant 0 : i32
        %dma_start3A_52 = tpu.memref_slice %arg18[%multiple_of3A, %dma_start3A_51] : memref<10000x64xf32, #tpu.memory_space<vmem_shared>> -> memref<80x64xf32, #tpu.memory_space<vmem_shared>>
        %dma_start3A_53 = arith.constant 0 : i32
        %dma_start3A_54 = tpu.memref_slice %arg18[%multiple_of3A, %dma_start3A_53] : memref<10000x64xf32, #tpu.memory_space<vmem_shared>> -> memref<80x64xf32, #tpu.memory_space<vmem_shared>>
        %dma_start3A_55 = arith.constant 0 : i32
        %dma_start3A_56 = arith.constant 0 : i32
        %dma_start3A_57 = tpu.memref_slice %arg14[%dma_start3A_55, %dma_start3A_56] : memref<128x64xf32, #tpu.memory_space<vmem>> -> memref<80x64xf32, #tpu.memory_space<vmem>>
        tpu.enqueue_dma source(%dma_start3A_57 : memref<80x64xf32, #tpu.memory_space<vmem>>) target(%dma_start3A_54 : memref<80x64xf32, #tpu.memory_space<vmem_shared>>) target_semaphore(%run_scoped3A : memref<!tpu.dma_semaphore, #tpu.memory_space<semaphore_mem>>)
        %dma_wait3A = arith.constant 0 : i32
        %dma_wait3A_58 = arith.constant 0 : i32
        %dma_wait3A_59 = tpu.memref_slice %arg14[%dma_wait3A, %dma_wait3A_58] : memref<128x64xf32, #tpu.memory_space<vmem>> -> memref<80x64xf32, #tpu.memory_space<vmem>>
        %dma_wait3A_60 = arith.constant 0 : i32
        %dma_wait3A_61 = tpu.memref_slice %arg18[%multiple_of3A, %dma_wait3A_60] : memref<10000x64xf32, #tpu.memory_space<vmem_shared>> -> memref<80x64xf32, #tpu.memory_space<vmem_shared>>
        %dma_wait3A_62 = arith.constant 0 : i32
        %dma_wait3A_63 = tpu.memref_slice %arg18[%multiple_of3A, %dma_wait3A_62] : memref<10000x64xf32, #tpu.memory_space<vmem_shared>> -> memref<80x64xf32, #tpu.memory_space<vmem_shared>>
        %dma_wait3A_64 = arith.constant 0 : i32
        %dma_wait3A_65 = arith.constant 0 : i32
        %dma_wait3A_66 = tpu.memref_slice %arg14[%dma_wait3A_64, %dma_wait3A_65] : memref<128x64xf32, #tpu.memory_space<vmem>> -> memref<80x64xf32, #tpu.memory_space<vmem>>
        tpu.wait_dma2 semaphore(%run_scoped3A : memref<!tpu.dma_semaphore, #tpu.memory_space<semaphore_mem>>) src(%dma_wait3A_66 : memref<80x64xf32, #tpu.memory_space<vmem>>) dst(%dma_wait3A_63 : memref<80x64xf32, #tpu.memory_space<vmem_shared>>)
        tpu.yield
      }) : () -> ()
      "tpu.region"() ({
        %run_scoped3A = tpu.sem_alloc : memref<!tpu.dma_semaphore, #tpu.memory_space<semaphore_mem>>
        %dma_start3A = arith.constant 0 : i32
        %dma_start3A_49 = arith.constant 0 : i32
        %dma_start3A_50 = tpu.memref_slice %arg15[%dma_start3A, %dma_start3A_49] : memref<128x16xf32, #tpu.memory_space<vmem>> -> memref<80x16xf32, #tpu.memory_space<vmem>>
        %dma_start3A_51 = arith.constant 0 : i32
        %dma_start3A_52 = tpu.memref_slice %arg19[%multiple_of3A, %dma_start3A_51] : memref<10000x16xf32, #tpu.memory_space<vmem_shared>> -> memref<80x16xf32, #tpu.memory_space<vmem_shared>>
        %dma_start3A_53 = arith.constant 0 : i32
        %dma_start3A_54 = tpu.memref_slice %arg19[%multiple_of3A, %dma_start3A_53] : memref<10000x16xf32, #tpu.memory_space<vmem_shared>> -> memref<80x16xf32, #tpu.memory_space<vmem_shared>>
        %dma_start3A_55 = arith.constant 0 : i32
        %dma_start3A_56 = arith.constant 0 : i32
        %dma_start3A_57 = tpu.memref_slice %arg15[%dma_start3A_55, %dma_start3A_56] : memref<128x16xf32, #tpu.memory_space<vmem>> -> memref<80x16xf32, #tpu.memory_space<vmem>>
        tpu.enqueue_dma source(%dma_start3A_57 : memref<80x16xf32, #tpu.memory_space<vmem>>) target(%dma_start3A_54 : memref<80x16xf32, #tpu.memory_space<vmem_shared>>) target_semaphore(%run_scoped3A : memref<!tpu.dma_semaphore, #tpu.memory_space<semaphore_mem>>)
        %dma_wait3A = arith.constant 0 : i32
        %dma_wait3A_58 = arith.constant 0 : i32
        %dma_wait3A_59 = tpu.memref_slice %arg15[%dma_wait3A, %dma_wait3A_58] : memref<128x16xf32, #tpu.memory_space<vmem>> -> memref<80x16xf32, #tpu.memory_space<vmem>>
        %dma_wait3A_60 = arith.constant 0 : i32
        %dma_wait3A_61 = tpu.memref_slice %arg19[%multiple_of3A, %dma_wait3A_60] : memref<10000x16xf32, #tpu.memory_space<vmem_shared>> -> memref<80x16xf32, #tpu.memory_space<vmem_shared>>
        %dma_wait3A_62 = arith.constant 0 : i32
        %dma_wait3A_63 = tpu.memref_slice %arg19[%multiple_of3A, %dma_wait3A_62] : memref<10000x16xf32, #tpu.memory_space<vmem_shared>> -> memref<80x16xf32, #tpu.memory_space<vmem_shared>>
        %dma_wait3A_64 = arith.constant 0 : i32
        %dma_wait3A_65 = arith.constant 0 : i32
        %dma_wait3A_66 = tpu.memref_slice %arg15[%dma_wait3A_64, %dma_wait3A_65] : memref<128x16xf32, #tpu.memory_space<vmem>> -> memref<80x16xf32, #tpu.memory_space<vmem>>
        tpu.wait_dma2 semaphore(%run_scoped3A : memref<!tpu.dma_semaphore, #tpu.memory_space<semaphore_mem>>) src(%dma_wait3A_66 : memref<80x16xf32, #tpu.memory_space<vmem>>) dst(%dma_wait3A_63 : memref<80x16xf32, #tpu.memory_space<vmem_shared>>)
        tpu.yield
      }) : () -> ()
    }
    %barrier3A = arith.constant 0 : index
    tpu.barrier barrier_id(%barrier3A)
    %iota3A = tpu.iota {dimensions = array<i32: 0>} : vector<16xi32>
    %broadcast_in_dim3A_17 = arith.constant 0.000000e+00 : f32
    %broadcast_in_dim3A_18 = vector.broadcast %broadcast_in_dim3A_17 : f32 to vector<16xf32>
    %lt3A_19 = arith.constant 4 : i32
    %lt3A_20 = arith.cmpi slt, %arg1, %lt3A_19 : i32
    %jit3A_21 = arith.constant 157 : i32
    %jit3A_22 = arith.constant 156 : i32
    %select_n3A_23 = arith.select %lt3A_20, %jit3A_21, %jit3A_22 : i32
    %while3A_24 = arith.constant 0 : i32
    %while3A_25 = arith.constant 0 : i32
    %while3A_26 = arith.subi %select_n3A_23, %while3A_25 : i32
    %while3A_27 = arith.addi %while3A_25, %while3A_26 : i32
    %while3A_28 = arith.constant 1 : i32
    %while3A_29 = arith.divsi %while3A_26, %while3A_28 : i32
    %while3A_30 = arith.muli %while3A_29, %while3A_28 : i32
    %while3A_31 = arith.addi %while3A_25, %while3A_30 : i32
    %while3A_32 = arith.constant 1 : i32
    scf.for %while3A_45 = %while3A_25 to %while3A_31 step %while3A_32  : i32 {
      %mul3A = arith.constant 16 : i32
      %mul3A_46 = arith.muli %while3A_45, %mul3A : i32
      %add3A = arith.addi %arg1, %mul3A_46 : i32
      %mul3A_47 = arith.constant 128 : i32
      %mul3A_48 = arith.muli %add3A, %mul3A_47 : i32
      %multiple_of3A = tpu.assume_multiple %mul3A_48, 128 : i32
      "tpu.region"() ({
        %run_scoped3A_144 = tpu.sem_alloc : memref<!tpu.dma_semaphore, #tpu.memory_space<semaphore_mem>>
        %dma_start3A_145 = arith.constant 0 : i32
        %dma_start3A_146 = tpu.memref_slice %arg6[%add3A, %dma_start3A_145] : memref<2500x128xi32, #tpu.memory_space<hbm>> -> memref<1x128xi32, #tpu.memory_space<hbm>>
        %dma_start3A_147 = arith.constant 0 : i32
        %dma_start3A_148 = tpu.memref_slice %arg6[%add3A, %dma_start3A_147] : memref<2500x128xi32, #tpu.memory_space<hbm>> -> memref<1x128xi32, #tpu.memory_space<hbm>>
        tpu.enqueue_dma source(%dma_start3A_148 : memref<1x128xi32, #tpu.memory_space<hbm>>) target(%arg16 : memref<1x128xi32, #tpu.memory_space<vmem>>) target_semaphore(%run_scoped3A_144 : memref<!tpu.dma_semaphore, #tpu.memory_space<semaphore_mem>>)
        %dma_wait3A_149 = arith.constant 0 : i32
        %dma_wait3A_150 = tpu.memref_slice %arg6[%add3A, %dma_wait3A_149] : memref<2500x128xi32, #tpu.memory_space<hbm>> -> memref<1x128xi32, #tpu.memory_space<hbm>>
        %dma_wait3A_151 = arith.constant 0 : i32
        %dma_wait3A_152 = tpu.memref_slice %arg6[%add3A, %dma_wait3A_151] : memref<2500x128xi32, #tpu.memory_space<hbm>> -> memref<1x128xi32, #tpu.memory_space<hbm>>
        tpu.wait_dma2 semaphore(%run_scoped3A_144 : memref<!tpu.dma_semaphore, #tpu.memory_space<semaphore_mem>>) src(%dma_wait3A_152 : memref<1x128xi32, #tpu.memory_space<hbm>>) dst(%arg16 : memref<1x128xi32, #tpu.memory_space<vmem>>)
        tpu.yield
      }) : () -> ()
      "tpu.region"() ({
        %run_scoped3A_144 = tpu.sem_alloc : memref<!tpu.dma_semaphore, #tpu.memory_space<semaphore_mem>>
        %dma_start3A_145 = arith.constant 0 : i32
        %dma_start3A_146 = tpu.memref_slice %arg7[%add3A, %dma_start3A_145] : memref<2500x128xi32, #tpu.memory_space<hbm>> -> memref<1x128xi32, #tpu.memory_space<hbm>>
        %dma_start3A_147 = arith.constant 0 : i32
        %dma_start3A_148 = tpu.memref_slice %arg7[%add3A, %dma_start3A_147] : memref<2500x128xi32, #tpu.memory_space<hbm>> -> memref<1x128xi32, #tpu.memory_space<hbm>>
        tpu.enqueue_dma source(%dma_start3A_148 : memref<1x128xi32, #tpu.memory_space<hbm>>) target(%arg17 : memref<1x128xi32, #tpu.memory_space<vmem>>) target_semaphore(%run_scoped3A_144 : memref<!tpu.dma_semaphore, #tpu.memory_space<semaphore_mem>>)
        %dma_wait3A_149 = arith.constant 0 : i32
        %dma_wait3A_150 = tpu.memref_slice %arg7[%add3A, %dma_wait3A_149] : memref<2500x128xi32, #tpu.memory_space<hbm>> -> memref<1x128xi32, #tpu.memory_space<hbm>>
        %dma_wait3A_151 = arith.constant 0 : i32
        %dma_wait3A_152 = tpu.memref_slice %arg7[%add3A, %dma_wait3A_151] : memref<2500x128xi32, #tpu.memory_space<hbm>> -> memref<1x128xi32, #tpu.memory_space<hbm>>
        tpu.wait_dma2 semaphore(%run_scoped3A_144 : memref<!tpu.dma_semaphore, #tpu.memory_space<semaphore_mem>>) src(%dma_wait3A_152 : memref<1x128xi32, #tpu.memory_space<hbm>>) dst(%arg17 : memref<1x128xi32, #tpu.memory_space<vmem>>)
        tpu.yield
      }) : () -> ()
      %dma_start3A = arith.constant 0 : i32
      %dma_start3A_49 = arith.constant 0 : i32
      %dma_start3A_50 = tpu.memref_slice %arg17[%dma_start3A, %dma_start3A_49] : memref<1x128xi32, #tpu.memory_space<vmem>> -> memref<1x128xi32, #tpu.memory_space<vmem>>
      %dma_start3A_51 = tpu.memref_squeeze %dma_start3A_50 : memref<1x128xi32, #tpu.memory_space<vmem>> -> memref<128xi32, #tpu.memory_space<vmem>>
      %dma_start3A_52 = arith.constant 0 : i32
      %dma_start3A_53 = arith.constant 0 : i32
      %dma_start3A_54 = tpu.memref_slice %arg2[%arg0, %dma_start3A_52, %dma_start3A_53] : memref<2x10000x64xf32, #tpu.memory_space<hbm>> -> memref<1x10000x64xf32, #tpu.memory_space<hbm>>
      %dma_start3A_55 = tpu.memref_squeeze %dma_start3A_54 : memref<1x10000x64xf32, #tpu.memory_space<hbm>> -> memref<10000x64xf32, #tpu.memory_space<hbm>>
      %dma_start3A_56 = arith.constant 0 : i32
      %dma_start3A_57 = arith.constant 0 : i32
      %dma_start3A_58 = tpu.memref_slice %dma_start3A_55[%dma_start3A_56, %dma_start3A_57] : memref<10000x64xf32, #tpu.memory_space<hbm>> -> memref<10000x64xf32, #tpu.memory_space<hbm>>
      tpu.enqueue_indirect_dma source(%dma_start3A_58 : memref<10000x64xf32, #tpu.memory_space<hbm>>) target(%arg10 : memref<128x64xf32, #tpu.memory_space<vmem>>) offsets(%dma_start3A_51 : memref<128xi32, #tpu.memory_space<vmem>>) semaphore(%arg20 : memref<!tpu.dma_semaphore, #tpu.memory_space<semaphore_mem>>)
      %dma_start3A_59 = arith.constant 0 : i32
      %dma_start3A_60 = arith.constant 0 : i32
      %dma_start3A_61 = tpu.memref_slice %arg16[%dma_start3A_59, %dma_start3A_60] : memref<1x128xi32, #tpu.memory_space<vmem>> -> memref<1x128xi32, #tpu.memory_space<vmem>>
      %dma_start3A_62 = tpu.memref_squeeze %dma_start3A_61 : memref<1x128xi32, #tpu.memory_space<vmem>> -> memref<128xi32, #tpu.memory_space<vmem>>
      %dma_start3A_63 = arith.constant 0 : i32
      %dma_start3A_64 = arith.constant 0 : i32
      %dma_start3A_65 = tpu.memref_slice %arg3[%arg0, %dma_start3A_63, %dma_start3A_64] : memref<2x10000x64xf32, #tpu.memory_space<hbm>> -> memref<1x10000x64xf32, #tpu.memory_space<hbm>>
      %dma_start3A_66 = tpu.memref_squeeze %dma_start3A_65 : memref<1x10000x64xf32, #tpu.memory_space<hbm>> -> memref<10000x64xf32, #tpu.memory_space<hbm>>
      %dma_start3A_67 = arith.constant 0 : i32
      %dma_start3A_68 = arith.constant 0 : i32
      %dma_start3A_69 = tpu.memref_slice %dma_start3A_66[%dma_start3A_67, %dma_start3A_68] : memref<10000x64xf32, #tpu.memory_space<hbm>> -> memref<10000x64xf32, #tpu.memory_space<hbm>>
      tpu.enqueue_indirect_dma source(%dma_start3A_69 : memref<10000x64xf32, #tpu.memory_space<hbm>>) target(%arg11 : memref<128x64xf32, #tpu.memory_space<vmem>>) offsets(%dma_start3A_62 : memref<128xi32, #tpu.memory_space<vmem>>) semaphore(%arg21 : memref<!tpu.dma_semaphore, #tpu.memory_space<semaphore_mem>>)
      %dma_start3A_70 = arith.constant 0 : i32
      %dma_start3A_71 = arith.constant 0 : i32
      %dma_start3A_72 = tpu.memref_slice %arg16[%dma_start3A_70, %dma_start3A_71] : memref<1x128xi32, #tpu.memory_space<vmem>> -> memref<1x128xi32, #tpu.memory_space<vmem>>
      %dma_start3A_73 = tpu.memref_squeeze %dma_start3A_72 : memref<1x128xi32, #tpu.memory_space<vmem>> -> memref<128xi32, #tpu.memory_space<vmem>>
      %dma_start3A_74 = arith.constant 0 : i32
      %dma_start3A_75 = arith.constant 0 : i32
      %dma_start3A_76 = tpu.memref_slice %arg4[%arg0, %dma_start3A_74, %dma_start3A_75] : memref<2x10000x64xf32, #tpu.memory_space<hbm>> -> memref<1x10000x64xf32, #tpu.memory_space<hbm>>
      %dma_start3A_77 = tpu.memref_squeeze %dma_start3A_76 : memref<1x10000x64xf32, #tpu.memory_space<hbm>> -> memref<10000x64xf32, #tpu.memory_space<hbm>>
      %dma_start3A_78 = arith.constant 0 : i32
      %dma_start3A_79 = arith.constant 0 : i32
      %dma_start3A_80 = tpu.memref_slice %dma_start3A_77[%dma_start3A_78, %dma_start3A_79] : memref<10000x64xf32, #tpu.memory_space<hbm>> -> memref<10000x64xf32, #tpu.memory_space<hbm>>
      tpu.enqueue_indirect_dma source(%dma_start3A_80 : memref<10000x64xf32, #tpu.memory_space<hbm>>) target(%arg12 : memref<128x64xf32, #tpu.memory_space<vmem>>) offsets(%dma_start3A_73 : memref<128xi32, #tpu.memory_space<vmem>>) semaphore(%arg22 : memref<!tpu.dma_semaphore, #tpu.memory_space<semaphore_mem>>)
      %dma_start3A_81 = arith.constant 0 : i32
      %dma_start3A_82 = arith.constant 0 : i32
      %dma_start3A_83 = tpu.memref_slice %arg5[%arg0, %dma_start3A_81, %dma_start3A_82] : memref<2x320000x64xf32, #tpu.memory_space<hbm>> -> memref<1x320000x64xf32, #tpu.memory_space<hbm>>
      %dma_start3A_84 = tpu.memref_squeeze %dma_start3A_83 : memref<1x320000x64xf32, #tpu.memory_space<hbm>> -> memref<320000x64xf32, #tpu.memory_space<hbm>>
      %dma_start3A_85 = arith.constant 0 : i32
      %dma_start3A_86 = tpu.memref_slice %dma_start3A_84[%multiple_of3A, %dma_start3A_85] : memref<320000x64xf32, #tpu.memory_space<hbm>> -> memref<128x64xf32, #tpu.memory_space<hbm>>
      %dma_start3A_87 = arith.constant 0 : i32
      %dma_start3A_88 = arith.constant 0 : i32
      %dma_start3A_89 = tpu.memref_slice %arg5[%arg0, %dma_start3A_87, %dma_start3A_88] : memref<2x320000x64xf32, #tpu.memory_space<hbm>> -> memref<1x320000x64xf32, #tpu.memory_space<hbm>>
      %dma_start3A_90 = tpu.memref_squeeze %dma_start3A_89 : memref<1x320000x64xf32, #tpu.memory_space<hbm>> -> memref<320000x64xf32, #tpu.memory_space<hbm>>
      %dma_start3A_91 = arith.constant 0 : i32
      %dma_start3A_92 = tpu.memref_slice %dma_start3A_90[%multiple_of3A, %dma_start3A_91] : memref<320000x64xf32, #tpu.memory_space<hbm>> -> memref<128x64xf32, #tpu.memory_space<hbm>>
      tpu.enqueue_dma source(%dma_start3A_92 : memref<128x64xf32, #tpu.memory_space<hbm>>) target(%arg13 : memref<128x64xf32, #tpu.memory_space<vmem>>) target_semaphore(%arg23 : memref<!tpu.dma_semaphore, #tpu.memory_space<semaphore_mem>>)
      %dma_wait3A = arith.constant 0 : i32
      %dma_wait3A_93 = arith.constant 0 : i32
      %dma_wait3A_94 = tpu.memref_slice %arg17[%dma_wait3A, %dma_wait3A_93] : memref<1x128xi32, #tpu.memory_space<vmem>> -> memref<1x128xi32, #tpu.memory_space<vmem>>
      %dma_wait3A_95 = tpu.memref_squeeze %dma_wait3A_94 : memref<1x128xi32, #tpu.memory_space<vmem>> -> memref<128xi32, #tpu.memory_space<vmem>>
      %dma_wait3A_96 = arith.constant 0 : i32
      %dma_wait3A_97 = arith.constant 0 : i32
      %dma_wait3A_98 = tpu.memref_slice %arg2[%arg0, %dma_wait3A_96, %dma_wait3A_97] : memref<2x10000x64xf32, #tpu.memory_space<hbm>> -> memref<1x10000x64xf32, #tpu.memory_space<hbm>>
      %dma_wait3A_99 = tpu.memref_squeeze %dma_wait3A_98 : memref<1x10000x64xf32, #tpu.memory_space<hbm>> -> memref<10000x64xf32, #tpu.memory_space<hbm>>
      %dma_wait3A_100 = arith.constant 0 : i32
      %dma_wait3A_101 = arith.constant 0 : i32
      %dma_wait3A_102 = tpu.memref_slice %dma_wait3A_99[%dma_wait3A_100, %dma_wait3A_101] : memref<10000x64xf32, #tpu.memory_space<hbm>> -> memref<10000x64xf32, #tpu.memory_space<hbm>>
      tpu.wait_indirect_dma semaphore(%arg20 : memref<!tpu.dma_semaphore, #tpu.memory_space<semaphore_mem>>) src(%dma_wait3A_102 : memref<10000x64xf32, #tpu.memory_space<hbm>>) dst(%arg10 : memref<128x64xf32, #tpu.memory_space<vmem>>)
      %dma_wait3A_103 = arith.constant 0 : i32
      %dma_wait3A_104 = arith.constant 0 : i32
      %dma_wait3A_105 = tpu.memref_slice %arg16[%dma_wait3A_103, %dma_wait3A_104] : memref<1x128xi32, #tpu.memory_space<vmem>> -> memref<1x128xi32, #tpu.memory_space<vmem>>
      %dma_wait3A_106 = tpu.memref_squeeze %dma_wait3A_105 : memref<1x128xi32, #tpu.memory_space<vmem>> -> memref<128xi32, #tpu.memory_space<vmem>>
      %dma_wait3A_107 = arith.constant 0 : i32
      %dma_wait3A_108 = arith.constant 0 : i32
      %dma_wait3A_109 = tpu.memref_slice %arg3[%arg0, %dma_wait3A_107, %dma_wait3A_108] : memref<2x10000x64xf32, #tpu.memory_space<hbm>> -> memref<1x10000x64xf32, #tpu.memory_space<hbm>>
      %dma_wait3A_110 = tpu.memref_squeeze %dma_wait3A_109 : memref<1x10000x64xf32, #tpu.memory_space<hbm>> -> memref<10000x64xf32, #tpu.memory_space<hbm>>
      %dma_wait3A_111 = arith.constant 0 : i32
      %dma_wait3A_112 = arith.constant 0 : i32
      %dma_wait3A_113 = tpu.memref_slice %dma_wait3A_110[%dma_wait3A_111, %dma_wait3A_112] : memref<10000x64xf32, #tpu.memory_space<hbm>> -> memref<10000x64xf32, #tpu.memory_space<hbm>>
      tpu.wait_indirect_dma semaphore(%arg21 : memref<!tpu.dma_semaphore, #tpu.memory_space<semaphore_mem>>) src(%dma_wait3A_113 : memref<10000x64xf32, #tpu.memory_space<hbm>>) dst(%arg11 : memref<128x64xf32, #tpu.memory_space<vmem>>)
      %dma_wait3A_114 = arith.constant 0 : i32
      %dma_wait3A_115 = arith.constant 0 : i32
      %dma_wait3A_116 = tpu.memref_slice %arg16[%dma_wait3A_114, %dma_wait3A_115] : memref<1x128xi32, #tpu.memory_space<vmem>> -> memref<1x128xi32, #tpu.memory_space<vmem>>
      %dma_wait3A_117 = tpu.memref_squeeze %dma_wait3A_116 : memref<1x128xi32, #tpu.memory_space<vmem>> -> memref<128xi32, #tpu.memory_space<vmem>>
      %dma_wait3A_118 = arith.constant 0 : i32
      %dma_wait3A_119 = arith.constant 0 : i32
      %dma_wait3A_120 = tpu.memref_slice %arg4[%arg0, %dma_wait3A_118, %dma_wait3A_119] : memref<2x10000x64xf32, #tpu.memory_space<hbm>> -> memref<1x10000x64xf32, #tpu.memory_space<hbm>>
      %dma_wait3A_121 = tpu.memref_squeeze %dma_wait3A_120 : memref<1x10000x64xf32, #tpu.memory_space<hbm>> -> memref<10000x64xf32, #tpu.memory_space<hbm>>
      %dma_wait3A_122 = arith.constant 0 : i32
      %dma_wait3A_123 = arith.constant 0 : i32
      %dma_wait3A_124 = tpu.memref_slice %dma_wait3A_121[%dma_wait3A_122, %dma_wait3A_123] : memref<10000x64xf32, #tpu.memory_space<hbm>> -> memref<10000x64xf32, #tpu.memory_space<hbm>>
      tpu.wait_indirect_dma semaphore(%arg22 : memref<!tpu.dma_semaphore, #tpu.memory_space<semaphore_mem>>) src(%dma_wait3A_124 : memref<10000x64xf32, #tpu.memory_space<hbm>>) dst(%arg12 : memref<128x64xf32, #tpu.memory_space<vmem>>)
      %dma_wait3A_125 = arith.constant 0 : i32
      %dma_wait3A_126 = arith.constant 0 : i32
      %dma_wait3A_127 = tpu.memref_slice %arg5[%arg0, %dma_wait3A_125, %dma_wait3A_126] : memref<2x320000x64xf32, #tpu.memory_space<hbm>> -> memref<1x320000x64xf32, #tpu.memory_space<hbm>>
      %dma_wait3A_128 = tpu.memref_squeeze %dma_wait3A_127 : memref<1x320000x64xf32, #tpu.memory_space<hbm>> -> memref<320000x64xf32, #tpu.memory_space<hbm>>
      %dma_wait3A_129 = arith.constant 0 : i32
      %dma_wait3A_130 = tpu.memref_slice %dma_wait3A_128[%multiple_of3A, %dma_wait3A_129] : memref<320000x64xf32, #tpu.memory_space<hbm>> -> memref<128x64xf32, #tpu.memory_space<hbm>>
      %dma_wait3A_131 = arith.constant 0 : i32
      %dma_wait3A_132 = arith.constant 0 : i32
      %dma_wait3A_133 = tpu.memref_slice %arg5[%arg0, %dma_wait3A_131, %dma_wait3A_132] : memref<2x320000x64xf32, #tpu.memory_space<hbm>> -> memref<1x320000x64xf32, #tpu.memory_space<hbm>>
      %dma_wait3A_134 = tpu.memref_squeeze %dma_wait3A_133 : memref<1x320000x64xf32, #tpu.memory_space<hbm>> -> memref<320000x64xf32, #tpu.memory_space<hbm>>
      %dma_wait3A_135 = arith.constant 0 : i32
      %dma_wait3A_136 = tpu.memref_slice %dma_wait3A_134[%multiple_of3A, %dma_wait3A_135] : memref<320000x64xf32, #tpu.memory_space<hbm>> -> memref<128x64xf32, #tpu.memory_space<hbm>>
      tpu.wait_dma2 semaphore(%arg23 : memref<!tpu.dma_semaphore, #tpu.memory_space<semaphore_mem>>) src(%dma_wait3A_136 : memref<128x64xf32, #tpu.memory_space<hbm>>) dst(%arg13 : memref<128x64xf32, #tpu.memory_space<vmem>>)
      %scan3A_137 = arith.constant 0 : i32
      %scan3A_138 = arith.constant 0 : i32
      %scan3A_139 = arith.constant 128 : i32
      %scan3A_140 = arith.addi %scan3A_138, %scan3A_139 : i32
      %scan3A_141 = arith.constant 1 : i32
      scf.for %scan3A_144 = %scan3A_138 to %scan3A_140 step %scan3A_141  : i32 {
        %get3A = arith.index_cast %scan3A_144 : i32 to index
        %get3A_145 = arith.constant 0 : index
        %get3A_146 = tpu.vector_load %arg11[%get3A, %get3A_145] {strides = array<i32>} : memref<128x64xf32, #tpu.memory_space<vmem>>, vector<16xf32>,
        %get3A_147 = arith.index_cast %scan3A_144 : i32 to index
        %get3A_148 = arith.constant 0 : index
        %get3A_149 = tpu.vector_load %arg13[%get3A_147, %get3A_148] {strides = array<i32>} : memref<128x64xf32, #tpu.memory_space<vmem>>, vector<16xf32>,
        %add3A_150 = arith.addf %get3A_146, %get3A_149 : vector<16xf32>
        %get3A_151 = arith.index_cast %scan3A_144 : i32 to index
        %get3A_152 = arith.constant 0 : index
        %get3A_153 = tpu.vector_load %arg10[%get3A_151, %get3A_152] {strides = array<i32>} : memref<128x64xf32, #tpu.memory_space<vmem>>, vector<16xf32>,
        %mul3A_154 = arith.mulf %get3A_153, %add3A_150 : vector<16xf32>
        %reduce_sum3A = arith.constant true
        %reduce_sum3A_155 = vector.broadcast %reduce_sum3A : i1 to vector<16xi1>
        %reduce_sum3A_156 = tpu.scan <sum>, %mul3A_154 masked %reduce_sum3A_155 : vector<16xf32>, vector<16xi1> -> vector<16xf32>
        %reduce_sum3A_157 = vector.extract %reduce_sum3A_156[15] : f32 from vector<16xf32>
        %broadcast_in_dim3A_158 = vector.broadcast %reduce_sum3A_157 : f32 to vector<16xf32>
        %exp3A = math.exp %broadcast_in_dim3A_158 : vector<16xf32>
        %get3A_159 = arith.index_cast %scan3A_144 : i32 to index
        %get3A_160 = arith.constant 0 : index
        %get3A_161 = tpu.vector_load %arg12[%get3A_159, %get3A_160] {strides = array<i32>} : memref<128x64xf32, #tpu.memory_space<vmem>>, vector<16xf32>,
        %get3A_162 = arith.index_cast %scan3A_144 : i32 to index
        %get3A_163 = arith.constant 0 : index
        %get3A_164 = tpu.vector_load %arg13[%get3A_162, %get3A_163] {strides = array<i32>} : memref<128x64xf32, #tpu.memory_space<vmem>>, vector<16xf32>,
        %add3A_165 = arith.addf %get3A_161, %get3A_164 : vector<16xf32>
        %mul3A_166 = arith.mulf %add3A_165, %exp3A : vector<16xf32>
        %swap3A = arith.index_cast %scan3A_144 : i32 to index
        %swap3A_167 = arith.constant 0 : index
        %swap3A_168 = tpu.vector_load %arg14[%swap3A, %swap3A_167] {strides = array<i32>} : memref<128x64xf32, #tpu.memory_space<vmem>>, vector<16xf32>,
        tpu.vector_store %arg14[%swap3A, %swap3A_167], %mul3A_166 {strides = array<i32>} : memref<128x64xf32, #tpu.memory_space<vmem>>, vector<16xf32>,
        %eq3A = arith.constant 0 : i32
        %eq3A_169 = vector.broadcast %eq3A : i32 to vector<16xi32>
        %eq3A_170 = arith.cmpi eq, %iota3A, %eq3A_169 : vector<16xi32>
        %jit3A_171 = arith.constant 0.000000e+00 : f32
        %broadcast_in_dim3A_172 = vector.broadcast %jit3A_171 : f32 to vector<16xf32>
        %select_n3A_173 = arith.select %eq3A_170, %exp3A, %broadcast_in_dim3A_172 : vector<16xi1>, vector<16xf32>
        %add3A_174 = arith.addf %broadcast_in_dim3A_18, %select_n3A_173 : vector<16xf32>
        %get3A_175 = arith.index_cast %scan3A_144 : i32 to index
        %get3A_176 = arith.constant 16 : index
        %get3A_177 = tpu.vector_load %arg11[%get3A_175, %get3A_176] {strides = array<i32>} : memref<128x64xf32, #tpu.memory_space<vmem>>, vector<16xf32>,
        %get3A_178 = arith.index_cast %scan3A_144 : i32 to index
        %get3A_179 = arith.constant 16 : index
        %get3A_180 = tpu.vector_load %arg13[%get3A_178, %get3A_179] {strides = array<i32>} : memref<128x64xf32, #tpu.memory_space<vmem>>, vector<16xf32>,
        %add3A_181 = arith.addf %get3A_177, %get3A_180 : vector<16xf32>
        %get3A_182 = arith.index_cast %scan3A_144 : i32 to index
        %get3A_183 = arith.constant 16 : index
        %get3A_184 = tpu.vector_load %arg10[%get3A_182, %get3A_183] {strides = array<i32>} : memref<128x64xf32, #tpu.memory_space<vmem>>, vector<16xf32>,
        %mul3A_185 = arith.mulf %get3A_184, %add3A_181 : vector<16xf32>
        %reduce_sum3A_186 = arith.constant true
        %reduce_sum3A_187 = vector.broadcast %reduce_sum3A_186 : i1 to vector<16xi1>
        %reduce_sum3A_188 = tpu.scan <sum>, %mul3A_185 masked %reduce_sum3A_187 : vector<16xf32>, vector<16xi1> -> vector<16xf32>
        %reduce_sum3A_189 = vector.extract %reduce_sum3A_188[15] : f32 from vector<16xf32>
        %broadcast_in_dim3A_190 = vector.broadcast %reduce_sum3A_189 : f32 to vector<16xf32>
        %exp3A_191 = math.exp %broadcast_in_dim3A_190 : vector<16xf32>
        %get3A_192 = arith.index_cast %scan3A_144 : i32 to index
        %get3A_193 = arith.constant 16 : index
        %get3A_194 = tpu.vector_load %arg12[%get3A_192, %get3A_193] {strides = array<i32>} : memref<128x64xf32, #tpu.memory_space<vmem>>, vector<16xf32>,
        %get3A_195 = arith.index_cast %scan3A_144 : i32 to index
        %get3A_196 = arith.constant 16 : index
        %get3A_197 = tpu.vector_load %arg13[%get3A_195, %get3A_196] {strides = array<i32>} : memref<128x64xf32, #tpu.memory_space<vmem>>, vector<16xf32>,
        %add3A_198 = arith.addf %get3A_194, %get3A_197 : vector<16xf32>
        %mul3A_199 = arith.mulf %add3A_198, %exp3A_191 : vector<16xf32>
        %swap3A_200 = arith.index_cast %scan3A_144 : i32 to index
        %swap3A_201 = arith.constant 16 : index
        %swap3A_202 = tpu.vector_load %arg14[%swap3A_200, %swap3A_201] {strides = array<i32>} : memref<128x64xf32, #tpu.memory_space<vmem>>, vector<16xf32>,
        tpu.vector_store %arg14[%swap3A_200, %swap3A_201], %mul3A_199 {strides = array<i32>} : memref<128x64xf32, #tpu.memory_space<vmem>>, vector<16xf32>,
        %eq3A_203 = arith.constant 1 : i32
        %eq3A_204 = vector.broadcast %eq3A_203 : i32 to vector<16xi32>
        %eq3A_205 = arith.cmpi eq, %iota3A, %eq3A_204 : vector<16xi32>
        %jit3A_206 = arith.constant 0.000000e+00 : f32
        %broadcast_in_dim3A_207 = vector.broadcast %jit3A_206 : f32 to vector<16xf32>
        %select_n3A_208 = arith.select %eq3A_205, %exp3A_191, %broadcast_in_dim3A_207 : vector<16xi1>, vector<16xf32>
        %add3A_209 = arith.addf %add3A_174, %select_n3A_208 : vector<16xf32>
        %get3A_210 = arith.index_cast %scan3A_144 : i32 to index
        %get3A_211 = arith.constant 32 : index
        %get3A_212 = tpu.vector_load %arg11[%get3A_210, %get3A_211] {strides = array<i32>} : memref<128x64xf32, #tpu.memory_space<vmem>>, vector<16xf32>,
        %get3A_213 = arith.index_cast %scan3A_144 : i32 to index
        %get3A_214 = arith.constant 32 : index
        %get3A_215 = tpu.vector_load %arg13[%get3A_213, %get3A_214] {strides = array<i32>} : memref<128x64xf32, #tpu.memory_space<vmem>>, vector<16xf32>,
        %add3A_216 = arith.addf %get3A_212, %get3A_215 : vector<16xf32>
        %get3A_217 = arith.index_cast %scan3A_144 : i32 to index
        %get3A_218 = arith.constant 32 : index
        %get3A_219 = tpu.vector_load %arg10[%get3A_217, %get3A_218] {strides = array<i32>} : memref<128x64xf32, #tpu.memory_space<vmem>>, vector<16xf32>,
        %mul3A_220 = arith.mulf %get3A_219, %add3A_216 : vector<16xf32>
        %reduce_sum3A_221 = arith.constant true
        %reduce_sum3A_222 = vector.broadcast %reduce_sum3A_221 : i1 to vector<16xi1>
        %reduce_sum3A_223 = tpu.scan <sum>, %mul3A_220 masked %reduce_sum3A_222 : vector<16xf32>, vector<16xi1> -> vector<16xf32>
        %reduce_sum3A_224 = vector.extract %reduce_sum3A_223[15] : f32 from vector<16xf32>
        %broadcast_in_dim3A_225 = vector.broadcast %reduce_sum3A_224 : f32 to vector<16xf32>
        %exp3A_226 = math.exp %broadcast_in_dim3A_225 : vector<16xf32>
        %get3A_227 = arith.index_cast %scan3A_144 : i32 to index
        %get3A_228 = arith.constant 32 : index
        %get3A_229 = tpu.vector_load %arg12[%get3A_227, %get3A_228] {strides = array<i32>} : memref<128x64xf32, #tpu.memory_space<vmem>>, vector<16xf32>,
        %get3A_230 = arith.index_cast %scan3A_144 : i32 to index
        %get3A_231 = arith.constant 32 : index
        %get3A_232 = tpu.vector_load %arg13[%get3A_230, %get3A_231] {strides = array<i32>} : memref<128x64xf32, #tpu.memory_space<vmem>>, vector<16xf32>,
        %add3A_233 = arith.addf %get3A_229, %get3A_232 : vector<16xf32>
        %mul3A_234 = arith.mulf %add3A_233, %exp3A_226 : vector<16xf32>
        %swap3A_235 = arith.index_cast %scan3A_144 : i32 to index
        %swap3A_236 = arith.constant 32 : index
        %swap3A_237 = tpu.vector_load %arg14[%swap3A_235, %swap3A_236] {strides = array<i32>} : memref<128x64xf32, #tpu.memory_space<vmem>>, vector<16xf32>,
        tpu.vector_store %arg14[%swap3A_235, %swap3A_236], %mul3A_234 {strides = array<i32>} : memref<128x64xf32, #tpu.memory_space<vmem>>, vector<16xf32>,
        %eq3A_238 = arith.constant 2 : i32
        %eq3A_239 = vector.broadcast %eq3A_238 : i32 to vector<16xi32>
        %eq3A_240 = arith.cmpi eq, %iota3A, %eq3A_239 : vector<16xi32>
        %jit3A_241 = arith.constant 0.000000e+00 : f32
        %broadcast_in_dim3A_242 = vector.broadcast %jit3A_241 : f32 to vector<16xf32>
        %select_n3A_243 = arith.select %eq3A_240, %exp3A_226, %broadcast_in_dim3A_242 : vector<16xi1>, vector<16xf32>
        %add3A_244 = arith.addf %add3A_209, %select_n3A_243 : vector<16xf32>
        %get3A_245 = arith.index_cast %scan3A_144 : i32 to index
        %get3A_246 = arith.constant 48 : index
        %get3A_247 = tpu.vector_load %arg11[%get3A_245, %get3A_246] {strides = array<i32>} : memref<128x64xf32, #tpu.memory_space<vmem>>, vector<16xf32>,
        %get3A_248 = arith.index_cast %scan3A_144 : i32 to index
        %get3A_249 = arith.constant 48 : index
        %get3A_250 = tpu.vector_load %arg13[%get3A_248, %get3A_249] {strides = array<i32>} : memref<128x64xf32, #tpu.memory_space<vmem>>, vector<16xf32>,
        %add3A_251 = arith.addf %get3A_247, %get3A_250 : vector<16xf32>
        %get3A_252 = arith.index_cast %scan3A_144 : i32 to index
        %get3A_253 = arith.constant 48 : index
        %get3A_254 = tpu.vector_load %arg10[%get3A_252, %get3A_253] {strides = array<i32>} : memref<128x64xf32, #tpu.memory_space<vmem>>, vector<16xf32>,
        %mul3A_255 = arith.mulf %get3A_254, %add3A_251 : vector<16xf32>
        %reduce_sum3A_256 = arith.constant true
        %reduce_sum3A_257 = vector.broadcast %reduce_sum3A_256 : i1 to vector<16xi1>
        %reduce_sum3A_258 = tpu.scan <sum>, %mul3A_255 masked %reduce_sum3A_257 : vector<16xf32>, vector<16xi1> -> vector<16xf32>
        %reduce_sum3A_259 = vector.extract %reduce_sum3A_258[15] : f32 from vector<16xf32>
        %broadcast_in_dim3A_260 = vector.broadcast %reduce_sum3A_259 : f32 to vector<16xf32>
        %exp3A_261 = math.exp %broadcast_in_dim3A_260 : vector<16xf32>
        %get3A_262 = arith.index_cast %scan3A_144 : i32 to index
        %get3A_263 = arith.constant 48 : index
        %get3A_264 = tpu.vector_load %arg12[%get3A_262, %get3A_263] {strides = array<i32>} : memref<128x64xf32, #tpu.memory_space<vmem>>, vector<16xf32>,
        %get3A_265 = arith.index_cast %scan3A_144 : i32 to index
        %get3A_266 = arith.constant 48 : index
        %get3A_267 = tpu.vector_load %arg13[%get3A_265, %get3A_266] {strides = array<i32>} : memref<128x64xf32, #tpu.memory_space<vmem>>, vector<16xf32>,
        %add3A_268 = arith.addf %get3A_264, %get3A_267 : vector<16xf32>
        %mul3A_269 = arith.mulf %add3A_268, %exp3A_261 : vector<16xf32>
        %swap3A_270 = arith.index_cast %scan3A_144 : i32 to index
        %swap3A_271 = arith.constant 48 : index
        %swap3A_272 = tpu.vector_load %arg14[%swap3A_270, %swap3A_271] {strides = array<i32>} : memref<128x64xf32, #tpu.memory_space<vmem>>, vector<16xf32>,
        tpu.vector_store %arg14[%swap3A_270, %swap3A_271], %mul3A_269 {strides = array<i32>} : memref<128x64xf32, #tpu.memory_space<vmem>>, vector<16xf32>,
        %eq3A_273 = arith.constant 3 : i32
        %eq3A_274 = vector.broadcast %eq3A_273 : i32 to vector<16xi32>
        %eq3A_275 = arith.cmpi eq, %iota3A, %eq3A_274 : vector<16xi32>
        %jit3A_276 = arith.constant 0.000000e+00 : f32
        %broadcast_in_dim3A_277 = vector.broadcast %jit3A_276 : f32 to vector<16xf32>
        %select_n3A_278 = arith.select %eq3A_275, %exp3A_261, %broadcast_in_dim3A_277 : vector<16xi1>, vector<16xf32>
        %add3A_279 = arith.addf %add3A_244, %select_n3A_278 : vector<16xf32>
        %swap3A_280 = arith.index_cast %scan3A_144 : i32 to index
        %swap3A_281 = arith.constant 0 : index
        %swap3A_282 = tpu.vector_load %arg15[%swap3A_280, %swap3A_281] {strides = array<i32>} : memref<128x16xf32, #tpu.memory_space<vmem>>, vector<16xf32>,
        tpu.vector_store %arg15[%swap3A_280, %swap3A_281], %add3A_279 {strides = array<i32>} : memref<128x16xf32, #tpu.memory_space<vmem>>, vector<16xf32>,
      }
      %scan3A_142 = arith.constant 128 : i32
      %run_scoped3A = arith.constant 0 : i32
      "tpu.region"() ({
        %run_scoped3A_144 = tpu.sem_alloc : memref<!tpu.dma_semaphore, #tpu.memory_space<semaphore_mem>>
        %dma_start3A_145 = arith.constant 0 : i32
        %dma_start3A_146 = tpu.memref_slice %arg17[%run_scoped3A, %dma_start3A_145] : memref<1x128xi32, #tpu.memory_space<vmem>> -> memref<1x128xi32, #tpu.memory_space<vmem>>
        %dma_start3A_147 = tpu.memref_squeeze %dma_start3A_146 : memref<1x128xi32, #tpu.memory_space<vmem>> -> memref<128xi32, #tpu.memory_space<vmem>>
        %dma_start3A_148 = arith.constant 0 : i32
        %dma_start3A_149 = arith.constant 0 : i32
        %dma_start3A_150 = tpu.memref_slice %arg18[%dma_start3A_148, %dma_start3A_149] : memref<10000x64xf32, #tpu.memory_space<vmem_shared>> -> memref<10000x64xf32, #tpu.memory_space<vmem_shared>>
        tpu.enqueue_indirect_dma source(%arg14 : memref<128x64xf32, #tpu.memory_space<vmem>>) target(%dma_start3A_150 : memref<10000x64xf32, #tpu.memory_space<vmem_shared>>) offsets(%dma_start3A_147 : memref<128xi32, #tpu.memory_space<vmem>>) semaphore(%run_scoped3A_144 : memref<!tpu.dma_semaphore, #tpu.memory_space<semaphore_mem>>) {add = true}
        %dma_wait3A_151 = arith.constant 0 : i32
        %dma_wait3A_152 = tpu.memref_slice %arg17[%run_scoped3A, %dma_wait3A_151] : memref<1x128xi32, #tpu.memory_space<vmem>> -> memref<1x128xi32, #tpu.memory_space<vmem>>
        %dma_wait3A_153 = tpu.memref_squeeze %dma_wait3A_152 : memref<1x128xi32, #tpu.memory_space<vmem>> -> memref<128xi32, #tpu.memory_space<vmem>>
        %dma_wait3A_154 = arith.constant 0 : i32
        %dma_wait3A_155 = arith.constant 0 : i32
        %dma_wait3A_156 = tpu.memref_slice %arg18[%dma_wait3A_154, %dma_wait3A_155] : memref<10000x64xf32, #tpu.memory_space<vmem_shared>> -> memref<10000x64xf32, #tpu.memory_space<vmem_shared>>
        tpu.wait_indirect_dma semaphore(%run_scoped3A_144 : memref<!tpu.dma_semaphore, #tpu.memory_space<semaphore_mem>>) src(%arg14 : memref<128x64xf32, #tpu.memory_space<vmem>>) dst(%dma_wait3A_156 : memref<10000x64xf32, #tpu.memory_space<vmem_shared>>)
        tpu.yield
      }) : () -> ()
      %run_scoped3A_143 = arith.constant 0 : i32
      "tpu.region"() ({
        %run_scoped3A_144 = tpu.sem_alloc : memref<!tpu.dma_semaphore, #tpu.memory_space<semaphore_mem>>
        %dma_start3A_145 = arith.constant 0 : i32
        %dma_start3A_146 = tpu.memref_slice %arg17[%run_scoped3A_143, %dma_start3A_145] : memref<1x128xi32, #tpu.memory_space<vmem>> -> memref<1x128xi32, #tpu.memory_space<vmem>>
        %dma_start3A_147 = tpu.memref_squeeze %dma_start3A_146 : memref<1x128xi32, #tpu.memory_space<vmem>> -> memref<128xi32, #tpu.memory_space<vmem>>
        %dma_start3A_148 = arith.constant 0 : i32
        %dma_start3A_149 = arith.constant 0 : i32
        %dma_start3A_150 = tpu.memref_slice %arg19[%dma_start3A_148, %dma_start3A_149] : memref<10000x16xf32, #tpu.memory_space<vmem_shared>> -> memref<10000x16xf32, #tpu.memory_space<vmem_shared>>
        tpu.enqueue_indirect_dma source(%arg15 : memref<128x16xf32, #tpu.memory_space<vmem>>) target(%dma_start3A_150 : memref<10000x16xf32, #tpu.memory_space<vmem_shared>>) offsets(%dma_start3A_147 : memref<128xi32, #tpu.memory_space<vmem>>) semaphore(%run_scoped3A_144 : memref<!tpu.dma_semaphore, #tpu.memory_space<semaphore_mem>>) {add = true}
        %dma_wait3A_151 = arith.constant 0 : i32
        %dma_wait3A_152 = tpu.memref_slice %arg17[%run_scoped3A_143, %dma_wait3A_151] : memref<1x128xi32, #tpu.memory_space<vmem>> -> memref<1x128xi32, #tpu.memory_space<vmem>>
        %dma_wait3A_153 = tpu.memref_squeeze %dma_wait3A_152 : memref<1x128xi32, #tpu.memory_space<vmem>> -> memref<128xi32, #tpu.memory_space<vmem>>
        %dma_wait3A_154 = arith.constant 0 : i32
        %dma_wait3A_155 = arith.constant 0 : i32
        %dma_wait3A_156 = tpu.memref_slice %arg19[%dma_wait3A_154, %dma_wait3A_155] : memref<10000x16xf32, #tpu.memory_space<vmem_shared>> -> memref<10000x16xf32, #tpu.memory_space<vmem_shared>>
        tpu.wait_indirect_dma semaphore(%run_scoped3A_144 : memref<!tpu.dma_semaphore, #tpu.memory_space<semaphore_mem>>) src(%arg15 : memref<128x16xf32, #tpu.memory_space<vmem>>) dst(%dma_wait3A_156 : memref<10000x16xf32, #tpu.memory_space<vmem_shared>>)
        tpu.yield
      }) : () -> ()
    }
    %while3A_33 = arith.constant 1 : i32
    scf.for %while3A_45 = %while3A_31 to %while3A_27 step %while3A_33  : i32 {
      %mul3A = arith.constant 16 : i32
      %mul3A_46 = arith.muli %while3A_45, %mul3A : i32
      %add3A = arith.addi %arg1, %mul3A_46 : i32
      %mul3A_47 = arith.constant 128 : i32
      %mul3A_48 = arith.muli %add3A, %mul3A_47 : i32
      %multiple_of3A = tpu.assume_multiple %mul3A_48, 128 : i32
      "tpu.region"() ({
        %run_scoped3A_144 = tpu.sem_alloc : memref<!tpu.dma_semaphore, #tpu.memory_space<semaphore_mem>>
        %dma_start3A_145 = arith.constant 0 : i32
        %dma_start3A_146 = tpu.memref_slice %arg6[%add3A, %dma_start3A_145] : memref<2500x128xi32, #tpu.memory_space<hbm>> -> memref<1x128xi32, #tpu.memory_space<hbm>>
        %dma_start3A_147 = arith.constant 0 : i32
        %dma_start3A_148 = tpu.memref_slice %arg6[%add3A, %dma_start3A_147] : memref<2500x128xi32, #tpu.memory_space<hbm>> -> memref<1x128xi32, #tpu.memory_space<hbm>>
        tpu.enqueue_dma source(%dma_start3A_148 : memref<1x128xi32, #tpu.memory_space<hbm>>) target(%arg16 : memref<1x128xi32, #tpu.memory_space<vmem>>) target_semaphore(%run_scoped3A_144 : memref<!tpu.dma_semaphore, #tpu.memory_space<semaphore_mem>>)
        %dma_wait3A_149 = arith.constant 0 : i32
        %dma_wait3A_150 = tpu.memref_slice %arg6[%add3A, %dma_wait3A_149] : memref<2500x128xi32, #tpu.memory_space<hbm>> -> memref<1x128xi32, #tpu.memory_space<hbm>>
        %dma_wait3A_151 = arith.constant 0 : i32
        %dma_wait3A_152 = tpu.memref_slice %arg6[%add3A, %dma_wait3A_151] : memref<2500x128xi32, #tpu.memory_space<hbm>> -> memref<1x128xi32, #tpu.memory_space<hbm>>
        tpu.wait_dma2 semaphore(%run_scoped3A_144 : memref<!tpu.dma_semaphore, #tpu.memory_space<semaphore_mem>>) src(%dma_wait3A_152 : memref<1x128xi32, #tpu.memory_space<hbm>>) dst(%arg16 : memref<1x128xi32, #tpu.memory_space<vmem>>)
        tpu.yield
      }) : () -> ()
      "tpu.region"() ({
        %run_scoped3A_144 = tpu.sem_alloc : memref<!tpu.dma_semaphore, #tpu.memory_space<semaphore_mem>>
        %dma_start3A_145 = arith.constant 0 : i32
        %dma_start3A_146 = tpu.memref_slice %arg7[%add3A, %dma_start3A_145] : memref<2500x128xi32, #tpu.memory_space<hbm>> -> memref<1x128xi32, #tpu.memory_space<hbm>>
        %dma_start3A_147 = arith.constant 0 : i32
        %dma_start3A_148 = tpu.memref_slice %arg7[%add3A, %dma_start3A_147] : memref<2500x128xi32, #tpu.memory_space<hbm>> -> memref<1x128xi32, #tpu.memory_space<hbm>>
        tpu.enqueue_dma source(%dma_start3A_148 : memref<1x128xi32, #tpu.memory_space<hbm>>) target(%arg17 : memref<1x128xi32, #tpu.memory_space<vmem>>) target_semaphore(%run_scoped3A_144 : memref<!tpu.dma_semaphore, #tpu.memory_space<semaphore_mem>>)
        %dma_wait3A_149 = arith.constant 0 : i32
        %dma_wait3A_150 = tpu.memref_slice %arg7[%add3A, %dma_wait3A_149] : memref<2500x128xi32, #tpu.memory_space<hbm>> -> memref<1x128xi32, #tpu.memory_space<hbm>>
        %dma_wait3A_151 = arith.constant 0 : i32
        %dma_wait3A_152 = tpu.memref_slice %arg7[%add3A, %dma_wait3A_151] : memref<2500x128xi32, #tpu.memory_space<hbm>> -> memref<1x128xi32, #tpu.memory_space<hbm>>
        tpu.wait_dma2 semaphore(%run_scoped3A_144 : memref<!tpu.dma_semaphore, #tpu.memory_space<semaphore_mem>>) src(%dma_wait3A_152 : memref<1x128xi32, #tpu.memory_space<hbm>>) dst(%arg17 : memref<1x128xi32, #tpu.memory_space<vmem>>)
        tpu.yield
      }) : () -> ()
      %dma_start3A = arith.constant 0 : i32
      %dma_start3A_49 = arith.constant 0 : i32
      %dma_start3A_50 = tpu.memref_slice %arg17[%dma_start3A, %dma_start3A_49] : memref<1x128xi32, #tpu.memory_space<vmem>> -> memref<1x128xi32, #tpu.memory_space<vmem>>
      %dma_start3A_51 = tpu.memref_squeeze %dma_start3A_50 : memref<1x128xi32, #tpu.memory_space<vmem>> -> memref<128xi32, #tpu.memory_space<vmem>>
      %dma_start3A_52 = arith.constant 0 : i32
      %dma_start3A_53 = arith.constant 0 : i32
      %dma_start3A_54 = tpu.memref_slice %arg2[%arg0, %dma_start3A_52, %dma_start3A_53] : memref<2x10000x64xf32, #tpu.memory_space<hbm>> -> memref<1x10000x64xf32, #tpu.memory_space<hbm>>
      %dma_start3A_55 = tpu.memref_squeeze %dma_start3A_54 : memref<1x10000x64xf32, #tpu.memory_space<hbm>> -> memref<10000x64xf32, #tpu.memory_space<hbm>>
      %dma_start3A_56 = arith.constant 0 : i32
      %dma_start3A_57 = arith.constant 0 : i32
      %dma_start3A_58 = tpu.memref_slice %dma_start3A_55[%dma_start3A_56, %dma_start3A_57] : memref<10000x64xf32, #tpu.memory_space<hbm>> -> memref<10000x64xf32, #tpu.memory_space<hbm>>
      tpu.enqueue_indirect_dma source(%dma_start3A_58 : memref<10000x64xf32, #tpu.memory_space<hbm>>) target(%arg10 : memref<128x64xf32, #tpu.memory_space<vmem>>) offsets(%dma_start3A_51 : memref<128xi32, #tpu.memory_space<vmem>>) semaphore(%arg20 : memref<!tpu.dma_semaphore, #tpu.memory_space<semaphore_mem>>)
      %dma_start3A_59 = arith.constant 0 : i32
      %dma_start3A_60 = arith.constant 0 : i32
      %dma_start3A_61 = tpu.memref_slice %arg16[%dma_start3A_59, %dma_start3A_60] : memref<1x128xi32, #tpu.memory_space<vmem>> -> memref<1x128xi32, #tpu.memory_space<vmem>>
      %dma_start3A_62 = tpu.memref_squeeze %dma_start3A_61 : memref<1x128xi32, #tpu.memory_space<vmem>> -> memref<128xi32, #tpu.memory_space<vmem>>
      %dma_start3A_63 = arith.constant 0 : i32
      %dma_start3A_64 = arith.constant 0 : i32
      %dma_start3A_65 = tpu.memref_slice %arg3[%arg0, %dma_start3A_63, %dma_start3A_64] : memref<2x10000x64xf32, #tpu.memory_space<hbm>> -> memref<1x10000x64xf32, #tpu.memory_space<hbm>>
      %dma_start3A_66 = tpu.memref_squeeze %dma_start3A_65 : memref<1x10000x64xf32, #tpu.memory_space<hbm>> -> memref<10000x64xf32, #tpu.memory_space<hbm>>
      %dma_start3A_67 = arith.constant 0 : i32
      %dma_start3A_68 = arith.constant 0 : i32
      %dma_start3A_69 = tpu.memref_slice %dma_start3A_66[%dma_start3A_67, %dma_start3A_68] : memref<10000x64xf32, #tpu.memory_space<hbm>> -> memref<10000x64xf32, #tpu.memory_space<hbm>>
      tpu.enqueue_indirect_dma source(%dma_start3A_69 : memref<10000x64xf32, #tpu.memory_space<hbm>>) target(%arg11 : memref<128x64xf32, #tpu.memory_space<vmem>>) offsets(%dma_start3A_62 : memref<128xi32, #tpu.memory_space<vmem>>) semaphore(%arg21 : memref<!tpu.dma_semaphore, #tpu.memory_space<semaphore_mem>>)
      %dma_start3A_70 = arith.constant 0 : i32
      %dma_start3A_71 = arith.constant 0 : i32
      %dma_start3A_72 = tpu.memref_slice %arg16[%dma_start3A_70, %dma_start3A_71] : memref<1x128xi32, #tpu.memory_space<vmem>> -> memref<1x128xi32, #tpu.memory_space<vmem>>
      %dma_start3A_73 = tpu.memref_squeeze %dma_start3A_72 : memref<1x128xi32, #tpu.memory_space<vmem>> -> memref<128xi32, #tpu.memory_space<vmem>>
      %dma_start3A_74 = arith.constant 0 : i32
      %dma_start3A_75 = arith.constant 0 : i32
      %dma_start3A_76 = tpu.memref_slice %arg4[%arg0, %dma_start3A_74, %dma_start3A_75] : memref<2x10000x64xf32, #tpu.memory_space<hbm>> -> memref<1x10000x64xf32, #tpu.memory_space<hbm>>
      %dma_start3A_77 = tpu.memref_squeeze %dma_start3A_76 : memref<1x10000x64xf32, #tpu.memory_space<hbm>> -> memref<10000x64xf32, #tpu.memory_space<hbm>>
      %dma_start3A_78 = arith.constant 0 : i32
      %dma_start3A_79 = arith.constant 0 : i32
      %dma_start3A_80 = tpu.memref_slice %dma_start3A_77[%dma_start3A_78, %dma_start3A_79] : memref<10000x64xf32, #tpu.memory_space<hbm>> -> memref<10000x64xf32, #tpu.memory_space<hbm>>
      tpu.enqueue_indirect_dma source(%dma_start3A_80 : memref<10000x64xf32, #tpu.memory_space<hbm>>) target(%arg12 : memref<128x64xf32, #tpu.memory_space<vmem>>) offsets(%dma_start3A_73 : memref<128xi32, #tpu.memory_space<vmem>>) semaphore(%arg22 : memref<!tpu.dma_semaphore, #tpu.memory_space<semaphore_mem>>)
      %dma_start3A_81 = arith.constant 0 : i32
      %dma_start3A_82 = arith.constant 0 : i32
      %dma_start3A_83 = tpu.memref_slice %arg5[%arg0, %dma_start3A_81, %dma_start3A_82] : memref<2x320000x64xf32, #tpu.memory_space<hbm>> -> memref<1x320000x64xf32, #tpu.memory_space<hbm>>
      %dma_start3A_84 = tpu.memref_squeeze %dma_start3A_83 : memref<1x320000x64xf32, #tpu.memory_space<hbm>> -> memref<320000x64xf32, #tpu.memory_space<hbm>>
      %dma_start3A_85 = arith.constant 0 : i32
      %dma_start3A_86 = tpu.memref_slice %dma_start3A_84[%multiple_of3A, %dma_start3A_85] : memref<320000x64xf32, #tpu.memory_space<hbm>> -> memref<128x64xf32, #tpu.memory_space<hbm>>
      %dma_start3A_87 = arith.constant 0 : i32
      %dma_start3A_88 = arith.constant 0 : i32
      %dma_start3A_89 = tpu.memref_slice %arg5[%arg0, %dma_start3A_87, %dma_start3A_88] : memref<2x320000x64xf32, #tpu.memory_space<hbm>> -> memref<1x320000x64xf32, #tpu.memory_space<hbm>>
      %dma_start3A_90 = tpu.memref_squeeze %dma_start3A_89 : memref<1x320000x64xf32, #tpu.memory_space<hbm>> -> memref<320000x64xf32, #tpu.memory_space<hbm>>
      %dma_start3A_91 = arith.constant 0 : i32
      %dma_start3A_92 = tpu.memref_slice %dma_start3A_90[%multiple_of3A, %dma_start3A_91] : memref<320000x64xf32, #tpu.memory_space<hbm>> -> memref<128x64xf32, #tpu.memory_space<hbm>>
      tpu.enqueue_dma source(%dma_start3A_92 : memref<128x64xf32, #tpu.memory_space<hbm>>) target(%arg13 : memref<128x64xf32, #tpu.memory_space<vmem>>) target_semaphore(%arg23 : memref<!tpu.dma_semaphore, #tpu.memory_space<semaphore_mem>>)
      %dma_wait3A = arith.constant 0 : i32
      %dma_wait3A_93 = arith.constant 0 : i32
      %dma_wait3A_94 = tpu.memref_slice %arg17[%dma_wait3A, %dma_wait3A_93] : memref<1x128xi32, #tpu.memory_space<vmem>> -> memref<1x128xi32, #tpu.memory_space<vmem>>
      %dma_wait3A_95 = tpu.memref_squeeze %dma_wait3A_94 : memref<1x128xi32, #tpu.memory_space<vmem>> -> memref<128xi32, #tpu.memory_space<vmem>>
      %dma_wait3A_96 = arith.constant 0 : i32
      %dma_wait3A_97 = arith.constant 0 : i32
      %dma_wait3A_98 = tpu.memref_slice %arg2[%arg0, %dma_wait3A_96, %dma_wait3A_97] : memref<2x10000x64xf32, #tpu.memory_space<hbm>> -> memref<1x10000x64xf32, #tpu.memory_space<hbm>>
      %dma_wait3A_99 = tpu.memref_squeeze %dma_wait3A_98 : memref<1x10000x64xf32, #tpu.memory_space<hbm>> -> memref<10000x64xf32, #tpu.memory_space<hbm>>
      %dma_wait3A_100 = arith.constant 0 : i32
      %dma_wait3A_101 = arith.constant 0 : i32
      %dma_wait3A_102 = tpu.memref_slice %dma_wait3A_99[%dma_wait3A_100, %dma_wait3A_101] : memref<10000x64xf32, #tpu.memory_space<hbm>> -> memref<10000x64xf32, #tpu.memory_space<hbm>>
      tpu.wait_indirect_dma semaphore(%arg20 : memref<!tpu.dma_semaphore, #tpu.memory_space<semaphore_mem>>) src(%dma_wait3A_102 : memref<10000x64xf32, #tpu.memory_space<hbm>>) dst(%arg10 : memref<128x64xf32, #tpu.memory_space<vmem>>)
      %dma_wait3A_103 = arith.constant 0 : i32
      %dma_wait3A_104 = arith.constant 0 : i32
      %dma_wait3A_105 = tpu.memref_slice %arg16[%dma_wait3A_103, %dma_wait3A_104] : memref<1x128xi32, #tpu.memory_space<vmem>> -> memref<1x128xi32, #tpu.memory_space<vmem>>
      %dma_wait3A_106 = tpu.memref_squeeze %dma_wait3A_105 : memref<1x128xi32, #tpu.memory_space<vmem>> -> memref<128xi32, #tpu.memory_space<vmem>>
      %dma_wait3A_107 = arith.constant 0 : i32
      %dma_wait3A_108 = arith.constant 0 : i32
      %dma_wait3A_109 = tpu.memref_slice %arg3[%arg0, %dma_wait3A_107, %dma_wait3A_108] : memref<2x10000x64xf32, #tpu.memory_space<hbm>> -> memref<1x10000x64xf32, #tpu.memory_space<hbm>>
      %dma_wait3A_110 = tpu.memref_squeeze %dma_wait3A_109 : memref<1x10000x64xf32, #tpu.memory_space<hbm>> -> memref<10000x64xf32, #tpu.memory_space<hbm>>
      %dma_wait3A_111 = arith.constant 0 : i32
      %dma_wait3A_112 = arith.constant 0 : i32
      %dma_wait3A_113 = tpu.memref_slice %dma_wait3A_110[%dma_wait3A_111, %dma_wait3A_112] : memref<10000x64xf32, #tpu.memory_space<hbm>> -> memref<10000x64xf32, #tpu.memory_space<hbm>>
      tpu.wait_indirect_dma semaphore(%arg21 : memref<!tpu.dma_semaphore, #tpu.memory_space<semaphore_mem>>) src(%dma_wait3A_113 : memref<10000x64xf32, #tpu.memory_space<hbm>>) dst(%arg11 : memref<128x64xf32, #tpu.memory_space<vmem>>)
      %dma_wait3A_114 = arith.constant 0 : i32
      %dma_wait3A_115 = arith.constant 0 : i32
      %dma_wait3A_116 = tpu.memref_slice %arg16[%dma_wait3A_114, %dma_wait3A_115] : memref<1x128xi32, #tpu.memory_space<vmem>> -> memref<1x128xi32, #tpu.memory_space<vmem>>
      %dma_wait3A_117 = tpu.memref_squeeze %dma_wait3A_116 : memref<1x128xi32, #tpu.memory_space<vmem>> -> memref<128xi32, #tpu.memory_space<vmem>>
      %dma_wait3A_118 = arith.constant 0 : i32
      %dma_wait3A_119 = arith.constant 0 : i32
      %dma_wait3A_120 = tpu.memref_slice %arg4[%arg0, %dma_wait3A_118, %dma_wait3A_119] : memref<2x10000x64xf32, #tpu.memory_space<hbm>> -> memref<1x10000x64xf32, #tpu.memory_space<hbm>>
      %dma_wait3A_121 = tpu.memref_squeeze %dma_wait3A_120 : memref<1x10000x64xf32, #tpu.memory_space<hbm>> -> memref<10000x64xf32, #tpu.memory_space<hbm>>
      %dma_wait3A_122 = arith.constant 0 : i32
      %dma_wait3A_123 = arith.constant 0 : i32
      %dma_wait3A_124 = tpu.memref_slice %dma_wait3A_121[%dma_wait3A_122, %dma_wait3A_123] : memref<10000x64xf32, #tpu.memory_space<hbm>> -> memref<10000x64xf32, #tpu.memory_space<hbm>>
      tpu.wait_indirect_dma semaphore(%arg22 : memref<!tpu.dma_semaphore, #tpu.memory_space<semaphore_mem>>) src(%dma_wait3A_124 : memref<10000x64xf32, #tpu.memory_space<hbm>>) dst(%arg12 : memref<128x64xf32, #tpu.memory_space<vmem>>)
      %dma_wait3A_125 = arith.constant 0 : i32
      %dma_wait3A_126 = arith.constant 0 : i32
      %dma_wait3A_127 = tpu.memref_slice %arg5[%arg0, %dma_wait3A_125, %dma_wait3A_126] : memref<2x320000x64xf32, #tpu.memory_space<hbm>> -> memref<1x320000x64xf32, #tpu.memory_space<hbm>>
      %dma_wait3A_128 = tpu.memref_squeeze %dma_wait3A_127 : memref<1x320000x64xf32, #tpu.memory_space<hbm>> -> memref<320000x64xf32, #tpu.memory_space<hbm>>
      %dma_wait3A_129 = arith.constant 0 : i32
      %dma_wait3A_130 = tpu.memref_slice %dma_wait3A_128[%multiple_of3A, %dma_wait3A_129] : memref<320000x64xf32, #tpu.memory_space<hbm>> -> memref<128x64xf32, #tpu.memory_space<hbm>>
      %dma_wait3A_131 = arith.constant 0 : i32
      %dma_wait3A_132 = arith.constant 0 : i32
      %dma_wait3A_133 = tpu.memref_slice %arg5[%arg0, %dma_wait3A_131, %dma_wait3A_132] : memref<2x320000x64xf32, #tpu.memory_space<hbm>> -> memref<1x320000x64xf32, #tpu.memory_space<hbm>>
      %dma_wait3A_134 = tpu.memref_squeeze %dma_wait3A_133 : memref<1x320000x64xf32, #tpu.memory_space<hbm>> -> memref<320000x64xf32, #tpu.memory_space<hbm>>
      %dma_wait3A_135 = arith.constant 0 : i32
      %dma_wait3A_136 = tpu.memref_slice %dma_wait3A_134[%multiple_of3A, %dma_wait3A_135] : memref<320000x64xf32, #tpu.memory_space<hbm>> -> memref<128x64xf32, #tpu.memory_space<hbm>>
      tpu.wait_dma2 semaphore(%arg23 : memref<!tpu.dma_semaphore, #tpu.memory_space<semaphore_mem>>) src(%dma_wait3A_136 : memref<128x64xf32, #tpu.memory_space<hbm>>) dst(%arg13 : memref<128x64xf32, #tpu.memory_space<vmem>>)
      %scan3A_137 = arith.constant 0 : i32
      %scan3A_138 = arith.constant 0 : i32
      %scan3A_139 = arith.constant 128 : i32
      %scan3A_140 = arith.addi %scan3A_138, %scan3A_139 : i32
      %scan3A_141 = arith.constant 1 : i32
      scf.for %scan3A_144 = %scan3A_138 to %scan3A_140 step %scan3A_141  : i32 {
        %get3A = arith.index_cast %scan3A_144 : i32 to index
        %get3A_145 = arith.constant 0 : index
        %get3A_146 = tpu.vector_load %arg11[%get3A, %get3A_145] {strides = array<i32>} : memref<128x64xf32, #tpu.memory_space<vmem>>, vector<16xf32>,
        %get3A_147 = arith.index_cast %scan3A_144 : i32 to index
        %get3A_148 = arith.constant 0 : index
        %get3A_149 = tpu.vector_load %arg13[%get3A_147, %get3A_148] {strides = array<i32>} : memref<128x64xf32, #tpu.memory_space<vmem>>, vector<16xf32>,
        %add3A_150 = arith.addf %get3A_146, %get3A_149 : vector<16xf32>
        %get3A_151 = arith.index_cast %scan3A_144 : i32 to index
        %get3A_152 = arith.constant 0 : index
        %get3A_153 = tpu.vector_load %arg10[%get3A_151, %get3A_152] {strides = array<i32>} : memref<128x64xf32, #tpu.memory_space<vmem>>, vector<16xf32>,
        %mul3A_154 = arith.mulf %get3A_153, %add3A_150 : vector<16xf32>
        %reduce_sum3A = arith.constant true
        %reduce_sum3A_155 = vector.broadcast %reduce_sum3A : i1 to vector<16xi1>
        %reduce_sum3A_156 = tpu.scan <sum>, %mul3A_154 masked %reduce_sum3A_155 : vector<16xf32>, vector<16xi1> -> vector<16xf32>
        %reduce_sum3A_157 = vector.extract %reduce_sum3A_156[15] : f32 from vector<16xf32>
        %broadcast_in_dim3A_158 = vector.broadcast %reduce_sum3A_157 : f32 to vector<16xf32>
        %exp3A = math.exp %broadcast_in_dim3A_158 : vector<16xf32>
        %get3A_159 = arith.index_cast %scan3A_144 : i32 to index
        %get3A_160 = arith.constant 0 : index
        %get3A_161 = tpu.vector_load %arg12[%get3A_159, %get3A_160] {strides = array<i32>} : memref<128x64xf32, #tpu.memory_space<vmem>>, vector<16xf32>,
        %get3A_162 = arith.index_cast %scan3A_144 : i32 to index
        %get3A_163 = arith.constant 0 : index
        %get3A_164 = tpu.vector_load %arg13[%get3A_162, %get3A_163] {strides = array<i32>} : memref<128x64xf32, #tpu.memory_space<vmem>>, vector<16xf32>,
        %add3A_165 = arith.addf %get3A_161, %get3A_164 : vector<16xf32>
        %mul3A_166 = arith.mulf %add3A_165, %exp3A : vector<16xf32>
        %swap3A = arith.index_cast %scan3A_144 : i32 to index
        %swap3A_167 = arith.constant 0 : index
        %swap3A_168 = tpu.vector_load %arg14[%swap3A, %swap3A_167] {strides = array<i32>} : memref<128x64xf32, #tpu.memory_space<vmem>>, vector<16xf32>,
        tpu.vector_store %arg14[%swap3A, %swap3A_167], %mul3A_166 {strides = array<i32>} : memref<128x64xf32, #tpu.memory_space<vmem>>, vector<16xf32>,
        %eq3A = arith.constant 0 : i32
        %eq3A_169 = vector.broadcast %eq3A : i32 to vector<16xi32>
        %eq3A_170 = arith.cmpi eq, %iota3A, %eq3A_169 : vector<16xi32>
        %jit3A_171 = arith.constant 0.000000e+00 : f32
        %broadcast_in_dim3A_172 = vector.broadcast %jit3A_171 : f32 to vector<16xf32>
        %select_n3A_173 = arith.select %eq3A_170, %exp3A, %broadcast_in_dim3A_172 : vector<16xi1>, vector<16xf32>
        %add3A_174 = arith.addf %broadcast_in_dim3A_18, %select_n3A_173 : vector<16xf32>
        %get3A_175 = arith.index_cast %scan3A_144 : i32 to index
        %get3A_176 = arith.constant 16 : index
        %get3A_177 = tpu.vector_load %arg11[%get3A_175, %get3A_176] {strides = array<i32>} : memref<128x64xf32, #tpu.memory_space<vmem>>, vector<16xf32>,
        %get3A_178 = arith.index_cast %scan3A_144 : i32 to index
        %get3A_179 = arith.constant 16 : index
        %get3A_180 = tpu.vector_load %arg13[%get3A_178, %get3A_179] {strides = array<i32>} : memref<128x64xf32, #tpu.memory_space<vmem>>, vector<16xf32>,
        %add3A_181 = arith.addf %get3A_177, %get3A_180 : vector<16xf32>
        %get3A_182 = arith.index_cast %scan3A_144 : i32 to index
        %get3A_183 = arith.constant 16 : index
        %get3A_184 = tpu.vector_load %arg10[%get3A_182, %get3A_183] {strides = array<i32>} : memref<128x64xf32, #tpu.memory_space<vmem>>, vector<16xf32>,
        %mul3A_185 = arith.mulf %get3A_184, %add3A_181 : vector<16xf32>
        %reduce_sum3A_186 = arith.constant true
        %reduce_sum3A_187 = vector.broadcast %reduce_sum3A_186 : i1 to vector<16xi1>
        %reduce_sum3A_188 = tpu.scan <sum>, %mul3A_185 masked %reduce_sum3A_187 : vector<16xf32>, vector<16xi1> -> vector<16xf32>
        %reduce_sum3A_189 = vector.extract %reduce_sum3A_188[15] : f32 from vector<16xf32>
        %broadcast_in_dim3A_190 = vector.broadcast %reduce_sum3A_189 : f32 to vector<16xf32>
        %exp3A_191 = math.exp %broadcast_in_dim3A_190 : vector<16xf32>
        %get3A_192 = arith.index_cast %scan3A_144 : i32 to index
        %get3A_193 = arith.constant 16 : index
        %get3A_194 = tpu.vector_load %arg12[%get3A_192, %get3A_193] {strides = array<i32>} : memref<128x64xf32, #tpu.memory_space<vmem>>, vector<16xf32>,
        %get3A_195 = arith.index_cast %scan3A_144 : i32 to index
        %get3A_196 = arith.constant 16 : index
        %get3A_197 = tpu.vector_load %arg13[%get3A_195, %get3A_196] {strides = array<i32>} : memref<128x64xf32, #tpu.memory_space<vmem>>, vector<16xf32>,
        %add3A_198 = arith.addf %get3A_194, %get3A_197 : vector<16xf32>
        %mul3A_199 = arith.mulf %add3A_198, %exp3A_191 : vector<16xf32>
        %swap3A_200 = arith.index_cast %scan3A_144 : i32 to index
        %swap3A_201 = arith.constant 16 : index
        %swap3A_202 = tpu.vector_load %arg14[%swap3A_200, %swap3A_201] {strides = array<i32>} : memref<128x64xf32, #tpu.memory_space<vmem>>, vector<16xf32>,
        tpu.vector_store %arg14[%swap3A_200, %swap3A_201], %mul3A_199 {strides = array<i32>} : memref<128x64xf32, #tpu.memory_space<vmem>>, vector<16xf32>,
        %eq3A_203 = arith.constant 1 : i32
        %eq3A_204 = vector.broadcast %eq3A_203 : i32 to vector<16xi32>
        %eq3A_205 = arith.cmpi eq, %iota3A, %eq3A_204 : vector<16xi32>
        %jit3A_206 = arith.constant 0.000000e+00 : f32
        %broadcast_in_dim3A_207 = vector.broadcast %jit3A_206 : f32 to vector<16xf32>
        %select_n3A_208 = arith.select %eq3A_205, %exp3A_191, %broadcast_in_dim3A_207 : vector<16xi1>, vector<16xf32>
        %add3A_209 = arith.addf %add3A_174, %select_n3A_208 : vector<16xf32>
        %get3A_210 = arith.index_cast %scan3A_144 : i32 to index
        %get3A_211 = arith.constant 32 : index
        %get3A_212 = tpu.vector_load %arg11[%get3A_210, %get3A_211] {strides = array<i32>} : memref<128x64xf32, #tpu.memory_space<vmem>>, vector<16xf32>,
        %get3A_213 = arith.index_cast %scan3A_144 : i32 to index
        %get3A_214 = arith.constant 32 : index
        %get3A_215 = tpu.vector_load %arg13[%get3A_213, %get3A_214] {strides = array<i32>} : memref<128x64xf32, #tpu.memory_space<vmem>>, vector<16xf32>,
        %add3A_216 = arith.addf %get3A_212, %get3A_215 : vector<16xf32>
        %get3A_217 = arith.index_cast %scan3A_144 : i32 to index
        %get3A_218 = arith.constant 32 : index
        %get3A_219 = tpu.vector_load %arg10[%get3A_217, %get3A_218] {strides = array<i32>} : memref<128x64xf32, #tpu.memory_space<vmem>>, vector<16xf32>,
        %mul3A_220 = arith.mulf %get3A_219, %add3A_216 : vector<16xf32>
        %reduce_sum3A_221 = arith.constant true
        %reduce_sum3A_222 = vector.broadcast %reduce_sum3A_221 : i1 to vector<16xi1>
        %reduce_sum3A_223 = tpu.scan <sum>, %mul3A_220 masked %reduce_sum3A_222 : vector<16xf32>, vector<16xi1> -> vector<16xf32>
        %reduce_sum3A_224 = vector.extract %reduce_sum3A_223[15] : f32 from vector<16xf32>
        %broadcast_in_dim3A_225 = vector.broadcast %reduce_sum3A_224 : f32 to vector<16xf32>
        %exp3A_226 = math.exp %broadcast_in_dim3A_225 : vector<16xf32>
        %get3A_227 = arith.index_cast %scan3A_144 : i32 to index
        %get3A_228 = arith.constant 32 : index
        %get3A_229 = tpu.vector_load %arg12[%get3A_227, %get3A_228] {strides = array<i32>} : memref<128x64xf32, #tpu.memory_space<vmem>>, vector<16xf32>,
        %get3A_230 = arith.index_cast %scan3A_144 : i32 to index
        %get3A_231 = arith.constant 32 : index
        %get3A_232 = tpu.vector_load %arg13[%get3A_230, %get3A_231] {strides = array<i32>} : memref<128x64xf32, #tpu.memory_space<vmem>>, vector<16xf32>,
        %add3A_233 = arith.addf %get3A_229, %get3A_232 : vector<16xf32>
        %mul3A_234 = arith.mulf %add3A_233, %exp3A_226 : vector<16xf32>
        %swap3A_235 = arith.index_cast %scan3A_144 : i32 to index
        %swap3A_236 = arith.constant 32 : index
        %swap3A_237 = tpu.vector_load %arg14[%swap3A_235, %swap3A_236] {strides = array<i32>} : memref<128x64xf32, #tpu.memory_space<vmem>>, vector<16xf32>,
        tpu.vector_store %arg14[%swap3A_235, %swap3A_236], %mul3A_234 {strides = array<i32>} : memref<128x64xf32, #tpu.memory_space<vmem>>, vector<16xf32>,
        %eq3A_238 = arith.constant 2 : i32
        %eq3A_239 = vector.broadcast %eq3A_238 : i32 to vector<16xi32>
        %eq3A_240 = arith.cmpi eq, %iota3A, %eq3A_239 : vector<16xi32>
        %jit3A_241 = arith.constant 0.000000e+00 : f32
        %broadcast_in_dim3A_242 = vector.broadcast %jit3A_241 : f32 to vector<16xf32>
        %select_n3A_243 = arith.select %eq3A_240, %exp3A_226, %broadcast_in_dim3A_242 : vector<16xi1>, vector<16xf32>
        %add3A_244 = arith.addf %add3A_209, %select_n3A_243 : vector<16xf32>
        %get3A_245 = arith.index_cast %scan3A_144 : i32 to index
        %get3A_246 = arith.constant 48 : index
        %get3A_247 = tpu.vector_load %arg11[%get3A_245, %get3A_246] {strides = array<i32>} : memref<128x64xf32, #tpu.memory_space<vmem>>, vector<16xf32>,
        %get3A_248 = arith.index_cast %scan3A_144 : i32 to index
        %get3A_249 = arith.constant 48 : index
        %get3A_250 = tpu.vector_load %arg13[%get3A_248, %get3A_249] {strides = array<i32>} : memref<128x64xf32, #tpu.memory_space<vmem>>, vector<16xf32>,
        %add3A_251 = arith.addf %get3A_247, %get3A_250 : vector<16xf32>
        %get3A_252 = arith.index_cast %scan3A_144 : i32 to index
        %get3A_253 = arith.constant 48 : index
        %get3A_254 = tpu.vector_load %arg10[%get3A_252, %get3A_253] {strides = array<i32>} : memref<128x64xf32, #tpu.memory_space<vmem>>, vector<16xf32>,
        %mul3A_255 = arith.mulf %get3A_254, %add3A_251 : vector<16xf32>
        %reduce_sum3A_256 = arith.constant true
        %reduce_sum3A_257 = vector.broadcast %reduce_sum3A_256 : i1 to vector<16xi1>
        %reduce_sum3A_258 = tpu.scan <sum>, %mul3A_255 masked %reduce_sum3A_257 : vector<16xf32>, vector<16xi1> -> vector<16xf32>
        %reduce_sum3A_259 = vector.extract %reduce_sum3A_258[15] : f32 from vector<16xf32>
        %broadcast_in_dim3A_260 = vector.broadcast %reduce_sum3A_259 : f32 to vector<16xf32>
        %exp3A_261 = math.exp %broadcast_in_dim3A_260 : vector<16xf32>
        %get3A_262 = arith.index_cast %scan3A_144 : i32 to index
        %get3A_263 = arith.constant 48 : index
        %get3A_264 = tpu.vector_load %arg12[%get3A_262, %get3A_263] {strides = array<i32>} : memref<128x64xf32, #tpu.memory_space<vmem>>, vector<16xf32>,
        %get3A_265 = arith.index_cast %scan3A_144 : i32 to index
        %get3A_266 = arith.constant 48 : index
        %get3A_267 = tpu.vector_load %arg13[%get3A_265, %get3A_266] {strides = array<i32>} : memref<128x64xf32, #tpu.memory_space<vmem>>, vector<16xf32>,
        %add3A_268 = arith.addf %get3A_264, %get3A_267 : vector<16xf32>
        %mul3A_269 = arith.mulf %add3A_268, %exp3A_261 : vector<16xf32>
        %swap3A_270 = arith.index_cast %scan3A_144 : i32 to index
        %swap3A_271 = arith.constant 48 : index
        %swap3A_272 = tpu.vector_load %arg14[%swap3A_270, %swap3A_271] {strides = array<i32>} : memref<128x64xf32, #tpu.memory_space<vmem>>, vector<16xf32>,
        tpu.vector_store %arg14[%swap3A_270, %swap3A_271], %mul3A_269 {strides = array<i32>} : memref<128x64xf32, #tpu.memory_space<vmem>>, vector<16xf32>,
        %eq3A_273 = arith.constant 3 : i32
        %eq3A_274 = vector.broadcast %eq3A_273 : i32 to vector<16xi32>
        %eq3A_275 = arith.cmpi eq, %iota3A, %eq3A_274 : vector<16xi32>
        %jit3A_276 = arith.constant 0.000000e+00 : f32
        %broadcast_in_dim3A_277 = vector.broadcast %jit3A_276 : f32 to vector<16xf32>
        %select_n3A_278 = arith.select %eq3A_275, %exp3A_261, %broadcast_in_dim3A_277 : vector<16xi1>, vector<16xf32>
        %add3A_279 = arith.addf %add3A_244, %select_n3A_278 : vector<16xf32>
        %swap3A_280 = arith.index_cast %scan3A_144 : i32 to index
        %swap3A_281 = arith.constant 0 : index
        %swap3A_282 = tpu.vector_load %arg15[%swap3A_280, %swap3A_281] {strides = array<i32>} : memref<128x16xf32, #tpu.memory_space<vmem>>, vector<16xf32>,
        tpu.vector_store %arg15[%swap3A_280, %swap3A_281], %add3A_279 {strides = array<i32>} : memref<128x16xf32, #tpu.memory_space<vmem>>, vector<16xf32>,
      }
      %scan3A_142 = arith.constant 128 : i32
      %run_scoped3A = arith.constant 0 : i32
      "tpu.region"() ({
        %run_scoped3A_144 = tpu.sem_alloc : memref<!tpu.dma_semaphore, #tpu.memory_space<semaphore_mem>>
        %dma_start3A_145 = arith.constant 0 : i32
        %dma_start3A_146 = tpu.memref_slice %arg17[%run_scoped3A, %dma_start3A_145] : memref<1x128xi32, #tpu.memory_space<vmem>> -> memref<1x128xi32, #tpu.memory_space<vmem>>
        %dma_start3A_147 = tpu.memref_squeeze %dma_start3A_146 : memref<1x128xi32, #tpu.memory_space<vmem>> -> memref<128xi32, #tpu.memory_space<vmem>>
        %dma_start3A_148 = arith.constant 0 : i32
        %dma_start3A_149 = arith.constant 0 : i32
        %dma_start3A_150 = tpu.memref_slice %arg18[%dma_start3A_148, %dma_start3A_149] : memref<10000x64xf32, #tpu.memory_space<vmem_shared>> -> memref<10000x64xf32, #tpu.memory_space<vmem_shared>>
        tpu.enqueue_indirect_dma source(%arg14 : memref<128x64xf32, #tpu.memory_space<vmem>>) target(%dma_start3A_150 : memref<10000x64xf32, #tpu.memory_space<vmem_shared>>) offsets(%dma_start3A_147 : memref<128xi32, #tpu.memory_space<vmem>>) semaphore(%run_scoped3A_144 : memref<!tpu.dma_semaphore, #tpu.memory_space<semaphore_mem>>) {add = true}
        %dma_wait3A_151 = arith.constant 0 : i32
        %dma_wait3A_152 = tpu.memref_slice %arg17[%run_scoped3A, %dma_wait3A_151] : memref<1x128xi32, #tpu.memory_space<vmem>> -> memref<1x128xi32, #tpu.memory_space<vmem>>
        %dma_wait3A_153 = tpu.memref_squeeze %dma_wait3A_152 : memref<1x128xi32, #tpu.memory_space<vmem>> -> memref<128xi32, #tpu.memory_space<vmem>>
        %dma_wait3A_154 = arith.constant 0 : i32
        %dma_wait3A_155 = arith.constant 0 : i32
        %dma_wait3A_156 = tpu.memref_slice %arg18[%dma_wait3A_154, %dma_wait3A_155] : memref<10000x64xf32, #tpu.memory_space<vmem_shared>> -> memref<10000x64xf32, #tpu.memory_space<vmem_shared>>
        tpu.wait_indirect_dma semaphore(%run_scoped3A_144 : memref<!tpu.dma_semaphore, #tpu.memory_space<semaphore_mem>>) src(%arg14 : memref<128x64xf32, #tpu.memory_space<vmem>>) dst(%dma_wait3A_156 : memref<10000x64xf32, #tpu.memory_space<vmem_shared>>)
        tpu.yield
      }) : () -> ()
      %run_scoped3A_143 = arith.constant 0 : i32
      "tpu.region"() ({
        %run_scoped3A_144 = tpu.sem_alloc : memref<!tpu.dma_semaphore, #tpu.memory_space<semaphore_mem>>
        %dma_start3A_145 = arith.constant 0 : i32
        %dma_start3A_146 = tpu.memref_slice %arg17[%run_scoped3A_143, %dma_start3A_145] : memref<1x128xi32, #tpu.memory_space<vmem>> -> memref<1x128xi32, #tpu.memory_space<vmem>>
        %dma_start3A_147 = tpu.memref_squeeze %dma_start3A_146 : memref<1x128xi32, #tpu.memory_space<vmem>> -> memref<128xi32, #tpu.memory_space<vmem>>
        %dma_start3A_148 = arith.constant 0 : i32
        %dma_start3A_149 = arith.constant 0 : i32
        %dma_start3A_150 = tpu.memref_slice %arg19[%dma_start3A_148, %dma_start3A_149] : memref<10000x16xf32, #tpu.memory_space<vmem_shared>> -> memref<10000x16xf32, #tpu.memory_space<vmem_shared>>
        tpu.enqueue_indirect_dma source(%arg15 : memref<128x16xf32, #tpu.memory_space<vmem>>) target(%dma_start3A_150 : memref<10000x16xf32, #tpu.memory_space<vmem_shared>>) offsets(%dma_start3A_147 : memref<128xi32, #tpu.memory_space<vmem>>) semaphore(%run_scoped3A_144 : memref<!tpu.dma_semaphore, #tpu.memory_space<semaphore_mem>>) {add = true}
        %dma_wait3A_151 = arith.constant 0 : i32
        %dma_wait3A_152 = tpu.memref_slice %arg17[%run_scoped3A_143, %dma_wait3A_151] : memref<1x128xi32, #tpu.memory_space<vmem>> -> memref<1x128xi32, #tpu.memory_space<vmem>>
        %dma_wait3A_153 = tpu.memref_squeeze %dma_wait3A_152 : memref<1x128xi32, #tpu.memory_space<vmem>> -> memref<128xi32, #tpu.memory_space<vmem>>
        %dma_wait3A_154 = arith.constant 0 : i32
        %dma_wait3A_155 = arith.constant 0 : i32
        %dma_wait3A_156 = tpu.memref_slice %arg19[%dma_wait3A_154, %dma_wait3A_155] : memref<10000x16xf32, #tpu.memory_space<vmem_shared>> -> memref<10000x16xf32, #tpu.memory_space<vmem_shared>>
        tpu.wait_indirect_dma semaphore(%run_scoped3A_144 : memref<!tpu.dma_semaphore, #tpu.memory_space<semaphore_mem>>) src(%arg15 : memref<128x16xf32, #tpu.memory_space<vmem>>) dst(%dma_wait3A_156 : memref<10000x16xf32, #tpu.memory_space<vmem_shared>>)
        tpu.yield
      }) : () -> ()
    }
    %barrier3A_34 = arith.constant 0 : index
    tpu.barrier barrier_id(%barrier3A_34)
    %while3A_35 = arith.constant 0 : i32
    %while3A_36 = arith.constant 0 : i32
    %while3A_37 = arith.subi %select_n3A, %while3A_36 : i32
    %while3A_38 = arith.addi %while3A_36, %while3A_37 : i32
    %while3A_39 = arith.constant 1 : i32
    %while3A_40 = arith.divsi %while3A_37, %while3A_39 : i32
    %while3A_41 = arith.muli %while3A_40, %while3A_39 : i32
    %while3A_42 = arith.addi %while3A_36, %while3A_41 : i32
    %while3A_43 = arith.constant 1 : i32
    scf.for %while3A_45 = %while3A_36 to %while3A_42 step %while3A_43  : i32 {
      %mul3A = arith.constant 16 : i32
      %mul3A_46 = arith.muli %while3A_45, %mul3A : i32
      %add3A = arith.addi %arg1, %mul3A_46 : i32
      %mul3A_47 = arith.constant 80 : i32
      %mul3A_48 = arith.muli %add3A, %mul3A_47 : i32
      %multiple_of3A = tpu.assume_multiple %mul3A_48, 80 : i32
      "tpu.region"() ({
        %run_scoped3A = tpu.sem_alloc : memref<!tpu.dma_semaphore, #tpu.memory_space<semaphore_mem>>
        %dma_start3A = arith.constant 0 : i32
        %dma_start3A_49 = tpu.memref_slice %arg8[%arg0, %multiple_of3A, %dma_start3A] : memref<2x10000x64xf32, #tpu.memory_space<hbm>> -> memref<1x80x64xf32, #tpu.memory_space<hbm>>
        %dma_start3A_50 = tpu.memref_squeeze %dma_start3A_49 : memref<1x80x64xf32, #tpu.memory_space<hbm>> -> memref<80x64xf32, #tpu.memory_space<hbm>>
        %dma_start3A_51 = arith.constant 0 : i32
        %dma_start3A_52 = tpu.memref_slice %arg18[%multiple_of3A, %dma_start3A_51] : memref<10000x64xf32, #tpu.memory_space<vmem_shared>> -> memref<80x64xf32, #tpu.memory_space<vmem_shared>>
        tpu.enqueue_dma source(%dma_start3A_52 : memref<80x64xf32, #tpu.memory_space<vmem_shared>>) target(%dma_start3A_50 : memref<80x64xf32, #tpu.memory_space<hbm>>) target_semaphore(%run_scoped3A : memref<!tpu.dma_semaphore, #tpu.memory_space<semaphore_mem>>)
        %dma_wait3A = arith.constant 0 : i32
        %dma_wait3A_53 = tpu.memref_slice %arg8[%arg0, %multiple_of3A, %dma_wait3A] : memref<2x10000x64xf32, #tpu.memory_space<hbm>> -> memref<1x80x64xf32, #tpu.memory_space<hbm>>
        %dma_wait3A_54 = tpu.memref_squeeze %dma_wait3A_53 : memref<1x80x64xf32, #tpu.memory_space<hbm>> -> memref<80x64xf32, #tpu.memory_space<hbm>>
        %dma_wait3A_55 = arith.constant 0 : i32
        %dma_wait3A_56 = tpu.memref_slice %arg18[%multiple_of3A, %dma_wait3A_55] : memref<10000x64xf32, #tpu.memory_space<vmem_shared>> -> memref<80x64xf32, #tpu.memory_space<vmem_shared>>
        tpu.wait_dma2 semaphore(%run_scoped3A : memref<!tpu.dma_semaphore, #tpu.memory_space<semaphore_mem>>) src(%dma_wait3A_56 : memref<80x64xf32, #tpu.memory_space<vmem_shared>>) dst(%dma_wait3A_54 : memref<80x64xf32, #tpu.memory_space<hbm>>)
        tpu.yield
      }) : () -> ()
      "tpu.region"() ({
        %run_scoped3A = tpu.sem_alloc : memref<!tpu.dma_semaphore, #tpu.memory_space<semaphore_mem>>
        %dma_start3A = arith.constant 0 : i32
        %dma_start3A_49 = tpu.memref_slice %arg9[%arg0, %multiple_of3A, %dma_start3A] : memref<2x10000x16xf32, #tpu.memory_space<hbm>> -> memref<1x80x16xf32, #tpu.memory_space<hbm>>
        %dma_start3A_50 = tpu.memref_squeeze %dma_start3A_49 : memref<1x80x16xf32, #tpu.memory_space<hbm>> -> memref<80x16xf32, #tpu.memory_space<hbm>>
        %dma_start3A_51 = arith.constant 0 : i32
        %dma_start3A_52 = tpu.memref_slice %arg19[%multiple_of3A, %dma_start3A_51] : memref<10000x16xf32, #tpu.memory_space<vmem_shared>> -> memref<80x16xf32, #tpu.memory_space<vmem_shared>>
        tpu.enqueue_dma source(%dma_start3A_52 : memref<80x16xf32, #tpu.memory_space<vmem_shared>>) target(%dma_start3A_50 : memref<80x16xf32, #tpu.memory_space<hbm>>) target_semaphore(%run_scoped3A : memref<!tpu.dma_semaphore, #tpu.memory_space<semaphore_mem>>)
        %dma_wait3A = arith.constant 0 : i32
        %dma_wait3A_53 = tpu.memref_slice %arg9[%arg0, %multiple_of3A, %dma_wait3A] : memref<2x10000x16xf32, #tpu.memory_space<hbm>> -> memref<1x80x16xf32, #tpu.memory_space<hbm>>
        %dma_wait3A_54 = tpu.memref_squeeze %dma_wait3A_53 : memref<1x80x16xf32, #tpu.memory_space<hbm>> -> memref<80x16xf32, #tpu.memory_space<hbm>>
        %dma_wait3A_55 = arith.constant 0 : i32
        %dma_wait3A_56 = tpu.memref_slice %arg19[%multiple_of3A, %dma_wait3A_55] : memref<10000x16xf32, #tpu.memory_space<vmem_shared>> -> memref<80x16xf32, #tpu.memory_space<vmem_shared>>
        tpu.wait_dma2 semaphore(%run_scoped3A : memref<!tpu.dma_semaphore, #tpu.memory_space<semaphore_mem>>) src(%dma_wait3A_56 : memref<80x16xf32, #tpu.memory_space<vmem_shared>>) dst(%dma_wait3A_54 : memref<80x16xf32, #tpu.memory_space<hbm>>)
        tpu.yield
      }) : () -> ()
    }
    %while3A_44 = arith.constant 1 : i32
    scf.for %while3A_45 = %while3A_42 to %while3A_38 step %while3A_44  : i32 {
      %mul3A = arith.constant 16 : i32
      %mul3A_46 = arith.muli %while3A_45, %mul3A : i32
      %add3A = arith.addi %arg1, %mul3A_46 : i32
      %mul3A_47 = arith.constant 80 : i32
      %mul3A_48 = arith.muli %add3A, %mul3A_47 : i32
      %multiple_of3A = tpu.assume_multiple %mul3A_48, 80 : i32
      "tpu.region"() ({
        %run_scoped3A = tpu.sem_alloc : memref<!tpu.dma_semaphore, #tpu.memory_space<semaphore_mem>>
        %dma_start3A = arith.constant 0 : i32
        %dma_start3A_49 = tpu.memref_slice %arg8[%arg0, %multiple_of3A, %dma_start3A] : memref<2x10000x64xf32, #tpu.memory_space<hbm>> -> memref<1x80x64xf32, #tpu.memory_space<hbm>>
        %dma_start3A_50 = tpu.memref_squeeze %dma_start3A_49 : memref<1x80x64xf32, #tpu.memory_space<hbm>> -> memref<80x64xf32, #tpu.memory_space<hbm>>
        %dma_start3A_51 = arith.constant 0 : i32
        %dma_start3A_52 = tpu.memref_slice %arg18[%multiple_of3A, %dma_start3A_51] : memref<10000x64xf32, #tpu.memory_space<vmem_shared>> -> memref<80x64xf32, #tpu.memory_space<vmem_shared>>
        tpu.enqueue_dma source(%dma_start3A_52 : memref<80x64xf32, #tpu.memory_space<vmem_shared>>) target(%dma_start3A_50 : memref<80x64xf32, #tpu.memory_space<hbm>>) target_semaphore(%run_scoped3A : memref<!tpu.dma_semaphore, #tpu.memory_space<semaphore_mem>>)
        %dma_wait3A = arith.constant 0 : i32
        %dma_wait3A_53 = tpu.memref_slice %arg8[%arg0, %multiple_of3A, %dma_wait3A] : memref<2x10000x64xf32, #tpu.memory_space<hbm>> -> memref<1x80x64xf32, #tpu.memory_space<hbm>>
        %dma_wait3A_54 = tpu.memref_squeeze %dma_wait3A_53 : memref<1x80x64xf32, #tpu.memory_space<hbm>> -> memref<80x64xf32, #tpu.memory_space<hbm>>
        %dma_wait3A_55 = arith.constant 0 : i32
        %dma_wait3A_56 = tpu.memref_slice %arg18[%multiple_of3A, %dma_wait3A_55] : memref<10000x64xf32, #tpu.memory_space<vmem_shared>> -> memref<80x64xf32, #tpu.memory_space<vmem_shared>>
        tpu.wait_dma2 semaphore(%run_scoped3A : memref<!tpu.dma_semaphore, #tpu.memory_space<semaphore_mem>>) src(%dma_wait3A_56 : memref<80x64xf32, #tpu.memory_space<vmem_shared>>) dst(%dma_wait3A_54 : memref<80x64xf32, #tpu.memory_space<hbm>>)
        tpu.yield
      }) : () -> ()
      "tpu.region"() ({
        %run_scoped3A = tpu.sem_alloc : memref<!tpu.dma_semaphore, #tpu.memory_space<semaphore_mem>>
        %dma_start3A = arith.constant 0 : i32
        %dma_start3A_49 = tpu.memref_slice %arg9[%arg0, %multiple_of3A, %dma_start3A] : memref<2x10000x16xf32, #tpu.memory_space<hbm>> -> memref<1x80x16xf32, #tpu.memory_space<hbm>>
        %dma_start3A_50 = tpu.memref_squeeze %dma_start3A_49 : memref<1x80x16xf32, #tpu.memory_space<hbm>> -> memref<80x16xf32, #tpu.memory_space<hbm>>
        %dma_start3A_51 = arith.constant 0 : i32
        %dma_start3A_52 = tpu.memref_slice %arg19[%multiple_of3A, %dma_start3A_51] : memref<10000x16xf32, #tpu.memory_space<vmem_shared>> -> memref<80x16xf32, #tpu.memory_space<vmem_shared>>
        tpu.enqueue_dma source(%dma_start3A_52 : memref<80x16xf32, #tpu.memory_space<vmem_shared>>) target(%dma_start3A_50 : memref<80x16xf32, #tpu.memory_space<hbm>>) target_semaphore(%run_scoped3A : memref<!tpu.dma_semaphore, #tpu.memory_space<semaphore_mem>>)
        %dma_wait3A = arith.constant 0 : i32
        %dma_wait3A_53 = tpu.memref_slice %arg9[%arg0, %multiple_of3A, %dma_wait3A] : memref<2x10000x16xf32, #tpu.memory_space<hbm>> -> memref<1x80x16xf32, #tpu.memory_space<hbm>>
        %dma_wait3A_54 = tpu.memref_squeeze %dma_wait3A_53 : memref<1x80x16xf32, #tpu.memory_space<hbm>> -> memref<80x16xf32, #tpu.memory_space<hbm>>
        %dma_wait3A_55 = arith.constant 0 : i32
        %dma_wait3A_56 = tpu.memref_slice %arg19[%multiple_of3A, %dma_wait3A_55] : memref<10000x16xf32, #tpu.memory_space<vmem_shared>> -> memref<80x16xf32, #tpu.memory_space<vmem_shared>>
        tpu.wait_dma2 semaphore(%run_scoped3A : memref<!tpu.dma_semaphore, #tpu.memory_space<semaphore_mem>>) src(%dma_wait3A_56 : memref<80x16xf32, #tpu.memory_space<vmem_shared>>) dst(%dma_wait3A_54 : memref<80x16xf32, #tpu.memory_space<hbm>>)
        tpu.yield
      }) : () -> ()
    }
    return
  }
}

#map = affine_map<(d0, d1) -> (0, 0)>
#map1 = affine_map<(d0, d1) -> (0, 0, 0)>
module attributes {stable_mosaic.version = 14 : i64} {
  func.func @sc_edge_l2(%arg0: i32, %arg1: i32, %arg2: memref<10000x128xf32, #tpu.memory_space<hbm>>, %arg3: memref<10000x128xf32, #tpu.memory_space<hbm>>, %arg4: memref<2x10000x64xf32, #tpu.memory_space<hbm>>, %arg5: memref<320000x128xf32, #tpu.memory_space<hbm>>, %arg6: memref<2x320000x64xf32, #tpu.memory_space<hbm>>, %arg7: memref<2500x128xi32, #tpu.memory_space<hbm>>, %arg8: memref<2500x128xi32, #tpu.memory_space<hbm>>, %arg9: memref<2x10000x64xf32, #tpu.memory_space<hbm>>, %arg10: memref<2x10000x16xf32, #tpu.memory_space<hbm>>, %arg11: memref<128x128xf32, #tpu.memory_space<vmem>>, %arg12: memref<128x128xf32, #tpu.memory_space<vmem>>, %arg13: memref<128x64xf32, #tpu.memory_space<vmem>>, %arg14: memref<128x128xf32, #tpu.memory_space<vmem>>, %arg15: memref<128x64xf32, #tpu.memory_space<vmem>>, %arg16: memref<128x64xf32, #tpu.memory_space<vmem>>, %arg17: memref<128x16xf32, #tpu.memory_space<vmem>>, %arg18: memref<1x128xi32, #tpu.memory_space<vmem>>, %arg19: memref<1x128xi32, #tpu.memory_space<vmem>>, %arg20: memref<10000x64xf32, #tpu.memory_space<vmem_shared>>, %arg21: memref<10000x16xf32, #tpu.memory_space<vmem_shared>>, %arg22: memref<!tpu.dma_semaphore, #tpu.memory_space<semaphore_mem>>, %arg23: memref<!tpu.dma_semaphore, #tpu.memory_space<semaphore_mem>>, %arg24: memref<!tpu.dma_semaphore, #tpu.memory_space<semaphore_mem>>, %arg25: memref<!tpu.dma_semaphore, #tpu.memory_space<semaphore_mem>>, %arg26: memref<!tpu.dma_semaphore, #tpu.memory_space<semaphore_mem>>) attributes {dimension_semantics = [#tpu.dimension_semantics<core_parallel>, #tpu.dimension_semantics<subcore_parallel>], iteration_bounds = array<i64: 2, 16>, scalar_prefetch = 0 : i64, scratch_operands = 16 : i64, tpu.core_type = #tpu.core_type<sc_vector_subcore>, window_params = [{transform_indices = #map}, {transform_indices = #map}, {transform_indices = #map1}, {transform_indices = #map}, {transform_indices = #map1}, {transform_indices = #map}, {transform_indices = #map}, {transform_indices = #map1}, {transform_indices = #map1}]} {
    %broadcast_in_dim3A = arith.constant 0.000000e+00 : f32
    %broadcast_in_dim3A_0 = vector.broadcast %broadcast_in_dim3A : f32 to vector<16xf32>
    %scan3A = arith.constant 0 : i32
    %scan3A_1 = arith.constant 0 : i32
    %scan3A_2 = arith.constant 128 : i32
    %scan3A_3 = arith.addi %scan3A_1, %scan3A_2 : i32
    %scan3A_4 = arith.constant 1 : i32
    scf.for %scan3A_45 = %scan3A_1 to %scan3A_3 step %scan3A_4  : i32 {
      %swap3A = arith.index_cast %scan3A_45 : i32 to index
      %swap3A_46 = arith.constant 0 : index
      %swap3A_47 = tpu.vector_load %arg16[%swap3A, %swap3A_46] {strides = array<i32>} : memref<128x64xf32, #tpu.memory_space<vmem>>, vector<16xf32>,
      tpu.vector_store %arg16[%swap3A, %swap3A_46], %broadcast_in_dim3A_0 {strides = array<i32>} : memref<128x64xf32, #tpu.memory_space<vmem>>, vector<16xf32>,
      %swap3A_48 = arith.index_cast %scan3A_45 : i32 to index
      %swap3A_49 = arith.constant 16 : index
      %swap3A_50 = tpu.vector_load %arg16[%swap3A_48, %swap3A_49] {strides = array<i32>} : memref<128x64xf32, #tpu.memory_space<vmem>>, vector<16xf32>,
      tpu.vector_store %arg16[%swap3A_48, %swap3A_49], %broadcast_in_dim3A_0 {strides = array<i32>} : memref<128x64xf32, #tpu.memory_space<vmem>>, vector<16xf32>,
      %swap3A_51 = arith.index_cast %scan3A_45 : i32 to index
      %swap3A_52 = arith.constant 32 : index
      %swap3A_53 = tpu.vector_load %arg16[%swap3A_51, %swap3A_52] {strides = array<i32>} : memref<128x64xf32, #tpu.memory_space<vmem>>, vector<16xf32>,
      tpu.vector_store %arg16[%swap3A_51, %swap3A_52], %broadcast_in_dim3A_0 {strides = array<i32>} : memref<128x64xf32, #tpu.memory_space<vmem>>, vector<16xf32>,
      %swap3A_54 = arith.index_cast %scan3A_45 : i32 to index
      %swap3A_55 = arith.constant 48 : index
      %swap3A_56 = tpu.vector_load %arg16[%swap3A_54, %swap3A_55] {strides = array<i32>} : memref<128x64xf32, #tpu.memory_space<vmem>>, vector<16xf32>,
      tpu.vector_store %arg16[%swap3A_54, %swap3A_55], %broadcast_in_dim3A_0 {strides = array<i32>} : memref<128x64xf32, #tpu.memory_space<vmem>>, vector<16xf32>,
      %swap3A_57 = arith.index_cast %scan3A_45 : i32 to index
      %swap3A_58 = arith.constant 0 : index
      %swap3A_59 = tpu.vector_load %arg17[%swap3A_57, %swap3A_58] {strides = array<i32>} : memref<128x16xf32, #tpu.memory_space<vmem>>, vector<16xf32>,
      tpu.vector_store %arg17[%swap3A_57, %swap3A_58], %broadcast_in_dim3A_0 {strides = array<i32>} : memref<128x16xf32, #tpu.memory_space<vmem>>, vector<16xf32>,
    }
    %scan3A_5 = arith.constant 128 : i32
    %lt3A = arith.constant 13 : i32
    %lt3A_6 = arith.cmpi slt, %arg1, %lt3A : i32
    %jit3A = arith.constant 8 : i32
    %jit3A_7 = arith.constant 7 : i32
    %select_n3A = arith.select %lt3A_6, %jit3A, %jit3A_7 : i32
    %while3A = arith.constant 0 : i32
    %while3A_8 = arith.constant 0 : i32
    %while3A_9 = arith.subi %select_n3A, %while3A_8 : i32
    %while3A_10 = arith.addi %while3A_8, %while3A_9 : i32
    %while3A_11 = arith.constant 1 : i32
    %while3A_12 = arith.divsi %while3A_9, %while3A_11 : i32
    %while3A_13 = arith.muli %while3A_12, %while3A_11 : i32
    %while3A_14 = arith.addi %while3A_8, %while3A_13 : i32
    %while3A_15 = arith.constant 1 : i32
    scf.for %while3A_45 = %while3A_8 to %while3A_14 step %while3A_15  : i32 {
      %mul3A = arith.constant 16 : i32
      %mul3A_46 = arith.muli %while3A_45, %mul3A : i32
      %add3A = arith.addi %arg1, %mul3A_46 : i32
      %mul3A_47 = arith.constant 80 : i32
      %mul3A_48 = arith.muli %add3A, %mul3A_47 : i32
      %multiple_of3A = tpu.assume_multiple %mul3A_48, 80 : i32
      "tpu.region"() ({
        %run_scoped3A = tpu.sem_alloc : memref<!tpu.dma_semaphore, #tpu.memory_space<semaphore_mem>>
        %dma_start3A = arith.constant 0 : i32
        %dma_start3A_49 = arith.constant 0 : i32
        %dma_start3A_50 = tpu.memref_slice %arg16[%dma_start3A, %dma_start3A_49] : memref<128x64xf32, #tpu.memory_space<vmem>> -> memref<80x64xf32, #tpu.memory_space<vmem>>
        %dma_start3A_51 = arith.constant 0 : i32
        %dma_start3A_52 = tpu.memref_slice %arg20[%multiple_of3A, %dma_start3A_51] : memref<10000x64xf32, #tpu.memory_space<vmem_shared>> -> memref<80x64xf32, #tpu.memory_space<vmem_shared>>
        %dma_start3A_53 = arith.constant 0 : i32
        %dma_start3A_54 = tpu.memref_slice %arg20[%multiple_of3A, %dma_start3A_53] : memref<10000x64xf32, #tpu.memory_space<vmem_shared>> -> memref<80x64xf32, #tpu.memory_space<vmem_shared>>
        %dma_start3A_55 = arith.constant 0 : i32
        %dma_start3A_56 = arith.constant 0 : i32
        %dma_start3A_57 = tpu.memref_slice %arg16[%dma_start3A_55, %dma_start3A_56] : memref<128x64xf32, #tpu.memory_space<vmem>> -> memref<80x64xf32, #tpu.memory_space<vmem>>
        tpu.enqueue_dma source(%dma_start3A_57 : memref<80x64xf32, #tpu.memory_space<vmem>>) target(%dma_start3A_54 : memref<80x64xf32, #tpu.memory_space<vmem_shared>>) target_semaphore(%run_scoped3A : memref<!tpu.dma_semaphore, #tpu.memory_space<semaphore_mem>>)
        %dma_wait3A = arith.constant 0 : i32
        %dma_wait3A_58 = arith.constant 0 : i32
        %dma_wait3A_59 = tpu.memref_slice %arg16[%dma_wait3A, %dma_wait3A_58] : memref<128x64xf32, #tpu.memory_space<vmem>> -> memref<80x64xf32, #tpu.memory_space<vmem>>
        %dma_wait3A_60 = arith.constant 0 : i32
        %dma_wait3A_61 = tpu.memref_slice %arg20[%multiple_of3A, %dma_wait3A_60] : memref<10000x64xf32, #tpu.memory_space<vmem_shared>> -> memref<80x64xf32, #tpu.memory_space<vmem_shared>>
        %dma_wait3A_62 = arith.constant 0 : i32
        %dma_wait3A_63 = tpu.memref_slice %arg20[%multiple_of3A, %dma_wait3A_62] : memref<10000x64xf32, #tpu.memory_space<vmem_shared>> -> memref<80x64xf32, #tpu.memory_space<vmem_shared>>
        %dma_wait3A_64 = arith.constant 0 : i32
        %dma_wait3A_65 = arith.constant 0 : i32
        %dma_wait3A_66 = tpu.memref_slice %arg16[%dma_wait3A_64, %dma_wait3A_65] : memref<128x64xf32, #tpu.memory_space<vmem>> -> memref<80x64xf32, #tpu.memory_space<vmem>>
        tpu.wait_dma2 semaphore(%run_scoped3A : memref<!tpu.dma_semaphore, #tpu.memory_space<semaphore_mem>>) src(%dma_wait3A_66 : memref<80x64xf32, #tpu.memory_space<vmem>>) dst(%dma_wait3A_63 : memref<80x64xf32, #tpu.memory_space<vmem_shared>>)
        tpu.yield
      }) : () -> ()
      "tpu.region"() ({
        %run_scoped3A = tpu.sem_alloc : memref<!tpu.dma_semaphore, #tpu.memory_space<semaphore_mem>>
        %dma_start3A = arith.constant 0 : i32
        %dma_start3A_49 = arith.constant 0 : i32
        %dma_start3A_50 = tpu.memref_slice %arg17[%dma_start3A, %dma_start3A_49] : memref<128x16xf32, #tpu.memory_space<vmem>> -> memref<80x16xf32, #tpu.memory_space<vmem>>
        %dma_start3A_51 = arith.constant 0 : i32
        %dma_start3A_52 = tpu.memref_slice %arg21[%multiple_of3A, %dma_start3A_51] : memref<10000x16xf32, #tpu.memory_space<vmem_shared>> -> memref<80x16xf32, #tpu.memory_space<vmem_shared>>
        %dma_start3A_53 = arith.constant 0 : i32
        %dma_start3A_54 = tpu.memref_slice %arg21[%multiple_of3A, %dma_start3A_53] : memref<10000x16xf32, #tpu.memory_space<vmem_shared>> -> memref<80x16xf32, #tpu.memory_space<vmem_shared>>
        %dma_start3A_55 = arith.constant 0 : i32
        %dma_start3A_56 = arith.constant 0 : i32
        %dma_start3A_57 = tpu.memref_slice %arg17[%dma_start3A_55, %dma_start3A_56] : memref<128x16xf32, #tpu.memory_space<vmem>> -> memref<80x16xf32, #tpu.memory_space<vmem>>
        tpu.enqueue_dma source(%dma_start3A_57 : memref<80x16xf32, #tpu.memory_space<vmem>>) target(%dma_start3A_54 : memref<80x16xf32, #tpu.memory_space<vmem_shared>>) target_semaphore(%run_scoped3A : memref<!tpu.dma_semaphore, #tpu.memory_space<semaphore_mem>>)
        %dma_wait3A = arith.constant 0 : i32
        %dma_wait3A_58 = arith.constant 0 : i32
        %dma_wait3A_59 = tpu.memref_slice %arg17[%dma_wait3A, %dma_wait3A_58] : memref<128x16xf32, #tpu.memory_space<vmem>> -> memref<80x16xf32, #tpu.memory_space<vmem>>
        %dma_wait3A_60 = arith.constant 0 : i32
        %dma_wait3A_61 = tpu.memref_slice %arg21[%multiple_of3A, %dma_wait3A_60] : memref<10000x16xf32, #tpu.memory_space<vmem_shared>> -> memref<80x16xf32, #tpu.memory_space<vmem_shared>>
        %dma_wait3A_62 = arith.constant 0 : i32
        %dma_wait3A_63 = tpu.memref_slice %arg21[%multiple_of3A, %dma_wait3A_62] : memref<10000x16xf32, #tpu.memory_space<vmem_shared>> -> memref<80x16xf32, #tpu.memory_space<vmem_shared>>
        %dma_wait3A_64 = arith.constant 0 : i32
        %dma_wait3A_65 = arith.constant 0 : i32
        %dma_wait3A_66 = tpu.memref_slice %arg17[%dma_wait3A_64, %dma_wait3A_65] : memref<128x16xf32, #tpu.memory_space<vmem>> -> memref<80x16xf32, #tpu.memory_space<vmem>>
        tpu.wait_dma2 semaphore(%run_scoped3A : memref<!tpu.dma_semaphore, #tpu.memory_space<semaphore_mem>>) src(%dma_wait3A_66 : memref<80x16xf32, #tpu.memory_space<vmem>>) dst(%dma_wait3A_63 : memref<80x16xf32, #tpu.memory_space<vmem_shared>>)
        tpu.yield
      }) : () -> ()
    }
    %while3A_16 = arith.constant 1 : i32
    scf.for %while3A_45 = %while3A_14 to %while3A_10 step %while3A_16  : i32 {
      %mul3A = arith.constant 16 : i32
      %mul3A_46 = arith.muli %while3A_45, %mul3A : i32
      %add3A = arith.addi %arg1, %mul3A_46 : i32
      %mul3A_47 = arith.constant 80 : i32
      %mul3A_48 = arith.muli %add3A, %mul3A_47 : i32
      %multiple_of3A = tpu.assume_multiple %mul3A_48, 80 : i32
      "tpu.region"() ({
        %run_scoped3A = tpu.sem_alloc : memref<!tpu.dma_semaphore, #tpu.memory_space<semaphore_mem>>
        %dma_start3A = arith.constant 0 : i32
        %dma_start3A_49 = arith.constant 0 : i32
        %dma_start3A_50 = tpu.memref_slice %arg16[%dma_start3A, %dma_start3A_49] : memref<128x64xf32, #tpu.memory_space<vmem>> -> memref<80x64xf32, #tpu.memory_space<vmem>>
        %dma_start3A_51 = arith.constant 0 : i32
        %dma_start3A_52 = tpu.memref_slice %arg20[%multiple_of3A, %dma_start3A_51] : memref<10000x64xf32, #tpu.memory_space<vmem_shared>> -> memref<80x64xf32, #tpu.memory_space<vmem_shared>>
        %dma_start3A_53 = arith.constant 0 : i32
        %dma_start3A_54 = tpu.memref_slice %arg20[%multiple_of3A, %dma_start3A_53] : memref<10000x64xf32, #tpu.memory_space<vmem_shared>> -> memref<80x64xf32, #tpu.memory_space<vmem_shared>>
        %dma_start3A_55 = arith.constant 0 : i32
        %dma_start3A_56 = arith.constant 0 : i32
        %dma_start3A_57 = tpu.memref_slice %arg16[%dma_start3A_55, %dma_start3A_56] : memref<128x64xf32, #tpu.memory_space<vmem>> -> memref<80x64xf32, #tpu.memory_space<vmem>>
        tpu.enqueue_dma source(%dma_start3A_57 : memref<80x64xf32, #tpu.memory_space<vmem>>) target(%dma_start3A_54 : memref<80x64xf32, #tpu.memory_space<vmem_shared>>) target_semaphore(%run_scoped3A : memref<!tpu.dma_semaphore, #tpu.memory_space<semaphore_mem>>)
        %dma_wait3A = arith.constant 0 : i32
        %dma_wait3A_58 = arith.constant 0 : i32
        %dma_wait3A_59 = tpu.memref_slice %arg16[%dma_wait3A, %dma_wait3A_58] : memref<128x64xf32, #tpu.memory_space<vmem>> -> memref<80x64xf32, #tpu.memory_space<vmem>>
        %dma_wait3A_60 = arith.constant 0 : i32
        %dma_wait3A_61 = tpu.memref_slice %arg20[%multiple_of3A, %dma_wait3A_60] : memref<10000x64xf32, #tpu.memory_space<vmem_shared>> -> memref<80x64xf32, #tpu.memory_space<vmem_shared>>
        %dma_wait3A_62 = arith.constant 0 : i32
        %dma_wait3A_63 = tpu.memref_slice %arg20[%multiple_of3A, %dma_wait3A_62] : memref<10000x64xf32, #tpu.memory_space<vmem_shared>> -> memref<80x64xf32, #tpu.memory_space<vmem_shared>>
        %dma_wait3A_64 = arith.constant 0 : i32
        %dma_wait3A_65 = arith.constant 0 : i32
        %dma_wait3A_66 = tpu.memref_slice %arg16[%dma_wait3A_64, %dma_wait3A_65] : memref<128x64xf32, #tpu.memory_space<vmem>> -> memref<80x64xf32, #tpu.memory_space<vmem>>
        tpu.wait_dma2 semaphore(%run_scoped3A : memref<!tpu.dma_semaphore, #tpu.memory_space<semaphore_mem>>) src(%dma_wait3A_66 : memref<80x64xf32, #tpu.memory_space<vmem>>) dst(%dma_wait3A_63 : memref<80x64xf32, #tpu.memory_space<vmem_shared>>)
        tpu.yield
      }) : () -> ()
      "tpu.region"() ({
        %run_scoped3A = tpu.sem_alloc : memref<!tpu.dma_semaphore, #tpu.memory_space<semaphore_mem>>
        %dma_start3A = arith.constant 0 : i32
        %dma_start3A_49 = arith.constant 0 : i32
        %dma_start3A_50 = tpu.memref_slice %arg17[%dma_start3A, %dma_start3A_49] : memref<128x16xf32, #tpu.memory_space<vmem>> -> memref<80x16xf32, #tpu.memory_space<vmem>>
        %dma_start3A_51 = arith.constant 0 : i32
        %dma_start3A_52 = tpu.memref_slice %arg21[%multiple_of3A, %dma_start3A_51] : memref<10000x16xf32, #tpu.memory_space<vmem_shared>> -> memref<80x16xf32, #tpu.memory_space<vmem_shared>>
        %dma_start3A_53 = arith.constant 0 : i32
        %dma_start3A_54 = tpu.memref_slice %arg21[%multiple_of3A, %dma_start3A_53] : memref<10000x16xf32, #tpu.memory_space<vmem_shared>> -> memref<80x16xf32, #tpu.memory_space<vmem_shared>>
        %dma_start3A_55 = arith.constant 0 : i32
        %dma_start3A_56 = arith.constant 0 : i32
        %dma_start3A_57 = tpu.memref_slice %arg17[%dma_start3A_55, %dma_start3A_56] : memref<128x16xf32, #tpu.memory_space<vmem>> -> memref<80x16xf32, #tpu.memory_space<vmem>>
        tpu.enqueue_dma source(%dma_start3A_57 : memref<80x16xf32, #tpu.memory_space<vmem>>) target(%dma_start3A_54 : memref<80x16xf32, #tpu.memory_space<vmem_shared>>) target_semaphore(%run_scoped3A : memref<!tpu.dma_semaphore, #tpu.memory_space<semaphore_mem>>)
        %dma_wait3A = arith.constant 0 : i32
        %dma_wait3A_58 = arith.constant 0 : i32
        %dma_wait3A_59 = tpu.memref_slice %arg17[%dma_wait3A, %dma_wait3A_58] : memref<128x16xf32, #tpu.memory_space<vmem>> -> memref<80x16xf32, #tpu.memory_space<vmem>>
        %dma_wait3A_60 = arith.constant 0 : i32
        %dma_wait3A_61 = tpu.memref_slice %arg21[%multiple_of3A, %dma_wait3A_60] : memref<10000x16xf32, #tpu.memory_space<vmem_shared>> -> memref<80x16xf32, #tpu.memory_space<vmem_shared>>
        %dma_wait3A_62 = arith.constant 0 : i32
        %dma_wait3A_63 = tpu.memref_slice %arg21[%multiple_of3A, %dma_wait3A_62] : memref<10000x16xf32, #tpu.memory_space<vmem_shared>> -> memref<80x16xf32, #tpu.memory_space<vmem_shared>>
        %dma_wait3A_64 = arith.constant 0 : i32
        %dma_wait3A_65 = arith.constant 0 : i32
        %dma_wait3A_66 = tpu.memref_slice %arg17[%dma_wait3A_64, %dma_wait3A_65] : memref<128x16xf32, #tpu.memory_space<vmem>> -> memref<80x16xf32, #tpu.memory_space<vmem>>
        tpu.wait_dma2 semaphore(%run_scoped3A : memref<!tpu.dma_semaphore, #tpu.memory_space<semaphore_mem>>) src(%dma_wait3A_66 : memref<80x16xf32, #tpu.memory_space<vmem>>) dst(%dma_wait3A_63 : memref<80x16xf32, #tpu.memory_space<vmem_shared>>)
        tpu.yield
      }) : () -> ()
    }
    %barrier3A = arith.constant 0 : index
    tpu.barrier barrier_id(%barrier3A)
    %iota3A = tpu.iota {dimensions = array<i32: 0>} : vector<16xi32>
    %broadcast_in_dim3A_17 = arith.constant 0.000000e+00 : f32
    %broadcast_in_dim3A_18 = vector.broadcast %broadcast_in_dim3A_17 : f32 to vector<16xf32>
    %lt3A_19 = arith.constant 4 : i32
    %lt3A_20 = arith.cmpi slt, %arg1, %lt3A_19 : i32
    %jit3A_21 = arith.constant 157 : i32
    %jit3A_22 = arith.constant 156 : i32
    %select_n3A_23 = arith.select %lt3A_20, %jit3A_21, %jit3A_22 : i32
    %while3A_24 = arith.constant 0 : i32
    %while3A_25 = arith.constant 0 : i32
    %while3A_26 = arith.subi %select_n3A_23, %while3A_25 : i32
    %while3A_27 = arith.addi %while3A_25, %while3A_26 : i32
    %while3A_28 = arith.constant 1 : i32
    %while3A_29 = arith.divsi %while3A_26, %while3A_28 : i32
    %while3A_30 = arith.muli %while3A_29, %while3A_28 : i32
    %while3A_31 = arith.addi %while3A_25, %while3A_30 : i32
    %while3A_32 = arith.constant 1 : i32
    scf.for %while3A_45 = %while3A_25 to %while3A_31 step %while3A_32  : i32 {
      %mul3A = arith.constant 16 : i32
      %mul3A_46 = arith.muli %while3A_45, %mul3A : i32
      %add3A = arith.addi %arg1, %mul3A_46 : i32
      %mul3A_47 = arith.constant 128 : i32
      %mul3A_48 = arith.muli %add3A, %mul3A_47 : i32
      %multiple_of3A = tpu.assume_multiple %mul3A_48, 128 : i32
      "tpu.region"() ({
        %run_scoped3A_136 = tpu.sem_alloc : memref<!tpu.dma_semaphore, #tpu.memory_space<semaphore_mem>>
        %dma_start3A_137 = arith.constant 0 : i32
        %dma_start3A_138 = tpu.memref_slice %arg7[%add3A, %dma_start3A_137] : memref<2500x128xi32, #tpu.memory_space<hbm>> -> memref<1x128xi32, #tpu.memory_space<hbm>>
        %dma_start3A_139 = arith.constant 0 : i32
        %dma_start3A_140 = tpu.memref_slice %arg7[%add3A, %dma_start3A_139] : memref<2500x128xi32, #tpu.memory_space<hbm>> -> memref<1x128xi32, #tpu.memory_space<hbm>>
        tpu.enqueue_dma source(%dma_start3A_140 : memref<1x128xi32, #tpu.memory_space<hbm>>) target(%arg18 : memref<1x128xi32, #tpu.memory_space<vmem>>) target_semaphore(%run_scoped3A_136 : memref<!tpu.dma_semaphore, #tpu.memory_space<semaphore_mem>>)
        %dma_wait3A_141 = arith.constant 0 : i32
        %dma_wait3A_142 = tpu.memref_slice %arg7[%add3A, %dma_wait3A_141] : memref<2500x128xi32, #tpu.memory_space<hbm>> -> memref<1x128xi32, #tpu.memory_space<hbm>>
        %dma_wait3A_143 = arith.constant 0 : i32
        %dma_wait3A_144 = tpu.memref_slice %arg7[%add3A, %dma_wait3A_143] : memref<2500x128xi32, #tpu.memory_space<hbm>> -> memref<1x128xi32, #tpu.memory_space<hbm>>
        tpu.wait_dma2 semaphore(%run_scoped3A_136 : memref<!tpu.dma_semaphore, #tpu.memory_space<semaphore_mem>>) src(%dma_wait3A_144 : memref<1x128xi32, #tpu.memory_space<hbm>>) dst(%arg18 : memref<1x128xi32, #tpu.memory_space<vmem>>)
        tpu.yield
      }) : () -> ()
      "tpu.region"() ({
        %run_scoped3A_136 = tpu.sem_alloc : memref<!tpu.dma_semaphore, #tpu.memory_space<semaphore_mem>>
        %dma_start3A_137 = arith.constant 0 : i32
        %dma_start3A_138 = tpu.memref_slice %arg8[%add3A, %dma_start3A_137] : memref<2500x128xi32, #tpu.memory_space<hbm>> -> memref<1x128xi32, #tpu.memory_space<hbm>>
        %dma_start3A_139 = arith.constant 0 : i32
        %dma_start3A_140 = tpu.memref_slice %arg8[%add3A, %dma_start3A_139] : memref<2500x128xi32, #tpu.memory_space<hbm>> -> memref<1x128xi32, #tpu.memory_space<hbm>>
        tpu.enqueue_dma source(%dma_start3A_140 : memref<1x128xi32, #tpu.memory_space<hbm>>) target(%arg19 : memref<1x128xi32, #tpu.memory_space<vmem>>) target_semaphore(%run_scoped3A_136 : memref<!tpu.dma_semaphore, #tpu.memory_space<semaphore_mem>>)
        %dma_wait3A_141 = arith.constant 0 : i32
        %dma_wait3A_142 = tpu.memref_slice %arg8[%add3A, %dma_wait3A_141] : memref<2500x128xi32, #tpu.memory_space<hbm>> -> memref<1x128xi32, #tpu.memory_space<hbm>>
        %dma_wait3A_143 = arith.constant 0 : i32
        %dma_wait3A_144 = tpu.memref_slice %arg8[%add3A, %dma_wait3A_143] : memref<2500x128xi32, #tpu.memory_space<hbm>> -> memref<1x128xi32, #tpu.memory_space<hbm>>
        tpu.wait_dma2 semaphore(%run_scoped3A_136 : memref<!tpu.dma_semaphore, #tpu.memory_space<semaphore_mem>>) src(%dma_wait3A_144 : memref<1x128xi32, #tpu.memory_space<hbm>>) dst(%arg19 : memref<1x128xi32, #tpu.memory_space<vmem>>)
        tpu.yield
      }) : () -> ()
      %dma_start3A = arith.constant 0 : i32
      %dma_start3A_49 = arith.constant 0 : i32
      %dma_start3A_50 = tpu.memref_slice %arg19[%dma_start3A, %dma_start3A_49] : memref<1x128xi32, #tpu.memory_space<vmem>> -> memref<1x128xi32, #tpu.memory_space<vmem>>
      %dma_start3A_51 = tpu.memref_squeeze %dma_start3A_50 : memref<1x128xi32, #tpu.memory_space<vmem>> -> memref<128xi32, #tpu.memory_space<vmem>>
      %dma_start3A_52 = arith.constant 0 : i32
      %dma_start3A_53 = arith.constant 0 : i32
      %dma_start3A_54 = tpu.memref_slice %arg2[%dma_start3A_52, %dma_start3A_53] : memref<10000x128xf32, #tpu.memory_space<hbm>> -> memref<10000x128xf32, #tpu.memory_space<hbm>>
      tpu.enqueue_indirect_dma source(%dma_start3A_54 : memref<10000x128xf32, #tpu.memory_space<hbm>>) target(%arg11 : memref<128x128xf32, #tpu.memory_space<vmem>>) offsets(%dma_start3A_51 : memref<128xi32, #tpu.memory_space<vmem>>) semaphore(%arg22 : memref<!tpu.dma_semaphore, #tpu.memory_space<semaphore_mem>>)
      %dma_start3A_55 = arith.constant 0 : i32
      %dma_start3A_56 = arith.constant 0 : i32
      %dma_start3A_57 = tpu.memref_slice %arg18[%dma_start3A_55, %dma_start3A_56] : memref<1x128xi32, #tpu.memory_space<vmem>> -> memref<1x128xi32, #tpu.memory_space<vmem>>
      %dma_start3A_58 = tpu.memref_squeeze %dma_start3A_57 : memref<1x128xi32, #tpu.memory_space<vmem>> -> memref<128xi32, #tpu.memory_space<vmem>>
      %dma_start3A_59 = arith.constant 0 : i32
      %dma_start3A_60 = arith.constant 0 : i32
      %dma_start3A_61 = tpu.memref_slice %arg3[%dma_start3A_59, %dma_start3A_60] : memref<10000x128xf32, #tpu.memory_space<hbm>> -> memref<10000x128xf32, #tpu.memory_space<hbm>>
      tpu.enqueue_indirect_dma source(%dma_start3A_61 : memref<10000x128xf32, #tpu.memory_space<hbm>>) target(%arg12 : memref<128x128xf32, #tpu.memory_space<vmem>>) offsets(%dma_start3A_58 : memref<128xi32, #tpu.memory_space<vmem>>) semaphore(%arg23 : memref<!tpu.dma_semaphore, #tpu.memory_space<semaphore_mem>>)
      %dma_start3A_62 = arith.constant 0 : i32
      %dma_start3A_63 = arith.constant 0 : i32
      %dma_start3A_64 = tpu.memref_slice %arg18[%dma_start3A_62, %dma_start3A_63] : memref<1x128xi32, #tpu.memory_space<vmem>> -> memref<1x128xi32, #tpu.memory_space<vmem>>
      %dma_start3A_65 = tpu.memref_squeeze %dma_start3A_64 : memref<1x128xi32, #tpu.memory_space<vmem>> -> memref<128xi32, #tpu.memory_space<vmem>>
      %dma_start3A_66 = arith.constant 0 : i32
      %dma_start3A_67 = arith.constant 0 : i32
      %dma_start3A_68 = tpu.memref_slice %arg4[%arg0, %dma_start3A_66, %dma_start3A_67] : memref<2x10000x64xf32, #tpu.memory_space<hbm>> -> memref<1x10000x64xf32, #tpu.memory_space<hbm>>
      %dma_start3A_69 = tpu.memref_squeeze %dma_start3A_68 : memref<1x10000x64xf32, #tpu.memory_space<hbm>> -> memref<10000x64xf32, #tpu.memory_space<hbm>>
      %dma_start3A_70 = arith.constant 0 : i32
      %dma_start3A_71 = arith.constant 0 : i32
      %dma_start3A_72 = tpu.memref_slice %dma_start3A_69[%dma_start3A_70, %dma_start3A_71] : memref<10000x64xf32, #tpu.memory_space<hbm>> -> memref<10000x64xf32, #tpu.memory_space<hbm>>
      tpu.enqueue_indirect_dma source(%dma_start3A_72 : memref<10000x64xf32, #tpu.memory_space<hbm>>) target(%arg13 : memref<128x64xf32, #tpu.memory_space<vmem>>) offsets(%dma_start3A_65 : memref<128xi32, #tpu.memory_space<vmem>>) semaphore(%arg24 : memref<!tpu.dma_semaphore, #tpu.memory_space<semaphore_mem>>)
      %dma_start3A_73 = arith.constant 0 : i32
      %dma_start3A_74 = tpu.memref_slice %arg5[%multiple_of3A, %dma_start3A_73] : memref<320000x128xf32, #tpu.memory_space<hbm>> -> memref<128x128xf32, #tpu.memory_space<hbm>>
      %dma_start3A_75 = arith.constant 0 : i32
      %dma_start3A_76 = tpu.memref_slice %arg5[%multiple_of3A, %dma_start3A_75] : memref<320000x128xf32, #tpu.memory_space<hbm>> -> memref<128x128xf32, #tpu.memory_space<hbm>>
      tpu.enqueue_dma source(%dma_start3A_76 : memref<128x128xf32, #tpu.memory_space<hbm>>) target(%arg14 : memref<128x128xf32, #tpu.memory_space<vmem>>) target_semaphore(%arg25 : memref<!tpu.dma_semaphore, #tpu.memory_space<semaphore_mem>>)
      %dma_start3A_77 = arith.constant 0 : i32
      %dma_start3A_78 = arith.constant 0 : i32
      %dma_start3A_79 = tpu.memref_slice %arg6[%arg0, %dma_start3A_77, %dma_start3A_78] : memref<2x320000x64xf32, #tpu.memory_space<hbm>> -> memref<1x320000x64xf32, #tpu.memory_space<hbm>>
      %dma_start3A_80 = tpu.memref_squeeze %dma_start3A_79 : memref<1x320000x64xf32, #tpu.memory_space<hbm>> -> memref<320000x64xf32, #tpu.memory_space<hbm>>
      %dma_start3A_81 = arith.constant 0 : i32
      %dma_start3A_82 = tpu.memref_slice %dma_start3A_80[%multiple_of3A, %dma_start3A_81] : memref<320000x64xf32, #tpu.memory_space<hbm>> -> memref<128x64xf32, #tpu.memory_space<hbm>>
      %dma_start3A_83 = arith.constant 0 : i32
      %dma_start3A_84 = arith.constant 0 : i32
      %dma_start3A_85 = tpu.memref_slice %arg6[%arg0, %dma_start3A_83, %dma_start3A_84] : memref<2x320000x64xf32, #tpu.memory_space<hbm>> -> memref<1x320000x64xf32, #tpu.memory_space<hbm>>
      %dma_start3A_86 = tpu.memref_squeeze %dma_start3A_85 : memref<1x320000x64xf32, #tpu.memory_space<hbm>> -> memref<320000x64xf32, #tpu.memory_space<hbm>>
      %dma_start3A_87 = arith.constant 0 : i32
      %dma_start3A_88 = tpu.memref_slice %dma_start3A_86[%multiple_of3A, %dma_start3A_87] : memref<320000x64xf32, #tpu.memory_space<hbm>> -> memref<128x64xf32, #tpu.memory_space<hbm>>
      tpu.enqueue_dma source(%dma_start3A_88 : memref<128x64xf32, #tpu.memory_space<hbm>>) target(%arg15 : memref<128x64xf32, #tpu.memory_space<vmem>>) target_semaphore(%arg26 : memref<!tpu.dma_semaphore, #tpu.memory_space<semaphore_mem>>)
      %dma_wait3A = arith.constant 0 : i32
      %dma_wait3A_89 = arith.constant 0 : i32
      %dma_wait3A_90 = tpu.memref_slice %arg19[%dma_wait3A, %dma_wait3A_89] : memref<1x128xi32, #tpu.memory_space<vmem>> -> memref<1x128xi32, #tpu.memory_space<vmem>>
      %dma_wait3A_91 = tpu.memref_squeeze %dma_wait3A_90 : memref<1x128xi32, #tpu.memory_space<vmem>> -> memref<128xi32, #tpu.memory_space<vmem>>
      %dma_wait3A_92 = arith.constant 0 : i32
      %dma_wait3A_93 = arith.constant 0 : i32
      %dma_wait3A_94 = tpu.memref_slice %arg2[%dma_wait3A_92, %dma_wait3A_93] : memref<10000x128xf32, #tpu.memory_space<hbm>> -> memref<10000x128xf32, #tpu.memory_space<hbm>>
      tpu.wait_indirect_dma semaphore(%arg22 : memref<!tpu.dma_semaphore, #tpu.memory_space<semaphore_mem>>) src(%dma_wait3A_94 : memref<10000x128xf32, #tpu.memory_space<hbm>>) dst(%arg11 : memref<128x128xf32, #tpu.memory_space<vmem>>)
      %dma_wait3A_95 = arith.constant 0 : i32
      %dma_wait3A_96 = arith.constant 0 : i32
      %dma_wait3A_97 = tpu.memref_slice %arg18[%dma_wait3A_95, %dma_wait3A_96] : memref<1x128xi32, #tpu.memory_space<vmem>> -> memref<1x128xi32, #tpu.memory_space<vmem>>
      %dma_wait3A_98 = tpu.memref_squeeze %dma_wait3A_97 : memref<1x128xi32, #tpu.memory_space<vmem>> -> memref<128xi32, #tpu.memory_space<vmem>>
      %dma_wait3A_99 = arith.constant 0 : i32
      %dma_wait3A_100 = arith.constant 0 : i32
      %dma_wait3A_101 = tpu.memref_slice %arg3[%dma_wait3A_99, %dma_wait3A_100] : memref<10000x128xf32, #tpu.memory_space<hbm>> -> memref<10000x128xf32, #tpu.memory_space<hbm>>
      tpu.wait_indirect_dma semaphore(%arg23 : memref<!tpu.dma_semaphore, #tpu.memory_space<semaphore_mem>>) src(%dma_wait3A_101 : memref<10000x128xf32, #tpu.memory_space<hbm>>) dst(%arg12 : memref<128x128xf32, #tpu.memory_space<vmem>>)
      %dma_wait3A_102 = arith.constant 0 : i32
      %dma_wait3A_103 = arith.constant 0 : i32
      %dma_wait3A_104 = tpu.memref_slice %arg18[%dma_wait3A_102, %dma_wait3A_103] : memref<1x128xi32, #tpu.memory_space<vmem>> -> memref<1x128xi32, #tpu.memory_space<vmem>>
      %dma_wait3A_105 = tpu.memref_squeeze %dma_wait3A_104 : memref<1x128xi32, #tpu.memory_space<vmem>> -> memref<128xi32, #tpu.memory_space<vmem>>
      %dma_wait3A_106 = arith.constant 0 : i32
      %dma_wait3A_107 = arith.constant 0 : i32
      %dma_wait3A_108 = tpu.memref_slice %arg4[%arg0, %dma_wait3A_106, %dma_wait3A_107] : memref<2x10000x64xf32, #tpu.memory_space<hbm>> -> memref<1x10000x64xf32, #tpu.memory_space<hbm>>
      %dma_wait3A_109 = tpu.memref_squeeze %dma_wait3A_108 : memref<1x10000x64xf32, #tpu.memory_space<hbm>> -> memref<10000x64xf32, #tpu.memory_space<hbm>>
      %dma_wait3A_110 = arith.constant 0 : i32
      %dma_wait3A_111 = arith.constant 0 : i32
      %dma_wait3A_112 = tpu.memref_slice %dma_wait3A_109[%dma_wait3A_110, %dma_wait3A_111] : memref<10000x64xf32, #tpu.memory_space<hbm>> -> memref<10000x64xf32, #tpu.memory_space<hbm>>
      tpu.wait_indirect_dma semaphore(%arg24 : memref<!tpu.dma_semaphore, #tpu.memory_space<semaphore_mem>>) src(%dma_wait3A_112 : memref<10000x64xf32, #tpu.memory_space<hbm>>) dst(%arg13 : memref<128x64xf32, #tpu.memory_space<vmem>>)
      %dma_wait3A_113 = arith.constant 0 : i32
      %dma_wait3A_114 = tpu.memref_slice %arg5[%multiple_of3A, %dma_wait3A_113] : memref<320000x128xf32, #tpu.memory_space<hbm>> -> memref<128x128xf32, #tpu.memory_space<hbm>>
      %dma_wait3A_115 = arith.constant 0 : i32
      %dma_wait3A_116 = tpu.memref_slice %arg5[%multiple_of3A, %dma_wait3A_115] : memref<320000x128xf32, #tpu.memory_space<hbm>> -> memref<128x128xf32, #tpu.memory_space<hbm>>
      tpu.wait_dma2 semaphore(%arg25 : memref<!tpu.dma_semaphore, #tpu.memory_space<semaphore_mem>>) src(%dma_wait3A_116 : memref<128x128xf32, #tpu.memory_space<hbm>>) dst(%arg14 : memref<128x128xf32, #tpu.memory_space<vmem>>)
      %dma_wait3A_117 = arith.constant 0 : i32
      %dma_wait3A_118 = arith.constant 0 : i32
      %dma_wait3A_119 = tpu.memref_slice %arg6[%arg0, %dma_wait3A_117, %dma_wait3A_118] : memref<2x320000x64xf32, #tpu.memory_space<hbm>> -> memref<1x320000x64xf32, #tpu.memory_space<hbm>>
      %dma_wait3A_120 = tpu.memref_squeeze %dma_wait3A_119 : memref<1x320000x64xf32, #tpu.memory_space<hbm>> -> memref<320000x64xf32, #tpu.memory_space<hbm>>
      %dma_wait3A_121 = arith.constant 0 : i32
      %dma_wait3A_122 = tpu.memref_slice %dma_wait3A_120[%multiple_of3A, %dma_wait3A_121] : memref<320000x64xf32, #tpu.memory_space<hbm>> -> memref<128x64xf32, #tpu.memory_space<hbm>>
      %dma_wait3A_123 = arith.constant 0 : i32
      %dma_wait3A_124 = arith.constant 0 : i32
      %dma_wait3A_125 = tpu.memref_slice %arg6[%arg0, %dma_wait3A_123, %dma_wait3A_124] : memref<2x320000x64xf32, #tpu.memory_space<hbm>> -> memref<1x320000x64xf32, #tpu.memory_space<hbm>>
      %dma_wait3A_126 = tpu.memref_squeeze %dma_wait3A_125 : memref<1x320000x64xf32, #tpu.memory_space<hbm>> -> memref<320000x64xf32, #tpu.memory_space<hbm>>
      %dma_wait3A_127 = arith.constant 0 : i32
      %dma_wait3A_128 = tpu.memref_slice %dma_wait3A_126[%multiple_of3A, %dma_wait3A_127] : memref<320000x64xf32, #tpu.memory_space<hbm>> -> memref<128x64xf32, #tpu.memory_space<hbm>>
      tpu.wait_dma2 semaphore(%arg26 : memref<!tpu.dma_semaphore, #tpu.memory_space<semaphore_mem>>) src(%dma_wait3A_128 : memref<128x64xf32, #tpu.memory_space<hbm>>) dst(%arg15 : memref<128x64xf32, #tpu.memory_space<vmem>>)
      %scan3A_129 = arith.constant 0 : i32
      %scan3A_130 = arith.constant 0 : i32
      %scan3A_131 = arith.constant 128 : i32
      %scan3A_132 = arith.addi %scan3A_130, %scan3A_131 : i32
      %scan3A_133 = arith.constant 1 : i32
      scf.for %scan3A_136 = %scan3A_130 to %scan3A_132 step %scan3A_133  : i32 {
        %get3A = arith.index_cast %scan3A_136 : i32 to index
        %get3A_137 = arith.constant 0 : index
        %get3A_138 = tpu.vector_load %arg12[%get3A, %get3A_137] {strides = array<i32>} : memref<128x128xf32, #tpu.memory_space<vmem>>, vector<16xf32>,
        %get3A_139 = arith.index_cast %scan3A_136 : i32 to index
        %get3A_140 = arith.constant 0 : index
        %get3A_141 = tpu.vector_load %arg14[%get3A_139, %get3A_140] {strides = array<i32>} : memref<128x128xf32, #tpu.memory_space<vmem>>, vector<16xf32>,
        %add3A_142 = arith.addf %get3A_138, %get3A_141 : vector<16xf32>
        %get3A_143 = arith.index_cast %scan3A_136 : i32 to index
        %get3A_144 = arith.constant 0 : index
        %get3A_145 = tpu.vector_load %arg11[%get3A_143, %get3A_144] {strides = array<i32>} : memref<128x128xf32, #tpu.memory_space<vmem>>, vector<16xf32>,
        %mul3A_146 = arith.mulf %get3A_145, %add3A_142 : vector<16xf32>
        %add3A_147 = arith.addf %broadcast_in_dim3A_18, %mul3A_146 : vector<16xf32>
        %get3A_148 = arith.index_cast %scan3A_136 : i32 to index
        %get3A_149 = arith.constant 16 : index
        %get3A_150 = tpu.vector_load %arg12[%get3A_148, %get3A_149] {strides = array<i32>} : memref<128x128xf32, #tpu.memory_space<vmem>>, vector<16xf32>,
        %get3A_151 = arith.index_cast %scan3A_136 : i32 to index
        %get3A_152 = arith.constant 16 : index
        %get3A_153 = tpu.vector_load %arg14[%get3A_151, %get3A_152] {strides = array<i32>} : memref<128x128xf32, #tpu.memory_space<vmem>>, vector<16xf32>,
        %add3A_154 = arith.addf %get3A_150, %get3A_153 : vector<16xf32>
        %get3A_155 = arith.index_cast %scan3A_136 : i32 to index
        %get3A_156 = arith.constant 16 : index
        %get3A_157 = tpu.vector_load %arg11[%get3A_155, %get3A_156] {strides = array<i32>} : memref<128x128xf32, #tpu.memory_space<vmem>>, vector<16xf32>,
        %mul3A_158 = arith.mulf %get3A_157, %add3A_154 : vector<16xf32>
        %add3A_159 = arith.addf %add3A_147, %mul3A_158 : vector<16xf32>
        %get3A_160 = arith.index_cast %scan3A_136 : i32 to index
        %get3A_161 = arith.constant 32 : index
        %get3A_162 = tpu.vector_load %arg12[%get3A_160, %get3A_161] {strides = array<i32>} : memref<128x128xf32, #tpu.memory_space<vmem>>, vector<16xf32>,
        %get3A_163 = arith.index_cast %scan3A_136 : i32 to index
        %get3A_164 = arith.constant 32 : index
        %get3A_165 = tpu.vector_load %arg14[%get3A_163, %get3A_164] {strides = array<i32>} : memref<128x128xf32, #tpu.memory_space<vmem>>, vector<16xf32>,
        %add3A_166 = arith.addf %get3A_162, %get3A_165 : vector<16xf32>
        %get3A_167 = arith.index_cast %scan3A_136 : i32 to index
        %get3A_168 = arith.constant 32 : index
        %get3A_169 = tpu.vector_load %arg11[%get3A_167, %get3A_168] {strides = array<i32>} : memref<128x128xf32, #tpu.memory_space<vmem>>, vector<16xf32>,
        %mul3A_170 = arith.mulf %get3A_169, %add3A_166 : vector<16xf32>
        %add3A_171 = arith.addf %add3A_159, %mul3A_170 : vector<16xf32>
        %get3A_172 = arith.index_cast %scan3A_136 : i32 to index
        %get3A_173 = arith.constant 48 : index
        %get3A_174 = tpu.vector_load %arg12[%get3A_172, %get3A_173] {strides = array<i32>} : memref<128x128xf32, #tpu.memory_space<vmem>>, vector<16xf32>,
        %get3A_175 = arith.index_cast %scan3A_136 : i32 to index
        %get3A_176 = arith.constant 48 : index
        %get3A_177 = tpu.vector_load %arg14[%get3A_175, %get3A_176] {strides = array<i32>} : memref<128x128xf32, #tpu.memory_space<vmem>>, vector<16xf32>,
        %add3A_178 = arith.addf %get3A_174, %get3A_177 : vector<16xf32>
        %get3A_179 = arith.index_cast %scan3A_136 : i32 to index
        %get3A_180 = arith.constant 48 : index
        %get3A_181 = tpu.vector_load %arg11[%get3A_179, %get3A_180] {strides = array<i32>} : memref<128x128xf32, #tpu.memory_space<vmem>>, vector<16xf32>,
        %mul3A_182 = arith.mulf %get3A_181, %add3A_178 : vector<16xf32>
        %add3A_183 = arith.addf %add3A_171, %mul3A_182 : vector<16xf32>
        %get3A_184 = arith.index_cast %scan3A_136 : i32 to index
        %get3A_185 = arith.constant 64 : index
        %get3A_186 = tpu.vector_load %arg12[%get3A_184, %get3A_185] {strides = array<i32>} : memref<128x128xf32, #tpu.memory_space<vmem>>, vector<16xf32>,
        %get3A_187 = arith.index_cast %scan3A_136 : i32 to index
        %get3A_188 = arith.constant 64 : index
        %get3A_189 = tpu.vector_load %arg14[%get3A_187, %get3A_188] {strides = array<i32>} : memref<128x128xf32, #tpu.memory_space<vmem>>, vector<16xf32>,
        %add3A_190 = arith.addf %get3A_186, %get3A_189 : vector<16xf32>
        %get3A_191 = arith.index_cast %scan3A_136 : i32 to index
        %get3A_192 = arith.constant 64 : index
        %get3A_193 = tpu.vector_load %arg11[%get3A_191, %get3A_192] {strides = array<i32>} : memref<128x128xf32, #tpu.memory_space<vmem>>, vector<16xf32>,
        %mul3A_194 = arith.mulf %get3A_193, %add3A_190 : vector<16xf32>
        %add3A_195 = arith.addf %add3A_183, %mul3A_194 : vector<16xf32>
        %get3A_196 = arith.index_cast %scan3A_136 : i32 to index
        %get3A_197 = arith.constant 80 : index
        %get3A_198 = tpu.vector_load %arg12[%get3A_196, %get3A_197] {strides = array<i32>} : memref<128x128xf32, #tpu.memory_space<vmem>>, vector<16xf32>,
        %get3A_199 = arith.index_cast %scan3A_136 : i32 to index
        %get3A_200 = arith.constant 80 : index
        %get3A_201 = tpu.vector_load %arg14[%get3A_199, %get3A_200] {strides = array<i32>} : memref<128x128xf32, #tpu.memory_space<vmem>>, vector<16xf32>,
        %add3A_202 = arith.addf %get3A_198, %get3A_201 : vector<16xf32>
        %get3A_203 = arith.index_cast %scan3A_136 : i32 to index
        %get3A_204 = arith.constant 80 : index
        %get3A_205 = tpu.vector_load %arg11[%get3A_203, %get3A_204] {strides = array<i32>} : memref<128x128xf32, #tpu.memory_space<vmem>>, vector<16xf32>,
        %mul3A_206 = arith.mulf %get3A_205, %add3A_202 : vector<16xf32>
        %add3A_207 = arith.addf %add3A_195, %mul3A_206 : vector<16xf32>
        %get3A_208 = arith.index_cast %scan3A_136 : i32 to index
        %get3A_209 = arith.constant 96 : index
        %get3A_210 = tpu.vector_load %arg12[%get3A_208, %get3A_209] {strides = array<i32>} : memref<128x128xf32, #tpu.memory_space<vmem>>, vector<16xf32>,
        %get3A_211 = arith.index_cast %scan3A_136 : i32 to index
        %get3A_212 = arith.constant 96 : index
        %get3A_213 = tpu.vector_load %arg14[%get3A_211, %get3A_212] {strides = array<i32>} : memref<128x128xf32, #tpu.memory_space<vmem>>, vector<16xf32>,
        %add3A_214 = arith.addf %get3A_210, %get3A_213 : vector<16xf32>
        %get3A_215 = arith.index_cast %scan3A_136 : i32 to index
        %get3A_216 = arith.constant 96 : index
        %get3A_217 = tpu.vector_load %arg11[%get3A_215, %get3A_216] {strides = array<i32>} : memref<128x128xf32, #tpu.memory_space<vmem>>, vector<16xf32>,
        %mul3A_218 = arith.mulf %get3A_217, %add3A_214 : vector<16xf32>
        %add3A_219 = arith.addf %add3A_207, %mul3A_218 : vector<16xf32>
        %get3A_220 = arith.index_cast %scan3A_136 : i32 to index
        %get3A_221 = arith.constant 112 : index
        %get3A_222 = tpu.vector_load %arg12[%get3A_220, %get3A_221] {strides = array<i32>} : memref<128x128xf32, #tpu.memory_space<vmem>>, vector<16xf32>,
        %get3A_223 = arith.index_cast %scan3A_136 : i32 to index
        %get3A_224 = arith.constant 112 : index
        %get3A_225 = tpu.vector_load %arg14[%get3A_223, %get3A_224] {strides = array<i32>} : memref<128x128xf32, #tpu.memory_space<vmem>>, vector<16xf32>,
        %add3A_226 = arith.addf %get3A_222, %get3A_225 : vector<16xf32>
        %get3A_227 = arith.index_cast %scan3A_136 : i32 to index
        %get3A_228 = arith.constant 112 : index
        %get3A_229 = tpu.vector_load %arg11[%get3A_227, %get3A_228] {strides = array<i32>} : memref<128x128xf32, #tpu.memory_space<vmem>>, vector<16xf32>,
        %mul3A_230 = arith.mulf %get3A_229, %add3A_226 : vector<16xf32>
        %add3A_231 = arith.addf %add3A_219, %mul3A_230 : vector<16xf32>
        %reduce_sum3A = arith.constant true
        %reduce_sum3A_232 = vector.broadcast %reduce_sum3A : i1 to vector<16xi1>
        %reduce_sum3A_233 = tpu.scan <sum>, %add3A_231 masked %reduce_sum3A_232 : vector<16xf32>, vector<16xi1> -> vector<16xf32>
        %reduce_sum3A_234 = vector.extract %reduce_sum3A_233[15] : f32 from vector<16xf32>
        %broadcast_in_dim3A_235 = vector.broadcast %reduce_sum3A_234 : f32 to vector<16xf32>
        %exp3A = math.exp %broadcast_in_dim3A_235 : vector<16xf32>
        %get3A_236 = arith.index_cast %scan3A_136 : i32 to index
        %get3A_237 = arith.constant 0 : index
        %get3A_238 = tpu.vector_load %arg13[%get3A_236, %get3A_237] {strides = array<i32>} : memref<128x64xf32, #tpu.memory_space<vmem>>, vector<16xf32>,
        %get3A_239 = arith.index_cast %scan3A_136 : i32 to index
        %get3A_240 = arith.constant 0 : index
        %get3A_241 = tpu.vector_load %arg15[%get3A_239, %get3A_240] {strides = array<i32>} : memref<128x64xf32, #tpu.memory_space<vmem>>, vector<16xf32>,
        %add3A_242 = arith.addf %get3A_238, %get3A_241 : vector<16xf32>
        %mul3A_243 = arith.mulf %add3A_242, %exp3A : vector<16xf32>
        %swap3A = arith.index_cast %scan3A_136 : i32 to index
        %swap3A_244 = arith.constant 0 : index
        %swap3A_245 = tpu.vector_load %arg16[%swap3A, %swap3A_244] {strides = array<i32>} : memref<128x64xf32, #tpu.memory_space<vmem>>, vector<16xf32>,
        tpu.vector_store %arg16[%swap3A, %swap3A_244], %mul3A_243 {strides = array<i32>} : memref<128x64xf32, #tpu.memory_space<vmem>>, vector<16xf32>,
        %get3A_246 = arith.index_cast %scan3A_136 : i32 to index
        %get3A_247 = arith.constant 16 : index
        %get3A_248 = tpu.vector_load %arg13[%get3A_246, %get3A_247] {strides = array<i32>} : memref<128x64xf32, #tpu.memory_space<vmem>>, vector<16xf32>,
        %get3A_249 = arith.index_cast %scan3A_136 : i32 to index
        %get3A_250 = arith.constant 16 : index
        %get3A_251 = tpu.vector_load %arg15[%get3A_249, %get3A_250] {strides = array<i32>} : memref<128x64xf32, #tpu.memory_space<vmem>>, vector<16xf32>,
        %add3A_252 = arith.addf %get3A_248, %get3A_251 : vector<16xf32>
        %mul3A_253 = arith.mulf %add3A_252, %exp3A : vector<16xf32>
        %swap3A_254 = arith.index_cast %scan3A_136 : i32 to index
        %swap3A_255 = arith.constant 16 : index
        %swap3A_256 = tpu.vector_load %arg16[%swap3A_254, %swap3A_255] {strides = array<i32>} : memref<128x64xf32, #tpu.memory_space<vmem>>, vector<16xf32>,
        tpu.vector_store %arg16[%swap3A_254, %swap3A_255], %mul3A_253 {strides = array<i32>} : memref<128x64xf32, #tpu.memory_space<vmem>>, vector<16xf32>,
        %get3A_257 = arith.index_cast %scan3A_136 : i32 to index
        %get3A_258 = arith.constant 32 : index
        %get3A_259 = tpu.vector_load %arg13[%get3A_257, %get3A_258] {strides = array<i32>} : memref<128x64xf32, #tpu.memory_space<vmem>>, vector<16xf32>,
        %get3A_260 = arith.index_cast %scan3A_136 : i32 to index
        %get3A_261 = arith.constant 32 : index
        %get3A_262 = tpu.vector_load %arg15[%get3A_260, %get3A_261] {strides = array<i32>} : memref<128x64xf32, #tpu.memory_space<vmem>>, vector<16xf32>,
        %add3A_263 = arith.addf %get3A_259, %get3A_262 : vector<16xf32>
        %mul3A_264 = arith.mulf %add3A_263, %exp3A : vector<16xf32>
        %swap3A_265 = arith.index_cast %scan3A_136 : i32 to index
        %swap3A_266 = arith.constant 32 : index
        %swap3A_267 = tpu.vector_load %arg16[%swap3A_265, %swap3A_266] {strides = array<i32>} : memref<128x64xf32, #tpu.memory_space<vmem>>, vector<16xf32>,
        tpu.vector_store %arg16[%swap3A_265, %swap3A_266], %mul3A_264 {strides = array<i32>} : memref<128x64xf32, #tpu.memory_space<vmem>>, vector<16xf32>,
        %get3A_268 = arith.index_cast %scan3A_136 : i32 to index
        %get3A_269 = arith.constant 48 : index
        %get3A_270 = tpu.vector_load %arg13[%get3A_268, %get3A_269] {strides = array<i32>} : memref<128x64xf32, #tpu.memory_space<vmem>>, vector<16xf32>,
        %get3A_271 = arith.index_cast %scan3A_136 : i32 to index
        %get3A_272 = arith.constant 48 : index
        %get3A_273 = tpu.vector_load %arg15[%get3A_271, %get3A_272] {strides = array<i32>} : memref<128x64xf32, #tpu.memory_space<vmem>>, vector<16xf32>,
        %add3A_274 = arith.addf %get3A_270, %get3A_273 : vector<16xf32>
        %mul3A_275 = arith.mulf %add3A_274, %exp3A : vector<16xf32>
        %swap3A_276 = arith.index_cast %scan3A_136 : i32 to index
        %swap3A_277 = arith.constant 48 : index
        %swap3A_278 = tpu.vector_load %arg16[%swap3A_276, %swap3A_277] {strides = array<i32>} : memref<128x64xf32, #tpu.memory_space<vmem>>, vector<16xf32>,
        tpu.vector_store %arg16[%swap3A_276, %swap3A_277], %mul3A_275 {strides = array<i32>} : memref<128x64xf32, #tpu.memory_space<vmem>>, vector<16xf32>,
        %eq3A = arith.constant 0 : i32
        %eq3A_279 = vector.broadcast %eq3A : i32 to vector<16xi32>
        %eq3A_280 = arith.cmpi eq, %iota3A, %eq3A_279 : vector<16xi32>
        %jit3A_281 = arith.constant 0.000000e+00 : f32
        %broadcast_in_dim3A_282 = vector.broadcast %jit3A_281 : f32 to vector<16xf32>
        %select_n3A_283 = arith.select %eq3A_280, %exp3A, %broadcast_in_dim3A_282 : vector<16xi1>, vector<16xf32>
        %swap3A_284 = arith.index_cast %scan3A_136 : i32 to index
        %swap3A_285 = arith.constant 0 : index
        %swap3A_286 = tpu.vector_load %arg17[%swap3A_284, %swap3A_285] {strides = array<i32>} : memref<128x16xf32, #tpu.memory_space<vmem>>, vector<16xf32>,
        tpu.vector_store %arg17[%swap3A_284, %swap3A_285], %select_n3A_283 {strides = array<i32>} : memref<128x16xf32, #tpu.memory_space<vmem>>, vector<16xf32>,
      }
      %scan3A_134 = arith.constant 128 : i32
      %run_scoped3A = arith.constant 0 : i32
      "tpu.region"() ({
        %run_scoped3A_136 = tpu.sem_alloc : memref<!tpu.dma_semaphore, #tpu.memory_space<semaphore_mem>>
        %dma_start3A_137 = arith.constant 0 : i32
        %dma_start3A_138 = tpu.memref_slice %arg19[%run_scoped3A, %dma_start3A_137] : memref<1x128xi32, #tpu.memory_space<vmem>> -> memref<1x128xi32, #tpu.memory_space<vmem>>
        %dma_start3A_139 = tpu.memref_squeeze %dma_start3A_138 : memref<1x128xi32, #tpu.memory_space<vmem>> -> memref<128xi32, #tpu.memory_space<vmem>>
        %dma_start3A_140 = arith.constant 0 : i32
        %dma_start3A_141 = arith.constant 0 : i32
        %dma_start3A_142 = tpu.memref_slice %arg20[%dma_start3A_140, %dma_start3A_141] : memref<10000x64xf32, #tpu.memory_space<vmem_shared>> -> memref<10000x64xf32, #tpu.memory_space<vmem_shared>>
        tpu.enqueue_indirect_dma source(%arg16 : memref<128x64xf32, #tpu.memory_space<vmem>>) target(%dma_start3A_142 : memref<10000x64xf32, #tpu.memory_space<vmem_shared>>) offsets(%dma_start3A_139 : memref<128xi32, #tpu.memory_space<vmem>>) semaphore(%run_scoped3A_136 : memref<!tpu.dma_semaphore, #tpu.memory_space<semaphore_mem>>) {add = true}
        %dma_wait3A_143 = arith.constant 0 : i32
        %dma_wait3A_144 = tpu.memref_slice %arg19[%run_scoped3A, %dma_wait3A_143] : memref<1x128xi32, #tpu.memory_space<vmem>> -> memref<1x128xi32, #tpu.memory_space<vmem>>
        %dma_wait3A_145 = tpu.memref_squeeze %dma_wait3A_144 : memref<1x128xi32, #tpu.memory_space<vmem>> -> memref<128xi32, #tpu.memory_space<vmem>>
        %dma_wait3A_146 = arith.constant 0 : i32
        %dma_wait3A_147 = arith.constant 0 : i32
        %dma_wait3A_148 = tpu.memref_slice %arg20[%dma_wait3A_146, %dma_wait3A_147] : memref<10000x64xf32, #tpu.memory_space<vmem_shared>> -> memref<10000x64xf32, #tpu.memory_space<vmem_shared>>
        tpu.wait_indirect_dma semaphore(%run_scoped3A_136 : memref<!tpu.dma_semaphore, #tpu.memory_space<semaphore_mem>>) src(%arg16 : memref<128x64xf32, #tpu.memory_space<vmem>>) dst(%dma_wait3A_148 : memref<10000x64xf32, #tpu.memory_space<vmem_shared>>)
        tpu.yield
      }) : () -> ()
      %run_scoped3A_135 = arith.constant 0 : i32
      "tpu.region"() ({
        %run_scoped3A_136 = tpu.sem_alloc : memref<!tpu.dma_semaphore, #tpu.memory_space<semaphore_mem>>
        %dma_start3A_137 = arith.constant 0 : i32
        %dma_start3A_138 = tpu.memref_slice %arg19[%run_scoped3A_135, %dma_start3A_137] : memref<1x128xi32, #tpu.memory_space<vmem>> -> memref<1x128xi32, #tpu.memory_space<vmem>>
        %dma_start3A_139 = tpu.memref_squeeze %dma_start3A_138 : memref<1x128xi32, #tpu.memory_space<vmem>> -> memref<128xi32, #tpu.memory_space<vmem>>
        %dma_start3A_140 = arith.constant 0 : i32
        %dma_start3A_141 = arith.constant 0 : i32
        %dma_start3A_142 = tpu.memref_slice %arg21[%dma_start3A_140, %dma_start3A_141] : memref<10000x16xf32, #tpu.memory_space<vmem_shared>> -> memref<10000x16xf32, #tpu.memory_space<vmem_shared>>
        tpu.enqueue_indirect_dma source(%arg17 : memref<128x16xf32, #tpu.memory_space<vmem>>) target(%dma_start3A_142 : memref<10000x16xf32, #tpu.memory_space<vmem_shared>>) offsets(%dma_start3A_139 : memref<128xi32, #tpu.memory_space<vmem>>) semaphore(%run_scoped3A_136 : memref<!tpu.dma_semaphore, #tpu.memory_space<semaphore_mem>>) {add = true}
        %dma_wait3A_143 = arith.constant 0 : i32
        %dma_wait3A_144 = tpu.memref_slice %arg19[%run_scoped3A_135, %dma_wait3A_143] : memref<1x128xi32, #tpu.memory_space<vmem>> -> memref<1x128xi32, #tpu.memory_space<vmem>>
        %dma_wait3A_145 = tpu.memref_squeeze %dma_wait3A_144 : memref<1x128xi32, #tpu.memory_space<vmem>> -> memref<128xi32, #tpu.memory_space<vmem>>
        %dma_wait3A_146 = arith.constant 0 : i32
        %dma_wait3A_147 = arith.constant 0 : i32
        %dma_wait3A_148 = tpu.memref_slice %arg21[%dma_wait3A_146, %dma_wait3A_147] : memref<10000x16xf32, #tpu.memory_space<vmem_shared>> -> memref<10000x16xf32, #tpu.memory_space<vmem_shared>>
        tpu.wait_indirect_dma semaphore(%run_scoped3A_136 : memref<!tpu.dma_semaphore, #tpu.memory_space<semaphore_mem>>) src(%arg17 : memref<128x16xf32, #tpu.memory_space<vmem>>) dst(%dma_wait3A_148 : memref<10000x16xf32, #tpu.memory_space<vmem_shared>>)
        tpu.yield
      }) : () -> ()
    }
    %while3A_33 = arith.constant 1 : i32
    scf.for %while3A_45 = %while3A_31 to %while3A_27 step %while3A_33  : i32 {
      %mul3A = arith.constant 16 : i32
      %mul3A_46 = arith.muli %while3A_45, %mul3A : i32
      %add3A = arith.addi %arg1, %mul3A_46 : i32
      %mul3A_47 = arith.constant 128 : i32
      %mul3A_48 = arith.muli %add3A, %mul3A_47 : i32
      %multiple_of3A = tpu.assume_multiple %mul3A_48, 128 : i32
      "tpu.region"() ({
        %run_scoped3A_136 = tpu.sem_alloc : memref<!tpu.dma_semaphore, #tpu.memory_space<semaphore_mem>>
        %dma_start3A_137 = arith.constant 0 : i32
        %dma_start3A_138 = tpu.memref_slice %arg7[%add3A, %dma_start3A_137] : memref<2500x128xi32, #tpu.memory_space<hbm>> -> memref<1x128xi32, #tpu.memory_space<hbm>>
        %dma_start3A_139 = arith.constant 0 : i32
        %dma_start3A_140 = tpu.memref_slice %arg7[%add3A, %dma_start3A_139] : memref<2500x128xi32, #tpu.memory_space<hbm>> -> memref<1x128xi32, #tpu.memory_space<hbm>>
        tpu.enqueue_dma source(%dma_start3A_140 : memref<1x128xi32, #tpu.memory_space<hbm>>) target(%arg18 : memref<1x128xi32, #tpu.memory_space<vmem>>) target_semaphore(%run_scoped3A_136 : memref<!tpu.dma_semaphore, #tpu.memory_space<semaphore_mem>>)
        %dma_wait3A_141 = arith.constant 0 : i32
        %dma_wait3A_142 = tpu.memref_slice %arg7[%add3A, %dma_wait3A_141] : memref<2500x128xi32, #tpu.memory_space<hbm>> -> memref<1x128xi32, #tpu.memory_space<hbm>>
        %dma_wait3A_143 = arith.constant 0 : i32
        %dma_wait3A_144 = tpu.memref_slice %arg7[%add3A, %dma_wait3A_143] : memref<2500x128xi32, #tpu.memory_space<hbm>> -> memref<1x128xi32, #tpu.memory_space<hbm>>
        tpu.wait_dma2 semaphore(%run_scoped3A_136 : memref<!tpu.dma_semaphore, #tpu.memory_space<semaphore_mem>>) src(%dma_wait3A_144 : memref<1x128xi32, #tpu.memory_space<hbm>>) dst(%arg18 : memref<1x128xi32, #tpu.memory_space<vmem>>)
        tpu.yield
      }) : () -> ()
      "tpu.region"() ({
        %run_scoped3A_136 = tpu.sem_alloc : memref<!tpu.dma_semaphore, #tpu.memory_space<semaphore_mem>>
        %dma_start3A_137 = arith.constant 0 : i32
        %dma_start3A_138 = tpu.memref_slice %arg8[%add3A, %dma_start3A_137] : memref<2500x128xi32, #tpu.memory_space<hbm>> -> memref<1x128xi32, #tpu.memory_space<hbm>>
        %dma_start3A_139 = arith.constant 0 : i32
        %dma_start3A_140 = tpu.memref_slice %arg8[%add3A, %dma_start3A_139] : memref<2500x128xi32, #tpu.memory_space<hbm>> -> memref<1x128xi32, #tpu.memory_space<hbm>>
        tpu.enqueue_dma source(%dma_start3A_140 : memref<1x128xi32, #tpu.memory_space<hbm>>) target(%arg19 : memref<1x128xi32, #tpu.memory_space<vmem>>) target_semaphore(%run_scoped3A_136 : memref<!tpu.dma_semaphore, #tpu.memory_space<semaphore_mem>>)
        %dma_wait3A_141 = arith.constant 0 : i32
        %dma_wait3A_142 = tpu.memref_slice %arg8[%add3A, %dma_wait3A_141] : memref<2500x128xi32, #tpu.memory_space<hbm>> -> memref<1x128xi32, #tpu.memory_space<hbm>>
        %dma_wait3A_143 = arith.constant 0 : i32
        %dma_wait3A_144 = tpu.memref_slice %arg8[%add3A, %dma_wait3A_143] : memref<2500x128xi32, #tpu.memory_space<hbm>> -> memref<1x128xi32, #tpu.memory_space<hbm>>
        tpu.wait_dma2 semaphore(%run_scoped3A_136 : memref<!tpu.dma_semaphore, #tpu.memory_space<semaphore_mem>>) src(%dma_wait3A_144 : memref<1x128xi32, #tpu.memory_space<hbm>>) dst(%arg19 : memref<1x128xi32, #tpu.memory_space<vmem>>)
        tpu.yield
      }) : () -> ()
      %dma_start3A = arith.constant 0 : i32
      %dma_start3A_49 = arith.constant 0 : i32
      %dma_start3A_50 = tpu.memref_slice %arg19[%dma_start3A, %dma_start3A_49] : memref<1x128xi32, #tpu.memory_space<vmem>> -> memref<1x128xi32, #tpu.memory_space<vmem>>
      %dma_start3A_51 = tpu.memref_squeeze %dma_start3A_50 : memref<1x128xi32, #tpu.memory_space<vmem>> -> memref<128xi32, #tpu.memory_space<vmem>>
      %dma_start3A_52 = arith.constant 0 : i32
      %dma_start3A_53 = arith.constant 0 : i32
      %dma_start3A_54 = tpu.memref_slice %arg2[%dma_start3A_52, %dma_start3A_53] : memref<10000x128xf32, #tpu.memory_space<hbm>> -> memref<10000x128xf32, #tpu.memory_space<hbm>>
      tpu.enqueue_indirect_dma source(%dma_start3A_54 : memref<10000x128xf32, #tpu.memory_space<hbm>>) target(%arg11 : memref<128x128xf32, #tpu.memory_space<vmem>>) offsets(%dma_start3A_51 : memref<128xi32, #tpu.memory_space<vmem>>) semaphore(%arg22 : memref<!tpu.dma_semaphore, #tpu.memory_space<semaphore_mem>>)
      %dma_start3A_55 = arith.constant 0 : i32
      %dma_start3A_56 = arith.constant 0 : i32
      %dma_start3A_57 = tpu.memref_slice %arg18[%dma_start3A_55, %dma_start3A_56] : memref<1x128xi32, #tpu.memory_space<vmem>> -> memref<1x128xi32, #tpu.memory_space<vmem>>
      %dma_start3A_58 = tpu.memref_squeeze %dma_start3A_57 : memref<1x128xi32, #tpu.memory_space<vmem>> -> memref<128xi32, #tpu.memory_space<vmem>>
      %dma_start3A_59 = arith.constant 0 : i32
      %dma_start3A_60 = arith.constant 0 : i32
      %dma_start3A_61 = tpu.memref_slice %arg3[%dma_start3A_59, %dma_start3A_60] : memref<10000x128xf32, #tpu.memory_space<hbm>> -> memref<10000x128xf32, #tpu.memory_space<hbm>>
      tpu.enqueue_indirect_dma source(%dma_start3A_61 : memref<10000x128xf32, #tpu.memory_space<hbm>>) target(%arg12 : memref<128x128xf32, #tpu.memory_space<vmem>>) offsets(%dma_start3A_58 : memref<128xi32, #tpu.memory_space<vmem>>) semaphore(%arg23 : memref<!tpu.dma_semaphore, #tpu.memory_space<semaphore_mem>>)
      %dma_start3A_62 = arith.constant 0 : i32
      %dma_start3A_63 = arith.constant 0 : i32
      %dma_start3A_64 = tpu.memref_slice %arg18[%dma_start3A_62, %dma_start3A_63] : memref<1x128xi32, #tpu.memory_space<vmem>> -> memref<1x128xi32, #tpu.memory_space<vmem>>
      %dma_start3A_65 = tpu.memref_squeeze %dma_start3A_64 : memref<1x128xi32, #tpu.memory_space<vmem>> -> memref<128xi32, #tpu.memory_space<vmem>>
      %dma_start3A_66 = arith.constant 0 : i32
      %dma_start3A_67 = arith.constant 0 : i32
      %dma_start3A_68 = tpu.memref_slice %arg4[%arg0, %dma_start3A_66, %dma_start3A_67] : memref<2x10000x64xf32, #tpu.memory_space<hbm>> -> memref<1x10000x64xf32, #tpu.memory_space<hbm>>
      %dma_start3A_69 = tpu.memref_squeeze %dma_start3A_68 : memref<1x10000x64xf32, #tpu.memory_space<hbm>> -> memref<10000x64xf32, #tpu.memory_space<hbm>>
      %dma_start3A_70 = arith.constant 0 : i32
      %dma_start3A_71 = arith.constant 0 : i32
      %dma_start3A_72 = tpu.memref_slice %dma_start3A_69[%dma_start3A_70, %dma_start3A_71] : memref<10000x64xf32, #tpu.memory_space<hbm>> -> memref<10000x64xf32, #tpu.memory_space<hbm>>
      tpu.enqueue_indirect_dma source(%dma_start3A_72 : memref<10000x64xf32, #tpu.memory_space<hbm>>) target(%arg13 : memref<128x64xf32, #tpu.memory_space<vmem>>) offsets(%dma_start3A_65 : memref<128xi32, #tpu.memory_space<vmem>>) semaphore(%arg24 : memref<!tpu.dma_semaphore, #tpu.memory_space<semaphore_mem>>)
      %dma_start3A_73 = arith.constant 0 : i32
      %dma_start3A_74 = tpu.memref_slice %arg5[%multiple_of3A, %dma_start3A_73] : memref<320000x128xf32, #tpu.memory_space<hbm>> -> memref<128x128xf32, #tpu.memory_space<hbm>>
      %dma_start3A_75 = arith.constant 0 : i32
      %dma_start3A_76 = tpu.memref_slice %arg5[%multiple_of3A, %dma_start3A_75] : memref<320000x128xf32, #tpu.memory_space<hbm>> -> memref<128x128xf32, #tpu.memory_space<hbm>>
      tpu.enqueue_dma source(%dma_start3A_76 : memref<128x128xf32, #tpu.memory_space<hbm>>) target(%arg14 : memref<128x128xf32, #tpu.memory_space<vmem>>) target_semaphore(%arg25 : memref<!tpu.dma_semaphore, #tpu.memory_space<semaphore_mem>>)
      %dma_start3A_77 = arith.constant 0 : i32
      %dma_start3A_78 = arith.constant 0 : i32
      %dma_start3A_79 = tpu.memref_slice %arg6[%arg0, %dma_start3A_77, %dma_start3A_78] : memref<2x320000x64xf32, #tpu.memory_space<hbm>> -> memref<1x320000x64xf32, #tpu.memory_space<hbm>>
      %dma_start3A_80 = tpu.memref_squeeze %dma_start3A_79 : memref<1x320000x64xf32, #tpu.memory_space<hbm>> -> memref<320000x64xf32, #tpu.memory_space<hbm>>
      %dma_start3A_81 = arith.constant 0 : i32
      %dma_start3A_82 = tpu.memref_slice %dma_start3A_80[%multiple_of3A, %dma_start3A_81] : memref<320000x64xf32, #tpu.memory_space<hbm>> -> memref<128x64xf32, #tpu.memory_space<hbm>>
      %dma_start3A_83 = arith.constant 0 : i32
      %dma_start3A_84 = arith.constant 0 : i32
      %dma_start3A_85 = tpu.memref_slice %arg6[%arg0, %dma_start3A_83, %dma_start3A_84] : memref<2x320000x64xf32, #tpu.memory_space<hbm>> -> memref<1x320000x64xf32, #tpu.memory_space<hbm>>
      %dma_start3A_86 = tpu.memref_squeeze %dma_start3A_85 : memref<1x320000x64xf32, #tpu.memory_space<hbm>> -> memref<320000x64xf32, #tpu.memory_space<hbm>>
      %dma_start3A_87 = arith.constant 0 : i32
      %dma_start3A_88 = tpu.memref_slice %dma_start3A_86[%multiple_of3A, %dma_start3A_87] : memref<320000x64xf32, #tpu.memory_space<hbm>> -> memref<128x64xf32, #tpu.memory_space<hbm>>
      tpu.enqueue_dma source(%dma_start3A_88 : memref<128x64xf32, #tpu.memory_space<hbm>>) target(%arg15 : memref<128x64xf32, #tpu.memory_space<vmem>>) target_semaphore(%arg26 : memref<!tpu.dma_semaphore, #tpu.memory_space<semaphore_mem>>)
      %dma_wait3A = arith.constant 0 : i32
      %dma_wait3A_89 = arith.constant 0 : i32
      %dma_wait3A_90 = tpu.memref_slice %arg19[%dma_wait3A, %dma_wait3A_89] : memref<1x128xi32, #tpu.memory_space<vmem>> -> memref<1x128xi32, #tpu.memory_space<vmem>>
      %dma_wait3A_91 = tpu.memref_squeeze %dma_wait3A_90 : memref<1x128xi32, #tpu.memory_space<vmem>> -> memref<128xi32, #tpu.memory_space<vmem>>
      %dma_wait3A_92 = arith.constant 0 : i32
      %dma_wait3A_93 = arith.constant 0 : i32
      %dma_wait3A_94 = tpu.memref_slice %arg2[%dma_wait3A_92, %dma_wait3A_93] : memref<10000x128xf32, #tpu.memory_space<hbm>> -> memref<10000x128xf32, #tpu.memory_space<hbm>>
      tpu.wait_indirect_dma semaphore(%arg22 : memref<!tpu.dma_semaphore, #tpu.memory_space<semaphore_mem>>) src(%dma_wait3A_94 : memref<10000x128xf32, #tpu.memory_space<hbm>>) dst(%arg11 : memref<128x128xf32, #tpu.memory_space<vmem>>)
      %dma_wait3A_95 = arith.constant 0 : i32
      %dma_wait3A_96 = arith.constant 0 : i32
      %dma_wait3A_97 = tpu.memref_slice %arg18[%dma_wait3A_95, %dma_wait3A_96] : memref<1x128xi32, #tpu.memory_space<vmem>> -> memref<1x128xi32, #tpu.memory_space<vmem>>
      %dma_wait3A_98 = tpu.memref_squeeze %dma_wait3A_97 : memref<1x128xi32, #tpu.memory_space<vmem>> -> memref<128xi32, #tpu.memory_space<vmem>>
      %dma_wait3A_99 = arith.constant 0 : i32
      %dma_wait3A_100 = arith.constant 0 : i32
      %dma_wait3A_101 = tpu.memref_slice %arg3[%dma_wait3A_99, %dma_wait3A_100] : memref<10000x128xf32, #tpu.memory_space<hbm>> -> memref<10000x128xf32, #tpu.memory_space<hbm>>
      tpu.wait_indirect_dma semaphore(%arg23 : memref<!tpu.dma_semaphore, #tpu.memory_space<semaphore_mem>>) src(%dma_wait3A_101 : memref<10000x128xf32, #tpu.memory_space<hbm>>) dst(%arg12 : memref<128x128xf32, #tpu.memory_space<vmem>>)
      %dma_wait3A_102 = arith.constant 0 : i32
      %dma_wait3A_103 = arith.constant 0 : i32
      %dma_wait3A_104 = tpu.memref_slice %arg18[%dma_wait3A_102, %dma_wait3A_103] : memref<1x128xi32, #tpu.memory_space<vmem>> -> memref<1x128xi32, #tpu.memory_space<vmem>>
      %dma_wait3A_105 = tpu.memref_squeeze %dma_wait3A_104 : memref<1x128xi32, #tpu.memory_space<vmem>> -> memref<128xi32, #tpu.memory_space<vmem>>
      %dma_wait3A_106 = arith.constant 0 : i32
      %dma_wait3A_107 = arith.constant 0 : i32
      %dma_wait3A_108 = tpu.memref_slice %arg4[%arg0, %dma_wait3A_106, %dma_wait3A_107] : memref<2x10000x64xf32, #tpu.memory_space<hbm>> -> memref<1x10000x64xf32, #tpu.memory_space<hbm>>
      %dma_wait3A_109 = tpu.memref_squeeze %dma_wait3A_108 : memref<1x10000x64xf32, #tpu.memory_space<hbm>> -> memref<10000x64xf32, #tpu.memory_space<hbm>>
      %dma_wait3A_110 = arith.constant 0 : i32
      %dma_wait3A_111 = arith.constant 0 : i32
      %dma_wait3A_112 = tpu.memref_slice %dma_wait3A_109[%dma_wait3A_110, %dma_wait3A_111] : memref<10000x64xf32, #tpu.memory_space<hbm>> -> memref<10000x64xf32, #tpu.memory_space<hbm>>
      tpu.wait_indirect_dma semaphore(%arg24 : memref<!tpu.dma_semaphore, #tpu.memory_space<semaphore_mem>>) src(%dma_wait3A_112 : memref<10000x64xf32, #tpu.memory_space<hbm>>) dst(%arg13 : memref<128x64xf32, #tpu.memory_space<vmem>>)
      %dma_wait3A_113 = arith.constant 0 : i32
      %dma_wait3A_114 = tpu.memref_slice %arg5[%multiple_of3A, %dma_wait3A_113] : memref<320000x128xf32, #tpu.memory_space<hbm>> -> memref<128x128xf32, #tpu.memory_space<hbm>>
      %dma_wait3A_115 = arith.constant 0 : i32
      %dma_wait3A_116 = tpu.memref_slice %arg5[%multiple_of3A, %dma_wait3A_115] : memref<320000x128xf32, #tpu.memory_space<hbm>> -> memref<128x128xf32, #tpu.memory_space<hbm>>
      tpu.wait_dma2 semaphore(%arg25 : memref<!tpu.dma_semaphore, #tpu.memory_space<semaphore_mem>>) src(%dma_wait3A_116 : memref<128x128xf32, #tpu.memory_space<hbm>>) dst(%arg14 : memref<128x128xf32, #tpu.memory_space<vmem>>)
      %dma_wait3A_117 = arith.constant 0 : i32
      %dma_wait3A_118 = arith.constant 0 : i32
      %dma_wait3A_119 = tpu.memref_slice %arg6[%arg0, %dma_wait3A_117, %dma_wait3A_118] : memref<2x320000x64xf32, #tpu.memory_space<hbm>> -> memref<1x320000x64xf32, #tpu.memory_space<hbm>>
      %dma_wait3A_120 = tpu.memref_squeeze %dma_wait3A_119 : memref<1x320000x64xf32, #tpu.memory_space<hbm>> -> memref<320000x64xf32, #tpu.memory_space<hbm>>
      %dma_wait3A_121 = arith.constant 0 : i32
      %dma_wait3A_122 = tpu.memref_slice %dma_wait3A_120[%multiple_of3A, %dma_wait3A_121] : memref<320000x64xf32, #tpu.memory_space<hbm>> -> memref<128x64xf32, #tpu.memory_space<hbm>>
      %dma_wait3A_123 = arith.constant 0 : i32
      %dma_wait3A_124 = arith.constant 0 : i32
      %dma_wait3A_125 = tpu.memref_slice %arg6[%arg0, %dma_wait3A_123, %dma_wait3A_124] : memref<2x320000x64xf32, #tpu.memory_space<hbm>> -> memref<1x320000x64xf32, #tpu.memory_space<hbm>>
      %dma_wait3A_126 = tpu.memref_squeeze %dma_wait3A_125 : memref<1x320000x64xf32, #tpu.memory_space<hbm>> -> memref<320000x64xf32, #tpu.memory_space<hbm>>
      %dma_wait3A_127 = arith.constant 0 : i32
      %dma_wait3A_128 = tpu.memref_slice %dma_wait3A_126[%multiple_of3A, %dma_wait3A_127] : memref<320000x64xf32, #tpu.memory_space<hbm>> -> memref<128x64xf32, #tpu.memory_space<hbm>>
      tpu.wait_dma2 semaphore(%arg26 : memref<!tpu.dma_semaphore, #tpu.memory_space<semaphore_mem>>) src(%dma_wait3A_128 : memref<128x64xf32, #tpu.memory_space<hbm>>) dst(%arg15 : memref<128x64xf32, #tpu.memory_space<vmem>>)
      %scan3A_129 = arith.constant 0 : i32
      %scan3A_130 = arith.constant 0 : i32
      %scan3A_131 = arith.constant 128 : i32
      %scan3A_132 = arith.addi %scan3A_130, %scan3A_131 : i32
      %scan3A_133 = arith.constant 1 : i32
      scf.for %scan3A_136 = %scan3A_130 to %scan3A_132 step %scan3A_133  : i32 {
        %get3A = arith.index_cast %scan3A_136 : i32 to index
        %get3A_137 = arith.constant 0 : index
        %get3A_138 = tpu.vector_load %arg12[%get3A, %get3A_137] {strides = array<i32>} : memref<128x128xf32, #tpu.memory_space<vmem>>, vector<16xf32>,
        %get3A_139 = arith.index_cast %scan3A_136 : i32 to index
        %get3A_140 = arith.constant 0 : index
        %get3A_141 = tpu.vector_load %arg14[%get3A_139, %get3A_140] {strides = array<i32>} : memref<128x128xf32, #tpu.memory_space<vmem>>, vector<16xf32>,
        %add3A_142 = arith.addf %get3A_138, %get3A_141 : vector<16xf32>
        %get3A_143 = arith.index_cast %scan3A_136 : i32 to index
        %get3A_144 = arith.constant 0 : index
        %get3A_145 = tpu.vector_load %arg11[%get3A_143, %get3A_144] {strides = array<i32>} : memref<128x128xf32, #tpu.memory_space<vmem>>, vector<16xf32>,
        %mul3A_146 = arith.mulf %get3A_145, %add3A_142 : vector<16xf32>
        %add3A_147 = arith.addf %broadcast_in_dim3A_18, %mul3A_146 : vector<16xf32>
        %get3A_148 = arith.index_cast %scan3A_136 : i32 to index
        %get3A_149 = arith.constant 16 : index
        %get3A_150 = tpu.vector_load %arg12[%get3A_148, %get3A_149] {strides = array<i32>} : memref<128x128xf32, #tpu.memory_space<vmem>>, vector<16xf32>,
        %get3A_151 = arith.index_cast %scan3A_136 : i32 to index
        %get3A_152 = arith.constant 16 : index
        %get3A_153 = tpu.vector_load %arg14[%get3A_151, %get3A_152] {strides = array<i32>} : memref<128x128xf32, #tpu.memory_space<vmem>>, vector<16xf32>,
        %add3A_154 = arith.addf %get3A_150, %get3A_153 : vector<16xf32>
        %get3A_155 = arith.index_cast %scan3A_136 : i32 to index
        %get3A_156 = arith.constant 16 : index
        %get3A_157 = tpu.vector_load %arg11[%get3A_155, %get3A_156] {strides = array<i32>} : memref<128x128xf32, #tpu.memory_space<vmem>>, vector<16xf32>,
        %mul3A_158 = arith.mulf %get3A_157, %add3A_154 : vector<16xf32>
        %add3A_159 = arith.addf %add3A_147, %mul3A_158 : vector<16xf32>
        %get3A_160 = arith.index_cast %scan3A_136 : i32 to index
        %get3A_161 = arith.constant 32 : index
        %get3A_162 = tpu.vector_load %arg12[%get3A_160, %get3A_161] {strides = array<i32>} : memref<128x128xf32, #tpu.memory_space<vmem>>, vector<16xf32>,
        %get3A_163 = arith.index_cast %scan3A_136 : i32 to index
        %get3A_164 = arith.constant 32 : index
        %get3A_165 = tpu.vector_load %arg14[%get3A_163, %get3A_164] {strides = array<i32>} : memref<128x128xf32, #tpu.memory_space<vmem>>, vector<16xf32>,
        %add3A_166 = arith.addf %get3A_162, %get3A_165 : vector<16xf32>
        %get3A_167 = arith.index_cast %scan3A_136 : i32 to index
        %get3A_168 = arith.constant 32 : index
        %get3A_169 = tpu.vector_load %arg11[%get3A_167, %get3A_168] {strides = array<i32>} : memref<128x128xf32, #tpu.memory_space<vmem>>, vector<16xf32>,
        %mul3A_170 = arith.mulf %get3A_169, %add3A_166 : vector<16xf32>
        %add3A_171 = arith.addf %add3A_159, %mul3A_170 : vector<16xf32>
        %get3A_172 = arith.index_cast %scan3A_136 : i32 to index
        %get3A_173 = arith.constant 48 : index
        %get3A_174 = tpu.vector_load %arg12[%get3A_172, %get3A_173] {strides = array<i32>} : memref<128x128xf32, #tpu.memory_space<vmem>>, vector<16xf32>,
        %get3A_175 = arith.index_cast %scan3A_136 : i32 to index
        %get3A_176 = arith.constant 48 : index
        %get3A_177 = tpu.vector_load %arg14[%get3A_175, %get3A_176] {strides = array<i32>} : memref<128x128xf32, #tpu.memory_space<vmem>>, vector<16xf32>,
        %add3A_178 = arith.addf %get3A_174, %get3A_177 : vector<16xf32>
        %get3A_179 = arith.index_cast %scan3A_136 : i32 to index
        %get3A_180 = arith.constant 48 : index
        %get3A_181 = tpu.vector_load %arg11[%get3A_179, %get3A_180] {strides = array<i32>} : memref<128x128xf32, #tpu.memory_space<vmem>>, vector<16xf32>,
        %mul3A_182 = arith.mulf %get3A_181, %add3A_178 : vector<16xf32>
        %add3A_183 = arith.addf %add3A_171, %mul3A_182 : vector<16xf32>
        %get3A_184 = arith.index_cast %scan3A_136 : i32 to index
        %get3A_185 = arith.constant 64 : index
        %get3A_186 = tpu.vector_load %arg12[%get3A_184, %get3A_185] {strides = array<i32>} : memref<128x128xf32, #tpu.memory_space<vmem>>, vector<16xf32>,
        %get3A_187 = arith.index_cast %scan3A_136 : i32 to index
        %get3A_188 = arith.constant 64 : index
        %get3A_189 = tpu.vector_load %arg14[%get3A_187, %get3A_188] {strides = array<i32>} : memref<128x128xf32, #tpu.memory_space<vmem>>, vector<16xf32>,
        %add3A_190 = arith.addf %get3A_186, %get3A_189 : vector<16xf32>
        %get3A_191 = arith.index_cast %scan3A_136 : i32 to index
        %get3A_192 = arith.constant 64 : index
        %get3A_193 = tpu.vector_load %arg11[%get3A_191, %get3A_192] {strides = array<i32>} : memref<128x128xf32, #tpu.memory_space<vmem>>, vector<16xf32>,
        %mul3A_194 = arith.mulf %get3A_193, %add3A_190 : vector<16xf32>
        %add3A_195 = arith.addf %add3A_183, %mul3A_194 : vector<16xf32>
        %get3A_196 = arith.index_cast %scan3A_136 : i32 to index
        %get3A_197 = arith.constant 80 : index
        %get3A_198 = tpu.vector_load %arg12[%get3A_196, %get3A_197] {strides = array<i32>} : memref<128x128xf32, #tpu.memory_space<vmem>>, vector<16xf32>,
        %get3A_199 = arith.index_cast %scan3A_136 : i32 to index
        %get3A_200 = arith.constant 80 : index
        %get3A_201 = tpu.vector_load %arg14[%get3A_199, %get3A_200] {strides = array<i32>} : memref<128x128xf32, #tpu.memory_space<vmem>>, vector<16xf32>,
        %add3A_202 = arith.addf %get3A_198, %get3A_201 : vector<16xf32>
        %get3A_203 = arith.index_cast %scan3A_136 : i32 to index
        %get3A_204 = arith.constant 80 : index
        %get3A_205 = tpu.vector_load %arg11[%get3A_203, %get3A_204] {strides = array<i32>} : memref<128x128xf32, #tpu.memory_space<vmem>>, vector<16xf32>,
        %mul3A_206 = arith.mulf %get3A_205, %add3A_202 : vector<16xf32>
        %add3A_207 = arith.addf %add3A_195, %mul3A_206 : vector<16xf32>
        %get3A_208 = arith.index_cast %scan3A_136 : i32 to index
        %get3A_209 = arith.constant 96 : index
        %get3A_210 = tpu.vector_load %arg12[%get3A_208, %get3A_209] {strides = array<i32>} : memref<128x128xf32, #tpu.memory_space<vmem>>, vector<16xf32>,
        %get3A_211 = arith.index_cast %scan3A_136 : i32 to index
        %get3A_212 = arith.constant 96 : index
        %get3A_213 = tpu.vector_load %arg14[%get3A_211, %get3A_212] {strides = array<i32>} : memref<128x128xf32, #tpu.memory_space<vmem>>, vector<16xf32>,
        %add3A_214 = arith.addf %get3A_210, %get3A_213 : vector<16xf32>
        %get3A_215 = arith.index_cast %scan3A_136 : i32 to index
        %get3A_216 = arith.constant 96 : index
        %get3A_217 = tpu.vector_load %arg11[%get3A_215, %get3A_216] {strides = array<i32>} : memref<128x128xf32, #tpu.memory_space<vmem>>, vector<16xf32>,
        %mul3A_218 = arith.mulf %get3A_217, %add3A_214 : vector<16xf32>
        %add3A_219 = arith.addf %add3A_207, %mul3A_218 : vector<16xf32>
        %get3A_220 = arith.index_cast %scan3A_136 : i32 to index
        %get3A_221 = arith.constant 112 : index
        %get3A_222 = tpu.vector_load %arg12[%get3A_220, %get3A_221] {strides = array<i32>} : memref<128x128xf32, #tpu.memory_space<vmem>>, vector<16xf32>,
        %get3A_223 = arith.index_cast %scan3A_136 : i32 to index
        %get3A_224 = arith.constant 112 : index
        %get3A_225 = tpu.vector_load %arg14[%get3A_223, %get3A_224] {strides = array<i32>} : memref<128x128xf32, #tpu.memory_space<vmem>>, vector<16xf32>,
        %add3A_226 = arith.addf %get3A_222, %get3A_225 : vector<16xf32>
        %get3A_227 = arith.index_cast %scan3A_136 : i32 to index
        %get3A_228 = arith.constant 112 : index
        %get3A_229 = tpu.vector_load %arg11[%get3A_227, %get3A_228] {strides = array<i32>} : memref<128x128xf32, #tpu.memory_space<vmem>>, vector<16xf32>,
        %mul3A_230 = arith.mulf %get3A_229, %add3A_226 : vector<16xf32>
        %add3A_231 = arith.addf %add3A_219, %mul3A_230 : vector<16xf32>
        %reduce_sum3A = arith.constant true
        %reduce_sum3A_232 = vector.broadcast %reduce_sum3A : i1 to vector<16xi1>
        %reduce_sum3A_233 = tpu.scan <sum>, %add3A_231 masked %reduce_sum3A_232 : vector<16xf32>, vector<16xi1> -> vector<16xf32>
        %reduce_sum3A_234 = vector.extract %reduce_sum3A_233[15] : f32 from vector<16xf32>
        %broadcast_in_dim3A_235 = vector.broadcast %reduce_sum3A_234 : f32 to vector<16xf32>
        %exp3A = math.exp %broadcast_in_dim3A_235 : vector<16xf32>
        %get3A_236 = arith.index_cast %scan3A_136 : i32 to index
        %get3A_237 = arith.constant 0 : index
        %get3A_238 = tpu.vector_load %arg13[%get3A_236, %get3A_237] {strides = array<i32>} : memref<128x64xf32, #tpu.memory_space<vmem>>, vector<16xf32>,
        %get3A_239 = arith.index_cast %scan3A_136 : i32 to index
        %get3A_240 = arith.constant 0 : index
        %get3A_241 = tpu.vector_load %arg15[%get3A_239, %get3A_240] {strides = array<i32>} : memref<128x64xf32, #tpu.memory_space<vmem>>, vector<16xf32>,
        %add3A_242 = arith.addf %get3A_238, %get3A_241 : vector<16xf32>
        %mul3A_243 = arith.mulf %add3A_242, %exp3A : vector<16xf32>
        %swap3A = arith.index_cast %scan3A_136 : i32 to index
        %swap3A_244 = arith.constant 0 : index
        %swap3A_245 = tpu.vector_load %arg16[%swap3A, %swap3A_244] {strides = array<i32>} : memref<128x64xf32, #tpu.memory_space<vmem>>, vector<16xf32>,
        tpu.vector_store %arg16[%swap3A, %swap3A_244], %mul3A_243 {strides = array<i32>} : memref<128x64xf32, #tpu.memory_space<vmem>>, vector<16xf32>,
        %get3A_246 = arith.index_cast %scan3A_136 : i32 to index
        %get3A_247 = arith.constant 16 : index
        %get3A_248 = tpu.vector_load %arg13[%get3A_246, %get3A_247] {strides = array<i32>} : memref<128x64xf32, #tpu.memory_space<vmem>>, vector<16xf32>,
        %get3A_249 = arith.index_cast %scan3A_136 : i32 to index
        %get3A_250 = arith.constant 16 : index
        %get3A_251 = tpu.vector_load %arg15[%get3A_249, %get3A_250] {strides = array<i32>} : memref<128x64xf32, #tpu.memory_space<vmem>>, vector<16xf32>,
        %add3A_252 = arith.addf %get3A_248, %get3A_251 : vector<16xf32>
        %mul3A_253 = arith.mulf %add3A_252, %exp3A : vector<16xf32>
        %swap3A_254 = arith.index_cast %scan3A_136 : i32 to index
        %swap3A_255 = arith.constant 16 : index
        %swap3A_256 = tpu.vector_load %arg16[%swap3A_254, %swap3A_255] {strides = array<i32>} : memref<128x64xf32, #tpu.memory_space<vmem>>, vector<16xf32>,
        tpu.vector_store %arg16[%swap3A_254, %swap3A_255], %mul3A_253 {strides = array<i32>} : memref<128x64xf32, #tpu.memory_space<vmem>>, vector<16xf32>,
        %get3A_257 = arith.index_cast %scan3A_136 : i32 to index
        %get3A_258 = arith.constant 32 : index
        %get3A_259 = tpu.vector_load %arg13[%get3A_257, %get3A_258] {strides = array<i32>} : memref<128x64xf32, #tpu.memory_space<vmem>>, vector<16xf32>,
        %get3A_260 = arith.index_cast %scan3A_136 : i32 to index
        %get3A_261 = arith.constant 32 : index
        %get3A_262 = tpu.vector_load %arg15[%get3A_260, %get3A_261] {strides = array<i32>} : memref<128x64xf32, #tpu.memory_space<vmem>>, vector<16xf32>,
        %add3A_263 = arith.addf %get3A_259, %get3A_262 : vector<16xf32>
        %mul3A_264 = arith.mulf %add3A_263, %exp3A : vector<16xf32>
        %swap3A_265 = arith.index_cast %scan3A_136 : i32 to index
        %swap3A_266 = arith.constant 32 : index
        %swap3A_267 = tpu.vector_load %arg16[%swap3A_265, %swap3A_266] {strides = array<i32>} : memref<128x64xf32, #tpu.memory_space<vmem>>, vector<16xf32>,
        tpu.vector_store %arg16[%swap3A_265, %swap3A_266], %mul3A_264 {strides = array<i32>} : memref<128x64xf32, #tpu.memory_space<vmem>>, vector<16xf32>,
        %get3A_268 = arith.index_cast %scan3A_136 : i32 to index
        %get3A_269 = arith.constant 48 : index
        %get3A_270 = tpu.vector_load %arg13[%get3A_268, %get3A_269] {strides = array<i32>} : memref<128x64xf32, #tpu.memory_space<vmem>>, vector<16xf32>,
        %get3A_271 = arith.index_cast %scan3A_136 : i32 to index
        %get3A_272 = arith.constant 48 : index
        %get3A_273 = tpu.vector_load %arg15[%get3A_271, %get3A_272] {strides = array<i32>} : memref<128x64xf32, #tpu.memory_space<vmem>>, vector<16xf32>,
        %add3A_274 = arith.addf %get3A_270, %get3A_273 : vector<16xf32>
        %mul3A_275 = arith.mulf %add3A_274, %exp3A : vector<16xf32>
        %swap3A_276 = arith.index_cast %scan3A_136 : i32 to index
        %swap3A_277 = arith.constant 48 : index
        %swap3A_278 = tpu.vector_load %arg16[%swap3A_276, %swap3A_277] {strides = array<i32>} : memref<128x64xf32, #tpu.memory_space<vmem>>, vector<16xf32>,
        tpu.vector_store %arg16[%swap3A_276, %swap3A_277], %mul3A_275 {strides = array<i32>} : memref<128x64xf32, #tpu.memory_space<vmem>>, vector<16xf32>,
        %eq3A = arith.constant 0 : i32
        %eq3A_279 = vector.broadcast %eq3A : i32 to vector<16xi32>
        %eq3A_280 = arith.cmpi eq, %iota3A, %eq3A_279 : vector<16xi32>
        %jit3A_281 = arith.constant 0.000000e+00 : f32
        %broadcast_in_dim3A_282 = vector.broadcast %jit3A_281 : f32 to vector<16xf32>
        %select_n3A_283 = arith.select %eq3A_280, %exp3A, %broadcast_in_dim3A_282 : vector<16xi1>, vector<16xf32>
        %swap3A_284 = arith.index_cast %scan3A_136 : i32 to index
        %swap3A_285 = arith.constant 0 : index
        %swap3A_286 = tpu.vector_load %arg17[%swap3A_284, %swap3A_285] {strides = array<i32>} : memref<128x16xf32, #tpu.memory_space<vmem>>, vector<16xf32>,
        tpu.vector_store %arg17[%swap3A_284, %swap3A_285], %select_n3A_283 {strides = array<i32>} : memref<128x16xf32, #tpu.memory_space<vmem>>, vector<16xf32>,
      }
      %scan3A_134 = arith.constant 128 : i32
      %run_scoped3A = arith.constant 0 : i32
      "tpu.region"() ({
        %run_scoped3A_136 = tpu.sem_alloc : memref<!tpu.dma_semaphore, #tpu.memory_space<semaphore_mem>>
        %dma_start3A_137 = arith.constant 0 : i32
        %dma_start3A_138 = tpu.memref_slice %arg19[%run_scoped3A, %dma_start3A_137] : memref<1x128xi32, #tpu.memory_space<vmem>> -> memref<1x128xi32, #tpu.memory_space<vmem>>
        %dma_start3A_139 = tpu.memref_squeeze %dma_start3A_138 : memref<1x128xi32, #tpu.memory_space<vmem>> -> memref<128xi32, #tpu.memory_space<vmem>>
        %dma_start3A_140 = arith.constant 0 : i32
        %dma_start3A_141 = arith.constant 0 : i32
        %dma_start3A_142 = tpu.memref_slice %arg20[%dma_start3A_140, %dma_start3A_141] : memref<10000x64xf32, #tpu.memory_space<vmem_shared>> -> memref<10000x64xf32, #tpu.memory_space<vmem_shared>>
        tpu.enqueue_indirect_dma source(%arg16 : memref<128x64xf32, #tpu.memory_space<vmem>>) target(%dma_start3A_142 : memref<10000x64xf32, #tpu.memory_space<vmem_shared>>) offsets(%dma_start3A_139 : memref<128xi32, #tpu.memory_space<vmem>>) semaphore(%run_scoped3A_136 : memref<!tpu.dma_semaphore, #tpu.memory_space<semaphore_mem>>) {add = true}
        %dma_wait3A_143 = arith.constant 0 : i32
        %dma_wait3A_144 = tpu.memref_slice %arg19[%run_scoped3A, %dma_wait3A_143] : memref<1x128xi32, #tpu.memory_space<vmem>> -> memref<1x128xi32, #tpu.memory_space<vmem>>
        %dma_wait3A_145 = tpu.memref_squeeze %dma_wait3A_144 : memref<1x128xi32, #tpu.memory_space<vmem>> -> memref<128xi32, #tpu.memory_space<vmem>>
        %dma_wait3A_146 = arith.constant 0 : i32
        %dma_wait3A_147 = arith.constant 0 : i32
        %dma_wait3A_148 = tpu.memref_slice %arg20[%dma_wait3A_146, %dma_wait3A_147] : memref<10000x64xf32, #tpu.memory_space<vmem_shared>> -> memref<10000x64xf32, #tpu.memory_space<vmem_shared>>
        tpu.wait_indirect_dma semaphore(%run_scoped3A_136 : memref<!tpu.dma_semaphore, #tpu.memory_space<semaphore_mem>>) src(%arg16 : memref<128x64xf32, #tpu.memory_space<vmem>>) dst(%dma_wait3A_148 : memref<10000x64xf32, #tpu.memory_space<vmem_shared>>)
        tpu.yield
      }) : () -> ()
      %run_scoped3A_135 = arith.constant 0 : i32
      "tpu.region"() ({
        %run_scoped3A_136 = tpu.sem_alloc : memref<!tpu.dma_semaphore, #tpu.memory_space<semaphore_mem>>
        %dma_start3A_137 = arith.constant 0 : i32
        %dma_start3A_138 = tpu.memref_slice %arg19[%run_scoped3A_135, %dma_start3A_137] : memref<1x128xi32, #tpu.memory_space<vmem>> -> memref<1x128xi32, #tpu.memory_space<vmem>>
        %dma_start3A_139 = tpu.memref_squeeze %dma_start3A_138 : memref<1x128xi32, #tpu.memory_space<vmem>> -> memref<128xi32, #tpu.memory_space<vmem>>
        %dma_start3A_140 = arith.constant 0 : i32
        %dma_start3A_141 = arith.constant 0 : i32
        %dma_start3A_142 = tpu.memref_slice %arg21[%dma_start3A_140, %dma_start3A_141] : memref<10000x16xf32, #tpu.memory_space<vmem_shared>> -> memref<10000x16xf32, #tpu.memory_space<vmem_shared>>
        tpu.enqueue_indirect_dma source(%arg17 : memref<128x16xf32, #tpu.memory_space<vmem>>) target(%dma_start3A_142 : memref<10000x16xf32, #tpu.memory_space<vmem_shared>>) offsets(%dma_start3A_139 : memref<128xi32, #tpu.memory_space<vmem>>) semaphore(%run_scoped3A_136 : memref<!tpu.dma_semaphore, #tpu.memory_space<semaphore_mem>>) {add = true}
        %dma_wait3A_143 = arith.constant 0 : i32
        %dma_wait3A_144 = tpu.memref_slice %arg19[%run_scoped3A_135, %dma_wait3A_143] : memref<1x128xi32, #tpu.memory_space<vmem>> -> memref<1x128xi32, #tpu.memory_space<vmem>>
        %dma_wait3A_145 = tpu.memref_squeeze %dma_wait3A_144 : memref<1x128xi32, #tpu.memory_space<vmem>> -> memref<128xi32, #tpu.memory_space<vmem>>
        %dma_wait3A_146 = arith.constant 0 : i32
        %dma_wait3A_147 = arith.constant 0 : i32
        %dma_wait3A_148 = tpu.memref_slice %arg21[%dma_wait3A_146, %dma_wait3A_147] : memref<10000x16xf32, #tpu.memory_space<vmem_shared>> -> memref<10000x16xf32, #tpu.memory_space<vmem_shared>>
        tpu.wait_indirect_dma semaphore(%run_scoped3A_136 : memref<!tpu.dma_semaphore, #tpu.memory_space<semaphore_mem>>) src(%arg17 : memref<128x16xf32, #tpu.memory_space<vmem>>) dst(%dma_wait3A_148 : memref<10000x16xf32, #tpu.memory_space<vmem_shared>>)
        tpu.yield
      }) : () -> ()
    }
    %barrier3A_34 = arith.constant 0 : index
    tpu.barrier barrier_id(%barrier3A_34)
    %while3A_35 = arith.constant 0 : i32
    %while3A_36 = arith.constant 0 : i32
    %while3A_37 = arith.subi %select_n3A, %while3A_36 : i32
    %while3A_38 = arith.addi %while3A_36, %while3A_37 : i32
    %while3A_39 = arith.constant 1 : i32
    %while3A_40 = arith.divsi %while3A_37, %while3A_39 : i32
    %while3A_41 = arith.muli %while3A_40, %while3A_39 : i32
    %while3A_42 = arith.addi %while3A_36, %while3A_41 : i32
    %while3A_43 = arith.constant 1 : i32
    scf.for %while3A_45 = %while3A_36 to %while3A_42 step %while3A_43  : i32 {
      %mul3A = arith.constant 16 : i32
      %mul3A_46 = arith.muli %while3A_45, %mul3A : i32
      %add3A = arith.addi %arg1, %mul3A_46 : i32
      %mul3A_47 = arith.constant 80 : i32
      %mul3A_48 = arith.muli %add3A, %mul3A_47 : i32
      %multiple_of3A = tpu.assume_multiple %mul3A_48, 80 : i32
      "tpu.region"() ({
        %run_scoped3A = tpu.sem_alloc : memref<!tpu.dma_semaphore, #tpu.memory_space<semaphore_mem>>
        %dma_start3A = arith.constant 0 : i32
        %dma_start3A_49 = tpu.memref_slice %arg9[%arg0, %multiple_of3A, %dma_start3A] : memref<2x10000x64xf32, #tpu.memory_space<hbm>> -> memref<1x80x64xf32, #tpu.memory_space<hbm>>
        %dma_start3A_50 = tpu.memref_squeeze %dma_start3A_49 : memref<1x80x64xf32, #tpu.memory_space<hbm>> -> memref<80x64xf32, #tpu.memory_space<hbm>>
        %dma_start3A_51 = arith.constant 0 : i32
        %dma_start3A_52 = tpu.memref_slice %arg20[%multiple_of3A, %dma_start3A_51] : memref<10000x64xf32, #tpu.memory_space<vmem_shared>> -> memref<80x64xf32, #tpu.memory_space<vmem_shared>>
        tpu.enqueue_dma source(%dma_start3A_52 : memref<80x64xf32, #tpu.memory_space<vmem_shared>>) target(%dma_start3A_50 : memref<80x64xf32, #tpu.memory_space<hbm>>) target_semaphore(%run_scoped3A : memref<!tpu.dma_semaphore, #tpu.memory_space<semaphore_mem>>)
        %dma_wait3A = arith.constant 0 : i32
        %dma_wait3A_53 = tpu.memref_slice %arg9[%arg0, %multiple_of3A, %dma_wait3A] : memref<2x10000x64xf32, #tpu.memory_space<hbm>> -> memref<1x80x64xf32, #tpu.memory_space<hbm>>
        %dma_wait3A_54 = tpu.memref_squeeze %dma_wait3A_53 : memref<1x80x64xf32, #tpu.memory_space<hbm>> -> memref<80x64xf32, #tpu.memory_space<hbm>>
        %dma_wait3A_55 = arith.constant 0 : i32
        %dma_wait3A_56 = tpu.memref_slice %arg20[%multiple_of3A, %dma_wait3A_55] : memref<10000x64xf32, #tpu.memory_space<vmem_shared>> -> memref<80x64xf32, #tpu.memory_space<vmem_shared>>
        tpu.wait_dma2 semaphore(%run_scoped3A : memref<!tpu.dma_semaphore, #tpu.memory_space<semaphore_mem>>) src(%dma_wait3A_56 : memref<80x64xf32, #tpu.memory_space<vmem_shared>>) dst(%dma_wait3A_54 : memref<80x64xf32, #tpu.memory_space<hbm>>)
        tpu.yield
      }) : () -> ()
      "tpu.region"() ({
        %run_scoped3A = tpu.sem_alloc : memref<!tpu.dma_semaphore, #tpu.memory_space<semaphore_mem>>
        %dma_start3A = arith.constant 0 : i32
        %dma_start3A_49 = tpu.memref_slice %arg10[%arg0, %multiple_of3A, %dma_start3A] : memref<2x10000x16xf32, #tpu.memory_space<hbm>> -> memref<1x80x16xf32, #tpu.memory_space<hbm>>
        %dma_start3A_50 = tpu.memref_squeeze %dma_start3A_49 : memref<1x80x16xf32, #tpu.memory_space<hbm>> -> memref<80x16xf32, #tpu.memory_space<hbm>>
        %dma_start3A_51 = arith.constant 0 : i32
        %dma_start3A_52 = tpu.memref_slice %arg21[%multiple_of3A, %dma_start3A_51] : memref<10000x16xf32, #tpu.memory_space<vmem_shared>> -> memref<80x16xf32, #tpu.memory_space<vmem_shared>>
        tpu.enqueue_dma source(%dma_start3A_52 : memref<80x16xf32, #tpu.memory_space<vmem_shared>>) target(%dma_start3A_50 : memref<80x16xf32, #tpu.memory_space<hbm>>) target_semaphore(%run_scoped3A : memref<!tpu.dma_semaphore, #tpu.memory_space<semaphore_mem>>)
        %dma_wait3A = arith.constant 0 : i32
        %dma_wait3A_53 = tpu.memref_slice %arg10[%arg0, %multiple_of3A, %dma_wait3A] : memref<2x10000x16xf32, #tpu.memory_space<hbm>> -> memref<1x80x16xf32, #tpu.memory_space<hbm>>
        %dma_wait3A_54 = tpu.memref_squeeze %dma_wait3A_53 : memref<1x80x16xf32, #tpu.memory_space<hbm>> -> memref<80x16xf32, #tpu.memory_space<hbm>>
        %dma_wait3A_55 = arith.constant 0 : i32
        %dma_wait3A_56 = tpu.memref_slice %arg21[%multiple_of3A, %dma_wait3A_55] : memref<10000x16xf32, #tpu.memory_space<vmem_shared>> -> memref<80x16xf32, #tpu.memory_space<vmem_shared>>
        tpu.wait_dma2 semaphore(%run_scoped3A : memref<!tpu.dma_semaphore, #tpu.memory_space<semaphore_mem>>) src(%dma_wait3A_56 : memref<80x16xf32, #tpu.memory_space<vmem_shared>>) dst(%dma_wait3A_54 : memref<80x16xf32, #tpu.memory_space<hbm>>)
        tpu.yield
      }) : () -> ()
    }
    %while3A_44 = arith.constant 1 : i32
    scf.for %while3A_45 = %while3A_42 to %while3A_38 step %while3A_44  : i32 {
      %mul3A = arith.constant 16 : i32
      %mul3A_46 = arith.muli %while3A_45, %mul3A : i32
      %add3A = arith.addi %arg1, %mul3A_46 : i32
      %mul3A_47 = arith.constant 80 : i32
      %mul3A_48 = arith.muli %add3A, %mul3A_47 : i32
      %multiple_of3A = tpu.assume_multiple %mul3A_48, 80 : i32
      "tpu.region"() ({
        %run_scoped3A = tpu.sem_alloc : memref<!tpu.dma_semaphore, #tpu.memory_space<semaphore_mem>>
        %dma_start3A = arith.constant 0 : i32
        %dma_start3A_49 = tpu.memref_slice %arg9[%arg0, %multiple_of3A, %dma_start3A] : memref<2x10000x64xf32, #tpu.memory_space<hbm>> -> memref<1x80x64xf32, #tpu.memory_space<hbm>>
        %dma_start3A_50 = tpu.memref_squeeze %dma_start3A_49 : memref<1x80x64xf32, #tpu.memory_space<hbm>> -> memref<80x64xf32, #tpu.memory_space<hbm>>
        %dma_start3A_51 = arith.constant 0 : i32
        %dma_start3A_52 = tpu.memref_slice %arg20[%multiple_of3A, %dma_start3A_51] : memref<10000x64xf32, #tpu.memory_space<vmem_shared>> -> memref<80x64xf32, #tpu.memory_space<vmem_shared>>
        tpu.enqueue_dma source(%dma_start3A_52 : memref<80x64xf32, #tpu.memory_space<vmem_shared>>) target(%dma_start3A_50 : memref<80x64xf32, #tpu.memory_space<hbm>>) target_semaphore(%run_scoped3A : memref<!tpu.dma_semaphore, #tpu.memory_space<semaphore_mem>>)
        %dma_wait3A = arith.constant 0 : i32
        %dma_wait3A_53 = tpu.memref_slice %arg9[%arg0, %multiple_of3A, %dma_wait3A] : memref<2x10000x64xf32, #tpu.memory_space<hbm>> -> memref<1x80x64xf32, #tpu.memory_space<hbm>>
        %dma_wait3A_54 = tpu.memref_squeeze %dma_wait3A_53 : memref<1x80x64xf32, #tpu.memory_space<hbm>> -> memref<80x64xf32, #tpu.memory_space<hbm>>
        %dma_wait3A_55 = arith.constant 0 : i32
        %dma_wait3A_56 = tpu.memref_slice %arg20[%multiple_of3A, %dma_wait3A_55] : memref<10000x64xf32, #tpu.memory_space<vmem_shared>> -> memref<80x64xf32, #tpu.memory_space<vmem_shared>>
        tpu.wait_dma2 semaphore(%run_scoped3A : memref<!tpu.dma_semaphore, #tpu.memory_space<semaphore_mem>>) src(%dma_wait3A_56 : memref<80x64xf32, #tpu.memory_space<vmem_shared>>) dst(%dma_wait3A_54 : memref<80x64xf32, #tpu.memory_space<hbm>>)
        tpu.yield
      }) : () -> ()
      "tpu.region"() ({
        %run_scoped3A = tpu.sem_alloc : memref<!tpu.dma_semaphore, #tpu.memory_space<semaphore_mem>>
        %dma_start3A = arith.constant 0 : i32
        %dma_start3A_49 = tpu.memref_slice %arg10[%arg0, %multiple_of3A, %dma_start3A] : memref<2x10000x16xf32, #tpu.memory_space<hbm>> -> memref<1x80x16xf32, #tpu.memory_space<hbm>>
        %dma_start3A_50 = tpu.memref_squeeze %dma_start3A_49 : memref<1x80x16xf32, #tpu.memory_space<hbm>> -> memref<80x16xf32, #tpu.memory_space<hbm>>
        %dma_start3A_51 = arith.constant 0 : i32
        %dma_start3A_52 = tpu.memref_slice %arg21[%multiple_of3A, %dma_start3A_51] : memref<10000x16xf32, #tpu.memory_space<vmem_shared>> -> memref<80x16xf32, #tpu.memory_space<vmem_shared>>
        tpu.enqueue_dma source(%dma_start3A_52 : memref<80x16xf32, #tpu.memory_space<vmem_shared>>) target(%dma_start3A_50 : memref<80x16xf32, #tpu.memory_space<hbm>>) target_semaphore(%run_scoped3A : memref<!tpu.dma_semaphore, #tpu.memory_space<semaphore_mem>>)
        %dma_wait3A = arith.constant 0 : i32
        %dma_wait3A_53 = tpu.memref_slice %arg10[%arg0, %multiple_of3A, %dma_wait3A] : memref<2x10000x16xf32, #tpu.memory_space<hbm>> -> memref<1x80x16xf32, #tpu.memory_space<hbm>>
        %dma_wait3A_54 = tpu.memref_squeeze %dma_wait3A_53 : memref<1x80x16xf32, #tpu.memory_space<hbm>> -> memref<80x16xf32, #tpu.memory_space<hbm>>
        %dma_wait3A_55 = arith.constant 0 : i32
        %dma_wait3A_56 = tpu.memref_slice %arg21[%multiple_of3A, %dma_wait3A_55] : memref<10000x16xf32, #tpu.memory_space<vmem_shared>> -> memref<80x16xf32, #tpu.memory_space<vmem_shared>>
        tpu.wait_dma2 semaphore(%run_scoped3A : memref<!tpu.dma_semaphore, #tpu.memory_space<semaphore_mem>>) src(%dma_wait3A_56 : memref<80x16xf32, #tpu.memory_space<vmem_shared>>) dst(%dma_wait3A_54 : memref<80x16xf32, #tpu.memory_space<hbm>>)
        tpu.yield
      }) : () -> ()
    }
    return
  }
}

module attributes {stable_mosaic.version = 14 : i64} {
  func.func @_mm_body(%arg0: i32, %arg1: memref<400x128xf32, #tpu.memory_space<vmem>>, %arg2: memref<128x512xf32, #tpu.memory_space<vmem>>, %arg3: memref<1x512xf32, #tpu.memory_space<vmem>>, %arg4: memref<400x512xf32, #tpu.memory_space<vmem>>) attributes {dimension_semantics = [#tpu.dimension_semantics<arbitrary>], iteration_bounds = array<i64: 25>, scalar_prefetch = 0 : i64, scratch_operands = 0 : i64, tpu.core_type = #tpu.core_type<tc>, window_params = [{transform_indices = @transform_0, window_bounds = array<i64: 400, 128>}, {pipeline_mode = #tpu.pipeline_mode<synchronous>, transform_indices = @transform_1, window_bounds = array<i64: 128, 512>}, {pipeline_mode = #tpu.pipeline_mode<synchronous>, transform_indices = @transform_2, window_bounds = array<i64: 1, 512>}, {transform_indices = @transform_3, window_bounds = array<i64: 400, 512>}]} {
    %get3A = arith.constant 0 : index
    %get3A_0 = arith.constant 0 : index
    %get3A_1 = vector.load %arg1[%get3A, %get3A_0] : memref<400x128xf32, #tpu.memory_space<vmem>>, vector<400x128xf32>
    %get3A_2 = arith.constant 0 : index
    %get3A_3 = arith.constant 0 : index
    %get3A_4 = vector.load %arg2[%get3A_2, %get3A_3] : memref<128x512xf32, #tpu.memory_space<vmem>>, vector<128x512xf32>
    %dot_general3A = arith.constant dense<0.000000e+00> : vector<400x512xf32>
    %dot_general3A_5 = tpu.matmul %get3A_1, %get3A_4, %dot_general3A {dimension_numbers = #tpu.dot_dimension_numbers<[1], [0], [0], [1], [0, 0, 1, 1], [], []>, transpose_lhs_hint = false} : vector<400x128xf32>, vector<128x512xf32>, vector<400x512xf32> -> vector<400x512xf32>
    %get3A_6 = arith.constant 0 : index
    %get3A_7 = arith.constant 0 : index
    %get3A_8 = vector.load %arg3[%get3A_6, %get3A_7] : memref<1x512xf32, #tpu.memory_space<vmem>>, vector<1x512xf32>
    %add3A = vector.broadcast %get3A_8 : vector<1x512xf32> to vector<400x512xf32>
    %add3A_9 = arith.addf %dot_general3A_5, %add3A : vector<400x512xf32>
    %swap3A = arith.constant 0 : index
    %swap3A_10 = arith.constant 0 : index
    %swap3A_11 = vector.load %arg4[%swap3A, %swap3A_10] : memref<400x512xf32, #tpu.memory_space<vmem>>, vector<400x512xf32>
    tpu.vector_store %arg4[%swap3A, %swap3A_10], %add3A_9 {strides = array<i32>} : memref<400x512xf32, #tpu.memory_space<vmem>>, vector<400x512xf32>,
    return
  }
  func.func @transform_0(%arg0: i32) -> (i32, i32) {
    %c0_i32 = arith.constant 0 : i32
    %c0_i32_0 = arith.constant 0 : i32
    return %arg0, %c0_i32 : i32, i32
  }
  func.func @transform_1(%arg0: i32) -> (i32, i32) {
    %c0_i32 = arith.constant 0 : i32
    %c0_i32_0 = arith.constant 0 : i32
    %c0_i32_1 = arith.constant 0 : i32
    return %c0_i32, %c0_i32_0 : i32, i32
  }
  func.func @transform_2(%arg0: i32) -> (i32, i32) {
    %c0_i32 = arith.constant 0 : i32
    %c0_i32_0 = arith.constant 0 : i32
    %c0_i32_1 = arith.constant 0 : i32
    return %c0_i32, %c0_i32_0 : i32, i32
  }
  func.func @transform_3(%arg0: i32) -> (i32, i32) {
    %c0_i32 = arith.constant 0 : i32
    %c0_i32_0 = arith.constant 0 : i32
    return %arg0, %c0_i32 : i32, i32
  }
}

module attributes {stable_mosaic.version = 14 : i64} {
  func.func @_mm3_body(%arg0: i32, %arg1: i32, %arg2: memref<2000x16xf32, #tpu.memory_space<vmem>>, %arg3: memref<1x16x64xf32, #tpu.memory_space<vmem>>, %arg4: memref<1x1x64xf32, #tpu.memory_space<vmem>>, %arg5: memref<1x2000x64xf32, #tpu.memory_space<vmem>>) attributes {dimension_semantics = [#tpu.dimension_semantics<arbitrary>, #tpu.dimension_semantics<arbitrary>], iteration_bounds = array<i64: 2, 160>, scalar_prefetch = 0 : i64, scratch_operands = 0 : i64, tpu.core_type = #tpu.core_type<tc>, window_params = [{transform_indices = @transform_0, window_bounds = array<i64: 2000, 16>}, {transform_indices = @transform_1, window_bounds = array<i64: 1, 16, 64>}, {transform_indices = @transform_2, window_bounds = array<i64: 1, 1, 64>}, {transform_indices = @transform_3, window_bounds = array<i64: 1, 2000, 64>}]} {
    %get3A = arith.constant 0 : index
    %get3A_0 = arith.constant 0 : index
    %get3A_1 = vector.load %arg2[%get3A, %get3A_0] : memref<2000x16xf32, #tpu.memory_space<vmem>>, vector<2000x16xf32>
    %get3A_2 = arith.constant 0 : index
    %get3A_3 = arith.constant 0 : index
    %get3A_4 = arith.constant 0 : index
    %get3A_5 = vector.load %arg3[%get3A_2, %get3A_3, %get3A_4] : memref<1x16x64xf32, #tpu.memory_space<vmem>>, vector<1x16x64xf32>
    %get3A_6 = vector.shape_cast %get3A_5 : vector<1x16x64xf32> to vector<16x64xf32>
    %dot_general3A = arith.constant dense<0.000000e+00> : vector<2000x64xf32>
    %dot_general3A_7 = tpu.matmul %get3A_1, %get3A_6, %dot_general3A {dimension_numbers = #tpu.dot_dimension_numbers<[1], [0], [0], [1], [0, 0, 1, 1], [], []>, transpose_lhs_hint = false} : vector<2000x16xf32>, vector<16x64xf32>, vector<2000x64xf32> -> vector<2000x64xf32>
    %get3A_8 = arith.constant 0 : index
    %get3A_9 = arith.constant 0 : index
    %get3A_10 = arith.constant 0 : index
    %get3A_11 = vector.load %arg4[%get3A_8, %get3A_9, %get3A_10] : memref<1x1x64xf32, #tpu.memory_space<vmem>>, vector<1x1x64xf32>
    %get3A_12 = vector.shape_cast %get3A_11 : vector<1x1x64xf32> to vector<1x64xf32>
    %add3A = vector.broadcast %get3A_12 : vector<1x64xf32> to vector<2000x64xf32>
    %add3A_13 = arith.addf %dot_general3A_7, %add3A : vector<2000x64xf32>
    %swap3A = arith.constant 0 : index
    %swap3A_14 = arith.constant 0 : index
    %swap3A_15 = arith.constant 0 : index
    %swap3A_16 = vector.load %arg5[%swap3A, %swap3A_14, %swap3A_15] : memref<1x2000x64xf32, #tpu.memory_space<vmem>>, vector<1x2000x64xf32>
    %swap3A_17 = vector.shape_cast %swap3A_16 : vector<1x2000x64xf32> to vector<2000x64xf32>
    %swap3A_18 = vector.shape_cast %add3A_13 : vector<2000x64xf32> to vector<1x2000x64xf32>
    tpu.vector_store %arg5[%swap3A, %swap3A_14, %swap3A_15], %swap3A_18 {strides = array<i32>} : memref<1x2000x64xf32, #tpu.memory_space<vmem>>, vector<1x2000x64xf32>,
    return
  }
  func.func @transform_0(%arg0: i32, %arg1: i32) -> (i32, i32) {
    %c0_i32 = arith.constant 0 : i32
    %c0_i32_0 = arith.constant 0 : i32
    return %arg1, %c0_i32 : i32, i32
  }
  func.func @transform_1(%arg0: i32, %arg1: i32) -> (i32, i32, i32) {
    %c0_i32 = arith.constant 0 : i32
    %c0_i32_0 = arith.constant 0 : i32
    %c0_i32_1 = arith.constant 0 : i32
    return %arg0, %c0_i32, %c0_i32_0 : i32, i32, i32
  }
  func.func @transform_2(%arg0: i32, %arg1: i32) -> (i32, i32, i32) {
    %c0_i32 = arith.constant 0 : i32
    %c0_i32_0 = arith.constant 0 : i32
    %c0_i32_1 = arith.constant 0 : i32
    return %arg0, %c0_i32, %c0_i32_0 : i32, i32, i32
  }
  func.func @transform_3(%arg0: i32, %arg1: i32) -> (i32, i32, i32) {
    %c0_i32 = arith.constant 0 : i32
    %c0_i32_0 = arith.constant 0 : i32
    return %arg0, %arg1, %c0_i32 : i32, i32, i32
  }
}

module attributes {stable_mosaic.version = 14 : i64} {
  func.func @_mm_body(%arg0: i32, %arg1: memref<2000x16xf32, #tpu.memory_space<vmem>>, %arg2: memref<16x128xf32, #tpu.memory_space<vmem>>, %arg3: memref<1x128xf32, #tpu.memory_space<vmem>>, %arg4: memref<2000x128xf32, #tpu.memory_space<vmem>>) attributes {dimension_semantics = [#tpu.dimension_semantics<arbitrary>], iteration_bounds = array<i64: 160>, scalar_prefetch = 0 : i64, scratch_operands = 0 : i64, tpu.core_type = #tpu.core_type<tc>, window_params = [{transform_indices = @transform_0, window_bounds = array<i64: 2000, 16>}, {pipeline_mode = #tpu.pipeline_mode<synchronous>, transform_indices = @transform_1, window_bounds = array<i64: 16, 128>}, {pipeline_mode = #tpu.pipeline_mode<synchronous>, transform_indices = @transform_2, window_bounds = array<i64: 1, 128>}, {transform_indices = @transform_3, window_bounds = array<i64: 2000, 128>}]} {
    %get3A = arith.constant 0 : index
    %get3A_0 = arith.constant 0 : index
    %get3A_1 = vector.load %arg1[%get3A, %get3A_0] : memref<2000x16xf32, #tpu.memory_space<vmem>>, vector<2000x16xf32>
    %get3A_2 = arith.constant 0 : index
    %get3A_3 = arith.constant 0 : index
    %get3A_4 = vector.load %arg2[%get3A_2, %get3A_3] : memref<16x128xf32, #tpu.memory_space<vmem>>, vector<16x128xf32>
    %dot_general3A = arith.constant dense<0.000000e+00> : vector<2000x128xf32>
    %dot_general3A_5 = tpu.matmul %get3A_1, %get3A_4, %dot_general3A {dimension_numbers = #tpu.dot_dimension_numbers<[1], [0], [0], [1], [0, 0, 1, 1], [], []>, transpose_lhs_hint = false} : vector<2000x16xf32>, vector<16x128xf32>, vector<2000x128xf32> -> vector<2000x128xf32>
    %get3A_6 = arith.constant 0 : index
    %get3A_7 = arith.constant 0 : index
    %get3A_8 = vector.load %arg3[%get3A_6, %get3A_7] : memref<1x128xf32, #tpu.memory_space<vmem>>, vector<1x128xf32>
    %add3A = vector.broadcast %get3A_8 : vector<1x128xf32> to vector<2000x128xf32>
    %add3A_9 = arith.addf %dot_general3A_5, %add3A : vector<2000x128xf32>
    %swap3A = arith.constant 0 : index
    %swap3A_10 = arith.constant 0 : index
    %swap3A_11 = vector.load %arg4[%swap3A, %swap3A_10] : memref<2000x128xf32, #tpu.memory_space<vmem>>, vector<2000x128xf32>
    tpu.vector_store %arg4[%swap3A, %swap3A_10], %add3A_9 {strides = array<i32>} : memref<2000x128xf32, #tpu.memory_space<vmem>>, vector<2000x128xf32>,
    return
  }
  func.func @transform_0(%arg0: i32) -> (i32, i32) {
    %c0_i32 = arith.constant 0 : i32
    %c0_i32_0 = arith.constant 0 : i32
    return %arg0, %c0_i32 : i32, i32
  }
  func.func @transform_1(%arg0: i32) -> (i32, i32) {
    %c0_i32 = arith.constant 0 : i32
    %c0_i32_0 = arith.constant 0 : i32
    %c0_i32_1 = arith.constant 0 : i32
    return %c0_i32, %c0_i32_0 : i32, i32
  }
  func.func @transform_2(%arg0: i32) -> (i32, i32) {
    %c0_i32 = arith.constant 0 : i32
    %c0_i32_0 = arith.constant 0 : i32
    %c0_i32_1 = arith.constant 0 : i32
    return %c0_i32, %c0_i32_0 : i32, i32
  }
  func.func @transform_3(%arg0: i32) -> (i32, i32) {
    %c0_i32 = arith.constant 0 : i32
    %c0_i32_0 = arith.constant 0 : i32
    return %arg0, %c0_i32 : i32, i32
  }
}

module attributes {stable_mosaic.version = 14 : i64} {
  func.func @_ep_body(%arg0: i32, %arg1: memref<400x128xf32, #tpu.memory_space<vmem>>, %arg2: memref<400x16xf32, #tpu.memory_space<vmem>>, %arg3: memref<400x128xf32, #tpu.memory_space<vmem>>, %arg4: memref<16x128xf32, #tpu.memory_space<vmem>>, %arg5: memref<128x512xf32, #tpu.memory_space<vmem>>, %arg6: memref<1x512xf32, #tpu.memory_space<vmem>>, %arg7: memref<400x512xf32, #tpu.memory_space<vmem>>) attributes {dimension_semantics = [#tpu.dimension_semantics<arbitrary>], iteration_bounds = array<i64: 25>, scalar_prefetch = 0 : i64, scratch_operands = 0 : i64, tpu.core_type = #tpu.core_type<tc>, window_params = [{transform_indices = @transform_0, window_bounds = array<i64: 400, 128>}, {transform_indices = @transform_1, window_bounds = array<i64: 400, 16>}, {transform_indices = @transform_2, window_bounds = array<i64: 400, 128>}, {pipeline_mode = #tpu.pipeline_mode<synchronous>, transform_indices = @transform_3, window_bounds = array<i64: 16, 128>}, {pipeline_mode = #tpu.pipeline_mode<synchronous>, transform_indices = @transform_4, window_bounds = array<i64: 128, 512>}, {pipeline_mode = #tpu.pipeline_mode<synchronous>, transform_indices = @transform_5, window_bounds = array<i64: 1, 512>}, {transform_indices = @transform_6, window_bounds = array<i64: 400, 512>}]} {
    %get3A = arith.constant 0 : index
    %get3A_0 = arith.constant 0 : index
    %get3A_1 = vector.load %arg2[%get3A, %get3A_0] : memref<400x16xf32, #tpu.memory_space<vmem>>, vector<400x16xf32>
    %max3A = arith.constant 1.000000e-30 : f32
    %max3A_2 = vector.broadcast %max3A : f32 to vector<400x16xf32>
    %max3A_3 = arith.maximumf %get3A_1, %max3A_2 : vector<400x16xf32>
    %div3A = arith.constant 1.000000e+00 : f32
    %div3A_4 = vector.broadcast %div3A : f32 to vector<400x16xf32>
    %div3A_5 = arith.divf %div3A_4, %max3A_3 : vector<400x16xf32>
    %get3A_6 = arith.constant 0 : index
    %get3A_7 = arith.constant 0 : index
    %get3A_8 = vector.load %arg4[%get3A_6, %get3A_7] : memref<16x128xf32, #tpu.memory_space<vmem>>, vector<16x128xf32>
    %dot_general3A = arith.constant dense<0.000000e+00> : vector<400x128xf32>
    %dot_general3A_9 = tpu.matmul %div3A_5, %get3A_8, %dot_general3A {dimension_numbers = #tpu.dot_dimension_numbers<[1], [0], [0], [1], [0, 0, 1, 1], [], []>, transpose_lhs_hint = false} : vector<400x16xf32>, vector<16x128xf32>, vector<400x128xf32> -> vector<400x128xf32>
    %get3A_10 = arith.constant 0 : index
    %get3A_11 = arith.constant 0 : index
    %get3A_12 = vector.load %arg1[%get3A_10, %get3A_11] : memref<400x128xf32, #tpu.memory_space<vmem>>, vector<400x128xf32>
    %mul3A = arith.mulf %get3A_12, %dot_general3A_9 : vector<400x128xf32>
    %get3A_13 = arith.constant 0 : index
    %get3A_14 = arith.constant 0 : index
    %get3A_15 = vector.load %arg3[%get3A_13, %get3A_14] : memref<400x128xf32, #tpu.memory_space<vmem>>, vector<400x128xf32>
    %add3A = arith.addf %mul3A, %get3A_15 : vector<400x128xf32>
    %max3A_16 = arith.constant 0.000000e+00 : f32
    %max3A_17 = vector.broadcast %max3A_16 : f32 to vector<400x128xf32>
    %max3A_18 = arith.maximumf %add3A, %max3A_17 : vector<400x128xf32>
    %get3A_19 = arith.constant 0 : index
    %get3A_20 = arith.constant 0 : index
    %get3A_21 = vector.load %arg5[%get3A_19, %get3A_20] : memref<128x512xf32, #tpu.memory_space<vmem>>, vector<128x512xf32>
    %dot_general3A_22 = arith.constant dense<0.000000e+00> : vector<400x512xf32>
    %dot_general3A_23 = tpu.matmul %max3A_18, %get3A_21, %dot_general3A_22 {dimension_numbers = #tpu.dot_dimension_numbers<[1], [0], [0], [1], [0, 0, 1, 1], [], []>, transpose_lhs_hint = false} : vector<400x128xf32>, vector<128x512xf32>, vector<400x512xf32> -> vector<400x512xf32>
    %get3A_24 = arith.constant 0 : index
    %get3A_25 = arith.constant 0 : index
    %get3A_26 = vector.load %arg6[%get3A_24, %get3A_25] : memref<1x512xf32, #tpu.memory_space<vmem>>, vector<1x512xf32>
    %add3A_27 = vector.broadcast %get3A_26 : vector<1x512xf32> to vector<400x512xf32>
    %add3A_28 = arith.addf %dot_general3A_23, %add3A_27 : vector<400x512xf32>
    %swap3A = arith.constant 0 : index
    %swap3A_29 = arith.constant 0 : index
    %swap3A_30 = vector.load %arg7[%swap3A, %swap3A_29] : memref<400x512xf32, #tpu.memory_space<vmem>>, vector<400x512xf32>
    tpu.vector_store %arg7[%swap3A, %swap3A_29], %add3A_28 {strides = array<i32>} : memref<400x512xf32, #tpu.memory_space<vmem>>, vector<400x512xf32>,
    return
  }
  func.func @transform_0(%arg0: i32) -> (i32, i32) {
    %c0_i32 = arith.constant 0 : i32
    %c0_i32_0 = arith.constant 0 : i32
    return %arg0, %c0_i32 : i32, i32
  }
  func.func @transform_1(%arg0: i32) -> (i32, i32) {
    %c0_i32 = arith.constant 0 : i32
    %c0_i32_0 = arith.constant 0 : i32
    return %arg0, %c0_i32 : i32, i32
  }
  func.func @transform_2(%arg0: i32) -> (i32, i32) {
    %c0_i32 = arith.constant 0 : i32
    %c0_i32_0 = arith.constant 0 : i32
    return %arg0, %c0_i32 : i32, i32
  }
  func.func @transform_3(%arg0: i32) -> (i32, i32) {
    %c0_i32 = arith.constant 0 : i32
    %c0_i32_0 = arith.constant 0 : i32
    %c0_i32_1 = arith.constant 0 : i32
    return %c0_i32, %c0_i32_0 : i32, i32
  }
  func.func @transform_4(%arg0: i32) -> (i32, i32) {
    %c0_i32 = arith.constant 0 : i32
    %c0_i32_0 = arith.constant 0 : i32
    %c0_i32_1 = arith.constant 0 : i32
    return %c0_i32, %c0_i32_0 : i32, i32
  }
  func.func @transform_5(%arg0: i32) -> (i32, i32) {
    %c0_i32 = arith.constant 0 : i32
    %c0_i32_0 = arith.constant 0 : i32
    %c0_i32_1 = arith.constant 0 : i32
    return %c0_i32, %c0_i32_0 : i32, i32
  }
  func.func @transform_6(%arg0: i32) -> (i32, i32) {
    %c0_i32 = arith.constant 0 : i32
    %c0_i32_0 = arith.constant 0 : i32
    return %arg0, %c0_i32 : i32, i32
  }
}

module attributes {stable_mosaic.version = 14 : i64} {
  func.func @_ep_final_body(%arg0: i32, %arg1: memref<400x128xf32, #tpu.memory_space<vmem>>, %arg2: memref<400x16xf32, #tpu.memory_space<vmem>>, %arg3: memref<400x128xf32, #tpu.memory_space<vmem>>, %arg4: memref<16x128xf32, #tpu.memory_space<vmem>>, %arg5: memref<400x128xf32, #tpu.memory_space<vmem>>) attributes {dimension_semantics = [#tpu.dimension_semantics<arbitrary>], iteration_bounds = array<i64: 25>, scalar_prefetch = 0 : i64, scratch_operands = 0 : i64, tpu.core_type = #tpu.core_type<tc>, window_params = [{transform_indices = @transform_0, window_bounds = array<i64: 400, 128>}, {transform_indices = @transform_1, window_bounds = array<i64: 400, 16>}, {transform_indices = @transform_2, window_bounds = array<i64: 400, 128>}, {pipeline_mode = #tpu.pipeline_mode<synchronous>, transform_indices = @transform_3, window_bounds = array<i64: 16, 128>}, {transform_indices = @transform_4, window_bounds = array<i64: 400, 128>}]} {
    %get3A = arith.constant 0 : index
    %get3A_0 = arith.constant 0 : index
    %get3A_1 = vector.load %arg2[%get3A, %get3A_0] : memref<400x16xf32, #tpu.memory_space<vmem>>, vector<400x16xf32>
    %max3A = arith.constant 1.000000e-30 : f32
    %max3A_2 = vector.broadcast %max3A : f32 to vector<400x16xf32>
    %max3A_3 = arith.maximumf %get3A_1, %max3A_2 : vector<400x16xf32>
    %div3A = arith.constant 1.000000e+00 : f32
    %div3A_4 = vector.broadcast %div3A : f32 to vector<400x16xf32>
    %div3A_5 = arith.divf %div3A_4, %max3A_3 : vector<400x16xf32>
    %get3A_6 = arith.constant 0 : index
    %get3A_7 = arith.constant 0 : index
    %get3A_8 = vector.load %arg4[%get3A_6, %get3A_7] : memref<16x128xf32, #tpu.memory_space<vmem>>, vector<16x128xf32>
    %dot_general3A = arith.constant dense<0.000000e+00> : vector<400x128xf32>
    %dot_general3A_9 = tpu.matmul %div3A_5, %get3A_8, %dot_general3A {dimension_numbers = #tpu.dot_dimension_numbers<[1], [0], [0], [1], [0, 0, 1, 1], [], []>, transpose_lhs_hint = false} : vector<400x16xf32>, vector<16x128xf32>, vector<400x128xf32> -> vector<400x128xf32>
    %get3A_10 = arith.constant 0 : index
    %get3A_11 = arith.constant 0 : index
    %get3A_12 = vector.load %arg1[%get3A_10, %get3A_11] : memref<400x128xf32, #tpu.memory_space<vmem>>, vector<400x128xf32>
    %mul3A = arith.mulf %get3A_12, %dot_general3A_9 : vector<400x128xf32>
    %get3A_13 = arith.constant 0 : index
    %get3A_14 = arith.constant 0 : index
    %get3A_15 = vector.load %arg3[%get3A_13, %get3A_14] : memref<400x128xf32, #tpu.memory_space<vmem>>, vector<400x128xf32>
    %add3A = arith.addf %mul3A, %get3A_15 : vector<400x128xf32>
    %max3A_16 = arith.constant 0.000000e+00 : f32
    %max3A_17 = vector.broadcast %max3A_16 : f32 to vector<400x128xf32>
    %max3A_18 = arith.maximumf %add3A, %max3A_17 : vector<400x128xf32>
    %swap3A = arith.constant 0 : index
    %swap3A_19 = arith.constant 0 : index
    %swap3A_20 = vector.load %arg5[%swap3A, %swap3A_19] : memref<400x128xf32, #tpu.memory_space<vmem>>, vector<400x128xf32>
    tpu.vector_store %arg5[%swap3A, %swap3A_19], %max3A_18 {strides = array<i32>} : memref<400x128xf32, #tpu.memory_space<vmem>>, vector<400x128xf32>,
    return
  }
  func.func @transform_0(%arg0: i32) -> (i32, i32) {
    %c0_i32 = arith.constant 0 : i32
    %c0_i32_0 = arith.constant 0 : i32
    return %arg0, %c0_i32 : i32, i32
  }
  func.func @transform_1(%arg0: i32) -> (i32, i32) {
    %c0_i32 = arith.constant 0 : i32
    %c0_i32_0 = arith.constant 0 : i32
    return %arg0, %c0_i32 : i32, i32
  }
  func.func @transform_2(%arg0: i32) -> (i32, i32) {
    %c0_i32 = arith.constant 0 : i32
    %c0_i32_0 = arith.constant 0 : i32
    return %arg0, %c0_i32 : i32, i32
  }
  func.func @transform_3(%arg0: i32) -> (i32, i32) {
    %c0_i32 = arith.constant 0 : i32
    %c0_i32_0 = arith.constant 0 : i32
    %c0_i32_1 = arith.constant 0 : i32
    return %c0_i32, %c0_i32_0 : i32, i32
  }
  func.func @transform_4(%arg0: i32) -> (i32, i32) {
    %c0_i32 = arith.constant 0 : i32
    %c0_i32_0 = arith.constant 0 : i32
    return %arg0, %c0_i32 : i32, i32
  }
}

</mosaic_0001>

<sc_bundles>
// kernel: sc_edge_l1.3.cloned.1.call-start
scs
__scs_entry_jumppad:
0x0: {  	(pc) =	sbr.rel $0x88, $3  }
0x1: {  	(tag) =	ssettag $0x0;
	lr =	simm.s32 $0x1  }
0x2: {  	[smem:$0x3F8A] =	sst lr;
	_ =	strace $0xD0000000  }
0x3: {  	_ = 	snop  }
0x4: {  	_ = 	snop  }
0x5: {  	_ = 	snop  }
0x6: {  	_ = 	snop  }
0x7: {  	_ = 	snop  }
__scs_overlays_trampoline_lowered:
0x8: {  	[smem:$0x3F99] =	sst s0  }
0x9: {  	[smem:$0x3F9A] =	sst s1  }
0xa: {  	[smem:$0x3F9B] =	sst s2  }
0xb: {  	[smem:$0x3F9C] =	sst s3  }
0xc: {  	[smem:$0x3F9D] =	sst s4  }
0xd: {  	[smem:$0x3F9E] =	sst s5  }
0xe: {  	[smem:$0x3F9F] =	sst s6  }
0xf: {  	[smem:$0x3FA0] =	sst s7  }
0x10: {  	[smem:$0x3FA1] =	sst s8  }
0x11: {  	[smem:$0x3FA2] =	sst s9;
	s0 =	simm.s32 @!p0 $0x0  }
0x12: {  	s1 =	sld [smem:$0x3F88];
	s0 =	simm.s32 @p0 $0x1  }
0x13: {  	[smem:$0x3FA3] =	sst s0;
	s0 =	simm.s32 @!p1 $0x0  }
0x14: {  	s2 =	sld [smem:$0x3F87];
	s0 =	simm.s32 @p1 $0x1  }
0x15: {  	[smem:$0x3FA4] =	sst s0;
	s0 =	simm.s32 @!p2 $0x0  }
0x16: {  	s3 =	sld [smem:$0x3FDB];
	s0 =	simm.s32 @p2 $0x1  }
0x17: {  	s4 =	simm.s32 $0x1BF5;
	[smem:$0x3FA6] =	sst s0  }
0x18: {  	s0 =	sld [smem:$0x3F89];
	_ =	swait.ge [sflag:s4], $0x0  }
0x19: {  	s7 =	sld [smem:$0x3F8A]  }
0x1a: {  	s8 =	sadd.s32 $0xFFFFE003, lr  }
0x1b: {  	s9 =	sadd.s32 $0xFFFFFEF7, lr;
	s5 =	simm.s32 $0xFFFFFFFF;
	p2 =	slt.u32 s8, $0xFFFFF086  }
0x1c: {  	p1 =	slt.u32 s9, $0xF7A;
	s5 =	simm.s32 @!p2 $0x0  }
0x1d: {  	s5 =	simm.s32 @p1 $0x1;
	p0 =	seq.s32 s7, s2  }
0x1e: {  	s7 =	smul.u32 @!p0 $0xF7A, s2;
	p2 =	seq.s32 @!p0 s5, $0x0  }
0x1f: {  	s9 =	smul.u32 $0xF7A, s1;
	s8 =	simm.s32 @!p0 $0x1BF5;
	p2 =	por !p2, p0  }
0x20: {  	[sflag:s8] =	ssyncset.s32 @!p0 $0xFFFFF086;
	s6 =	sadd.s32 @!p0 s3, s7;
	s7 =	simm.s32 @!p0 $0x108  }
0x21: {  	s3 =	sadd.s32 s3, s9;
	s6 =	sadd.s32 @!p0 $0x88, s6;
	s7 =	simm.s32 @p2 $0x1082  }
0x22: {  	[simem:s7], [sflag:s8] =	dma.local @!p0 [hbm:s6], $0xF7A  }
0x23: {  	s9 =	sor.u32 $0xD0000000, s2;
	s6 =	simm.s32 $0x108;
	_ =	swait.ge @!p0 [sflag:s8], $0x0  }
0x24: {  	s3 =	sadd.s32 $0x88, s3;
	s6 =	simm.s32 @!p1 $0x1082;
	[sflag:s4] =	ssyncset.s32 $0xFFFFF086  }
0x25: {  	[simem:s6], [sflag:s4] =	dma.local [hbm:s3], $0xF7A  }
0x26: {  	[smem:$0x3F8A] =	sst s1;
	(tag) =	ssettag s2;
	_ =	strace s9  }
0x27: {  	s1 =	sld [smem:$0x3F9A]  }
0x28: {  	s2 =	sld [smem:$0x3F9B]  }
0x29: {  	s4 =	sld [smem:$0x3F9D]  }
0x2a: {  	p0 =	seq.s32 s5, $0x0;
	s5 =	sld [smem:$0x3F9E]  }
0x2b: {  	s6 =	sld [smem:$0x3F9F]  }
0x2c: {  	s7 =	sld [smem:$0x3FA0]  }
0x2d: {  	s3 =	simm.s32 $0x108;
	s8 =	sld [smem:$0x3FA1]  }
0x2e: {  	s3 =	simm.s32 @!p0 $0x1082;
	s9 =	sld [smem:$0x3FA2]  }
0x2f: {  	lr =	sadd.s32 s0, s3;
	s0 =	sld [smem:$0x3F99]  }
0x30: {  	s3 =	sld [smem:$0x3F9C]  }
0x31: {  	[smem:$0x3FA5] =	sst s10  }
0x32: {  	s10 =	sld [smem:$0x3FA3];
	_ =	sdelay $0x3  }
0x33: {  	p0 =	seq.s32 s10, $0x1;
	s10 =	sld [smem:$0x3FA5];
	_ =	sdelay $0x3  }
0x34: {  	[smem:$0x3FA5] =	sst s10  }
0x35: {  	s10 =	sld [smem:$0x3FA4];
	_ =	sdelay $0x3  }
0x36: {  	p1 =	seq.s32 s10, $0x1;
	s10 =	sld [smem:$0x3FA5];
	_ =	sdelay $0x3  }
0x37: {  	[smem:$0x3FA5] =	sst s10  }
0x38: {  	s10 =	sld [smem:$0x3FA6]  }
0x39: {  	_ = 	snop;
	(pc) =	sbr.ind lr, $3  }
0x3a: {  	_ = 	snop  }
0x3b: {  	_ = 	snop  }
0x3c: {  	p2 =	seq.s32 s10, $0x1;
	s10 =	sld [smem:$0x3FA5]  }
0x3d: {  	_ =	shalt  }
0x3e: {  	_ =	shalt  }
0x3f: {  	_ =	shalt  }
0x40: {  	_ =	shalt  }
0x41: {  	_ =	shalt  }
0x42: {  	_ =	shalt  }
0x43: {  	_ =	shalt  }
0x44: {  	_ =	shalt  }
0x45: {  	_ =	shalt  }
0x46: {  	_ =	shalt  }
0x47: {  	_ =	shalt  }
0x48: {  	_ =	shalt  }
0x49: {  	_ =	shalt  }
0x4a: {  	_ =	shalt  }
0x4b: {  	_ =	shalt  }
0x4c: {  	_ =	shalt  }
0x4d: {  	_ =	shalt  }
0x4e: {  	_ =	shalt  }
0x4f: {  	_ =	shalt  }
0x50: {  	_ =	shalt  }
0x51: {  	_ =	shalt  }
0x52: {  	_ =	shalt  }
0x53: {  	_ =	shalt  }
0x54: {  	_ =	shalt  }
0x55: {  	_ =	shalt  }
0x56: {  	_ =	shalt  }
0x57: {  	_ =	shalt  }
0x58: {  	_ =	shalt  }
0x59: {  	_ =	shalt  }
0x5a: {  	_ =	shalt  }
0x5b: {  	_ =	shalt  }
0x5c: {  	_ =	shalt  }
0x5d: {  	_ =	shalt  }
0x5e: {  	_ =	shalt  }
0x5f: {  	_ =	shalt  }
0x60: {  	_ =	shalt  }
0x61: {  	_ =	shalt  }
0x62: {  	_ =	shalt  }
0x63: {  	_ =	shalt  }
0x64: {  	_ =	shalt  }
0x65: {  	_ =	shalt  }
0x66: {  	_ =	shalt  }
0x67: {  	_ =	shalt  }
0x68: {  	_ =	shalt  }
0x69: {  	_ =	shalt  }
0x6a: {  	_ =	shalt  }
0x6b: {  	_ =	shalt  }
0x6c: {  	_ =	shalt  }
0x6d: {  	_ =	shalt  }
0x6e: {  	_ =	shalt  }
0x6f: {  	_ =	shalt  }
0x70: {  	_ =	shalt  }
0x71: {  	_ =	shalt  }
0x72: {  	_ =	shalt  }
0x73: {  	_ =	shalt  }
0x74: {  	_ =	shalt  }
0x75: {  	_ =	shalt  }
0x76: {  	_ =	shalt  }
0x77: {  	_ =	shalt  }
0x78: {  	_ =	shalt  }
0x79: {  	_ =	shalt  }
0x7a: {  	_ =	shalt  }
0x7b: {  	_ =	shalt  }
0x7c: {  	_ =	shalt  }
0x7d: {  	_ =	shalt  }
0x7e: {  	_ =	shalt  }
0x7f: {  	_ =	shalt  }
0x80: {  	_ =	shalt  }
0x81: {  	_ =	shalt  }
0x82: {  	_ =	shalt  }
0x83: {  	_ =	shalt  }
0x84: {  	_ =	shalt  }
0x85: {  	_ =	shalt  }
0x86: {  	_ =	shalt  }
0x87: {  	_ =	shalt  }
.Lfunc_end0:
.L_simem_size_0:
called_computation_lowered:
.L_overlay_start_0:
0x88: {  	s2 =	sld [smem:$0x3FD9]  }
0x89: {  	s3 =	sld [smem:$0x3FFE];
	_ =	sdelay $0x1  }
0x8a: {  	s1 =	srdreg.scid  }
0x8b: {  	s0 =	sand.u32 $0x1, s1  }
0x8c: {  	s17 =	sshll.u32 s0, $0xA;
	s2 =	sadd.s32 s3, s2  }
0x8d: {  	s2 =	sadd.s32 s2, s17  }
0x8e: {  	[smem:$0x3FB1] =	sst s2  }
0x8f: {  	_ = 	snop  }
0x90: {  	s2 =	sld [smem:$0x3FD0];
	(tm) =	ssettm $0x1  }
0x91: {  	s18 =	sld [smem:$0x3FFB];
	_ =	sdelay $0x3  }
0x92: {  	_ =	strace s18  }
0x93: {  	s3 =	sld [smem:$0x3FFC];
	_ =	sdelay $0x3  }
0x94: {  	_ =	strace s3  }
0x95: {  	s3 =	sld [smem:$0x3FFD];
	_ =	sdelay $0x3  }
0x96: {  	_ =	strace s3  }
0x97: {  	_ =	strace $0x8FFFFFFF  }
0x98: {  	s19 =	sld [smem:$0x3FDB];
	_ =	sdelay $0x1  }
0x99: {  	s4 =	simm.s32 $_scs_section_size  }
0x9a: {  	s5 =	simm.s32 $_size__tile_overlayer_lowered;
	s6 =	simm.s32 $_tile_overlayer_lowered  }
0x9b: {  	s22 =	simm.s32 $0x1BFF;
	s21 =	sshll.u32 s6, $0x1;
	s3 =	sadd.s32 s4, s19  }
0x9c: {  	s7 =	simm.s32 $0x0;
	s20 =	sshll.u32 s5, $0x1;
	s5 =	sadd.s32 s21, s3  }
0x9d: {  	[timem:s7], [sflag:s22] =	dma.local [hbm:s5], s20  }
0x9e: {  	_ =	swait.ge [sflag:s22], s20  }
0x9f: {  	s4 =	ssub.s32 $0x0, s20;
	[sflag:s22] =	ssyncset.done $0x0  }
0xa0: {  	[sflag:s22] =	ssyncadd.s32 s4;
	_ =	sdelay $0x1  }
0xa1: {  	s23 =	simm.s32 $0x1B8B  }
0xa2: {  	_ =	swait.ge [sflag:s23], $0x1  }
0xa3: {  	[sflag:s23] =	ssyncset.done $0x0  }
0xa4: {  	s25 =	simm.s32 $0x1B8E;
	s24 =	sld [smem:$0x3FFE];
	[sflag:s23] =	ssyncadd.s32 $0xFFFFFFFF  }
0xa5: {  	s26 =	simm.s32 $execute0_lowered;
	[smem:$0x3FD2] =	sst s25  }
0xa6: {  	s5 =	sshll.u32 s26, $0x1;
	_ =	strace $0x80000046;
	[dreg:$0x1] =	wrdreg $0xFFFFFFFF  }
0xa7: {  	s28 =	simm.s32 $_size_execute0_lowered;
	s3 =	sadd.s32 s3, s5;
	[dreg:$0x0] =	wrdreg $0x0  }
0xa8: {  	s5 =	sshll.u32 s28, $0x1;
	[dreg:$0x2] =	wrdreg s3  }
0xa9: {  	[dreg:$0x3] =	wrdreg s5  }
0xaa: {  	[dreg:$0x4] =	wrdreg $0xC0  }
0xab: {  	_ =	task [dreg:s7], $0x5FFFF  }
0xac: {  	[dreg:$0x1] =	wrdreg $0xFFFFFFFF  }
0xad: {  	[dreg:$0x0] =	wrdreg $0x60  }
0xae: {  	[dreg:$0x2] =	wrdreg s24  }
0xaf: {  	[dreg:$0x3] =	wrdreg s2  }
0xb0: {  	[dreg:$0x4] =	wrdreg $0xA9000  }
0xb1: {  	[dreg:$0x5] =	wrdreg $0x145400  }
0xb2: {  	[dreg:$0x6] =	wrdreg $0x9  }
0xb3: {  	_ =	task.clear_ibuf [dreg:s7], $0x7FFFF;
	_ =	strace $0x90000046  }
0xb4: {  	s29 =	simm.s32 $0x9;
	_ =	strace $0x80000048  }
0xb5: {  	_ =	swait.ge [sflag:s29], $0x1  }
0xb6: {  	[sflag:s29] =	ssyncadd.s32 $0xFFFFFFFF  }
0xb7: {  	_ =	strace $0x90000048  }
0xb8: {  	_ =	sfence  }
0xb9: {  	s30 =	sld [smem:$0x0];
	_ =	sdelay $0x2  }
0xba: {  	s31 =	sshll.u32 s1, $0xD;
	s1 =	sshrl.u32 s1, $0x2  }
0xbb: {  	s3 =	sand.u32 $0x4000, s31;
	s1 =	sadd.s32 s1, s30  }
0xbc: {  	s0 =	sor.u32 s3, s0;
	s1 =	sshll.u32 s1, $0x11  }
0xbd: {  	s0 =	sor.u32 s1, s0  }
0xbe: {  	s0 =	sadd.s32 $0x8F2B, s0  }
0xbf: {  	[sflag:s0] =	ssyncadd.remote.s32 $0x1  }
0xc0: {  	_ =	sfence.sel $0xFFFF  }
0xc1: {  	[dreg:$0x0] =	wrdreg $0xFFFFFFFF;
	(pc) =	sbr.abs _section_cstart, $3  }
0xc2: {  	[dreg:$0x1] =	wrdreg $0xFFFFFFFF  }
0xc3: {  	_ =	task.clear_ibuf [dreg:s7], $0x2FFFF;
	_ =	strace $0x9FFFFFFF  }
0xc4: {  	(tm) =	ssettm $0x7FFFFFFF  }
0xc5: {  	_ =	shalt  }
tec
execute0_lowered:
.L_overlay_start_1:
0x0: {  	(tag) =	ssettag $0x1  }
0x1: {  	s0 =	rddreg [dreg:$0x0]  }
0x2: {  	s3 =	rddreg [dreg:$0x1]  }
0x3: {  	s2 =	rddreg [dreg:$0x2]  }
0x4: {  	s4 =	srdreg.scid;
	s1 =	rddreg [dreg:$0x3];
	s19 =	simm.s32 $0x0  }
0x5: {  	s20 =	stileid.u32;
	s12 =	simm.s32 $0x8;
	s28 =	simm.s32 $0x2000  }
0x6: {  	s29 =	simm.s32 $0x4000;
	s30 =	simm.s32 $0x6000;
	s17 =	smul.u32 $0x5000, s20  }
0x7: {  	s31 =	simm.s32 $0x1;
	s4 =	sand.u32 $0x1, s4;
	s18 =	smul.u32 $0x1400, s20  }
0x8: {  	[smem:$0x7FF] =	sst s19;
	s6 =	sadd.s32 $0x5D3400, s0;
	s22 =	smul.u32 $0x500, s20  }
0x9: {  	s7 =	sadd.s32 $0x5F0E00, s0;
	p0 =	slt.u32 s20, $0xD;
	s8 =	smul.u32 $0x13880, s4  }
0xa: {  	s9 =	sadd.s32 $0x5E7000, s0;
	s5 =	smul.u32 $0x271000, s4;
	_ =	strace $0x80000047  }
0xb: {  	s10 =	ssub.s32 $0x2, s4;
	s12 =	simm.s32 @!p0 $0x7;
	s16 =	smul.u32 $0x9C400, s4  }
0xc: {  	p0 =	slt.u32 s20, $0x4;
	s26 =	smul.u32 $0x27100, s4;
	s4 =	simm.s32 $0x3  }
0xd: {  	s11 =	sshrl.u32 s10, $0x1;
	[dreg:$0x6] =	wrdreg s12;
	s17 =	sshrl.u32 s17, $0x2  }
0xe: {  	s21 =	sshrl.u32 s18, $0x2;
	s13 =	sadd.s32 s8, s0;
	s15 =	sadd.s32 s5, s0  }
0xf: {  	s5 =	sadd.s32 $0x5DD200, s0;
	s25 =	ssub.s32 s10, s11;
	s10 =	simm.s32 $0x9D  }
0x10: {  	s11 =	sshll.u32 s20, $0x7;
	s14 =	sadd.s32 s3, s8;
	s23 =	sadd.s32 s17, s2  }
0x11: {  	s24 =	sadd.s32 s21, s1;
	s26 =	sadd.s32 s22, s26;
	s21 =	simm.s32 $0x8000  }
0x12: {  	s22 =	simm.s32 $0x5;
	s10 =	simm.s32 @!p0 $0x9C;
	s12 =	sadd.s32 $0xCA200, s13  }
0x13: {  	s13 =	sadd.s32 $0xA3000, s13;
	s15 =	sadd.s32 $0xF97400, s15;
	[dreg:$0x8] =	wrdreg s23  }
0x14: {  	s0 =	smax.u32 s25, $0x1;
	[dreg:$0x9] =	wrdreg s24;
	s25 =	sadd.s32 s18, s16  }
0x15: {  	[dreg:$0xb] =	wrdreg s26;
	s23 =	simm.s32 $0xA000;
	s24 =	simm.s32 $0xA800  }
0x16: {  	v0 =	vimm.f32 $0.0e+00;
	vm0 =	vmmov $0x1;
	s26 =	simm.s32 $0x80;
	s16 =	simm.s32 $0x4;
	[dreg:$0x7] =	wrdreg s0  }
0x17: {  	vm1 =	vcmask $0x308;
	vm2 =	vcmask $0x70C;
	vm3 =	vcmask $0xB10;
	[dreg:$0xa] =	wrdreg s25;
	s25 =	simm.s32 $0xA880;
	s0 =	simm.s32 $0x2  }
.LBB2_1:
0x18: {  	s3 =	simm.s32 $0x8020  }
0x19: {  	[tilespmem:s3+$0x0] =	vst v0  }
0x1a: {  	[tilespmem:s3+$0xFFFFFFE0] =	vst v0  }
0x1b: {  	[tilespmem:s3+$0x10] =	vst v0  }
0x1c: {  	s8 =	simm.s32 $0x40;
	s17 =	simm.s32 $0x0;
	[tilespmem:s3+$0xFFFFFFF0] =	vst v0  }
.LBB2_2:
0x1d: {  	p0 =	sne.s32 s8, $0x1FC0  }
0x1e: {  	[tilespmem:s17+$0xA000] =	vst v0;
	s3 =	sadd.s32 $0x40, s3;
	s17 =	smov.u32 s8;
	s8 =	sadd.s32 $0x40, s8  }
.Ltmp0:
0x1f: {  	[tilespmem:s3+$0x0] =	vst v0;
	(pc) =	sbr.rel @p0 .LBB2_2-.Ltmp0, $4  }
0x20: {  	_ = 	snop  }
0x21: {  	[tilespmem:s3+$0xFFFFFFE0] =	vst v0  }
0x22: {  	[tilespmem:s3+$0x10] =	vst v0  }
0x23: {  	s17 =	sshra.s32 s17, $0x2;
	[tilespmem:s3+$0xFFFFFFF0] =	vst v0  }
0x24: {  	[dreg:$0x5] =	wrdreg s19  }
0x25: {  	[tilespmem:s17+$0xA000] =	vst v0;
	s8 =	rddreg [dreg:$0x8]  }
0x26: {  	[spmem:s8] =	stream.linear.scatter [tilespmem:s21], [sflag:$0x5], $0x1400, $0x38;
	[tilespmem:$0x16C50] =	vst v63  }
0x27: {  	_ =	swait.ge [sflag:s22], $0x1400  }
0x28: {  	s1 =	rddreg [dreg:$0x6]  }
0x29: {  	p0 =	sne.s32 s1, $0x1  }
.Ltmp1:
0x2a: {  	[sflag:s22] =	ssyncset.done $0x0;
	(pc) =	sbr.rel @!p0 .LBB2_5-.Ltmp1, $4  }
0x2b: {  	s17 =	rddreg [dreg:$0x9];
	[sflag:s22] =	ssyncadd.s32 $0xFFFFEC00  }
0x2c: {  	[spmem:s17] =	stream.linear.scatter [tilespmem:s23], [sflag:$0x5], $0x500, $0x38;
	[tilespmem:$0x16C50] =	vst v63  }
0x2d: {  	_ =	swait.ge [sflag:s22], $0x500  }
0x2e: {  	s3 =	sadd.s32 $0xFFFFFFFF, s1;
	[sflag:s22] =	ssyncset.done $0x0  }
.LBB2_4:
0x2f: {  	[sflag:s22] =	ssyncadd.s32 $0xFFFFFB00;
	s8 =	sadd.s32 $0x14000, s8;
	s17 =	sadd.s32 $0x5000, s17  }
0x30: {  	[spmem:s8] =	stream.linear.scatter [tilespmem:s21], [sflag:$0x5], $0x1400, $0x38;
	[tilespmem:$0x16C50] =	vst v63  }
0x31: {  	p1 =	sne.s32 s3, $0x1;
	s3 =	sadd.s32 $0xFFFFFFFF, s3;
	_ =	swait.ge [sflag:s22], $0x1400  }
.Ltmp2:
0x32: {  	[sflag:s22] =	ssyncset.done $0x0;
	(pc) =	sbr.rel @p1 .LBB2_4-.Ltmp2, $4  }
0x33: {  	[sflag:s22] =	ssyncadd.s32 $0xFFFFEC00  }
0x34: {  	[spmem:s17] =	stream.linear.scatter [tilespmem:s23], [sflag:$0x5], $0x500, $0x38;
	[tilespmem:$0x16C50] =	vst v63  }
0x35: {  	_ =	swait.ge [sflag:s22], $0x500  }
0x36: {  	[sflag:s22] =	ssyncset.done $0x0  }
.LBB2_5:
0x37: {  	[sflag:s22] =	ssyncadd.s32 $0xFFFFFB00  }
0x38: {  	s8 =	simm.s32 $0x0;
	s19 =	simm.s32 $0x0;
	[bflag:$0x0] =	sbarrier.arrive $0xFFFF  }
.LBB2_6:
0x39: {  	s3 =	sshll.u32 s19, $0xB  }
0x3a: {  	s3 =	sor.u32 s11, s3  }
0x3b: {  	s17 =	sshrl.u32 s3, $0x3  }
0x3c: {  	s18 =	sadd.s32 s5, s17  }
0x3d: {  	[tilespmem:s24], [sflag:$0x5] =	stream.linear.gather [hbm4b:s18+s8], $0x80, $0x38;
	[tilespmem:$0x16C50] =	vst v63  }
0x3e: {  	_ =	swait.ge [sflag:s22], $0x80  }
0x3f: {  	[sflag:s22] =	ssyncset.done $0x0  }
0x40: {  	s17 =	sadd.s32 s6, s17;
	[sflag:s22] =	ssyncadd.s32 $0xFFFFFF80  }
0x41: {  	[tilespmem:s25], [sflag:$0x5] =	stream.linear.gather [hbm4b:s17+s8], $0x80, $0x38;
	[tilespmem:$0x16C50] =	vst v63  }
0x42: {  	_ =	swait.ge [sflag:s22], $0x80  }
0x43: {  	[sflag:s22] =	ssyncset.done $0x0  }
0x44: {  	[sflag:s22] =	ssyncadd.s32 $0xFFFFFF80  }
0x45: {  	[tilespmem:s8], [sflag:$0x1] =	stream.indirect.gather [hbm4b:s12+s26], $0x40, s25, s26, $0xb8;
	[tilespmem:$0x16C50] =	vst v63  }
0x46: {  	_ = 	snop  }
0x47: {  	[tilespmem:s28], [sflag:$0x2] =	stream.indirect.gather [hbm4b:s13+s26], $0x40, s24, s26, $0xb8;
	[tilespmem:$0x16C50] =	vst v63  }
0x48: {  	s3 =	sshll.u32 s3, $0x3  }
0x49: {  	[tilespmem:s29], [sflag:$0x3] =	stream.indirect.gather [hbm4b:s14+s26], $0x40, s24, s26, $0xb8;
	[tilespmem:$0x16C50] =	vst v63  }
0x4a: {  	s3 =	sadd.s32 s3, s15  }
0x4b: {  	[tilespmem:s30], [sflag:$0x4] =	stream.linear.gather [hbm4b:s3+s8], $0x2000, $0x38;
	[tilespmem:$0x16C50] =	vst v63  }
0x4c: {  	_ =	swait.ge [sflag:s31], $0x2000  }
0x4d: {  	[sflag:s31] =	ssyncset.done $0x0  }
0x4e: {  	[sflag:s31] =	ssyncadd.s32 $0xFFFFE000  }
0x4f: {  	_ =	swait.ge [sflag:s0], $0x2000  }
0x50: {  	[sflag:s0] =	ssyncset.done $0x0  }
0x51: {  	[sflag:s0] =	ssyncadd.s32 $0xFFFFE000  }
0x52: {  	_ =	swait.ge [sflag:s4], $0x2000  }
0x53: {  	[sflag:s4] =	ssyncset.done $0x0  }
0x54: {  	[sflag:s4] =	ssyncadd.s32 $0xFFFFE000  }
0x55: {  	_ =	swait.ge [sflag:s16], $0x2000  }
0x56: {  	[sflag:s16] =	ssyncset.done $0x0  }
0x57: {  	s20 =	simm.s32 $0x0;
	[sflag:s16] =	ssyncadd.s32 $0xFFFFE000  }
0x58: {  	v4 =	vld [tilespmem:s20+$0x6000]  }
0x59: {  	v2 =	vld [tilespmem:s20+$0x6010]  }
0x5a: {  	v5 =	vld [tilespmem:s20+$0x2000]  }
0x5b: {  	v6 =	vld [tilespmem:s20+$0x2010]  }
0x5c: {  	v7 =	vld [tilespmem:s20+$0x0]  }
0x5d: {  	v1 =	vld [tilespmem:s20+$0x6020]  }
0x5e: {  	v8 =	vld [tilespmem:s20+$0x2020]  }
0x5f: {  	v9 =	vld [tilespmem:s20+$0x10]  }
0x60: {  	v10 =	vld [tilespmem:s20+$0x20];
	v5 =	vadd.f32 v4, v5  }
0x61: {  	v3 =	vld [tilespmem:s20+$0x6030]  }
0x62: {  	v11 =	vld [tilespmem:s20+$0x2030];
	v6 =	vadd.f32 v2, v6;
	v5 =	vmul.f32 v5, v7;
	_ =	sdelay $0x1  }
0x63: {  	v8 =	vadd.f32 v1, v8;
	v7 =	vld [tilespmem:s20+$0x30];
	(xrf2) =	vadd.scan.msk.f32 $0xffff, v5;
	v5 =	vmul.f32 v6, v9;
	_ =	sdelay $0x1  }
0x64: {  	v6 =	vmul.f32 v8, v10;
	(xrf2) =	vadd.scan.msk.f32 $0xffff, v5  }
0x65: {  	v8 =	vadd.f32 v3, v11  }
0x66: {  	(xrf2) =	vadd.scan.msk.f32 $0xffff, v6  }
0x67: {  	v5 =	vmul.f32 v8, v7;
	_ =	sdelay $0x1  }
0x68: {  	(xrf2) =	vadd.scan.msk.f32 $0xffff, v5;
	_ =	sdelay $0x2  }
0x69: {  	v5, _, _ =	vpop (xrf2)  }
0x6a: {  	v5 =	vmul.f32 $1.442695020e+00, v5  }
0x6b: {  	v6, _, _ =	vpop (xrf2)  }
0x6c: {  	v5 =	vbroadcast v5, $0xF;
	v6 =	vmul.f32 $1.442695020e+00, v6  }
0x6d: {  	v7, _, _ =	vpop (xrf2)  }
0x6e: {  	v7 =	vmul.f32 $1.442695020e+00, v7;
	(erf) = vpow2.f32 v5  }
0x6f: {  	v5 =	vbroadcast v6, $0xF  }
0x70: {  	v8 =	vbroadcast v7, $0xF;
	v6, _, _ =	vpop (xrf2)  }
0x71: {  	(erf) = vpow2.f32 v5;
	v7 =	vmul.f32 $1.442695020e+00, v6;
	v6 =	vld [tilespmem:s20+$0x4000];
	_ =	sdelay $0x2  }
0x72: {  	s18 =	simm.s32 $0xA000;
	s17 =	simm.s32 $0xA000;
	s3 =	simm.s32 $0x100;
	v5 =	vld [tilespmem:s20+$0x4010];
	(erf) = vpow2.f32 v8;
	v7 =	vbroadcast v7, $0xF  }
.LBB2_7:
0x73: {  	p1 =	sne.s32 s3, $0x7F00  }
0x74: {  	v4 =	vadd.f32 v6, v4;
	s18 =	sadd.s32 $0x10, s18;
	s1 =	smov.u32 s3;
	s3 =	sadd.s32 $0x100, s3  }
0x75: {  	v6 =	vpop (erf);
	(erf) = vpow2.f32 v7  }
0x76: {  	v4 =	vmul.f32 v6, v4;
	v6 =	vnsel vm0, $0x0, v6;
	v7 =	vld [tilespmem:s20+$0x4020]  }
0x77: {  	v2 =	vadd.f32 v5, v2  }
0x78: {  	[tilespmem:s20+$0x8000] =	vst v4;
	v4 =	vld [tilespmem:s20+$0x4030];
	v5 =	vpop (erf)  }
0x79: {  	s1 =	sshra.s32 s1, $0x2;
	v2 =	vmul.f32 v5, v2;
	v5 =	vsel vm1, $0x0, v5  }
0x7a: {  	v6 =	vadd.f32 $0.0e+00, v6  }
0x7b: {  	[tilespmem:s20+$0x8010] =	vst v2;
	v1 =	vadd.f32 v7, v1  }
0x7c: {  	v2 =	vadd.f32 v5, v6;
	v5 =	vpop (erf)  }
0x7d: {  	v1 =	vmul.f32 v5, v1;
	v5 =	vsel vm2, $0x0, v5;
	v3 =	vadd.f32 v4, v3  }
0x7e: {  	v2 =	vadd.f32 v5, v2;
	v4 =	vpop (erf)  }
0x7f: {  	[tilespmem:s20+$0x8020] =	vst v1;
	v1 =	vmul.f32 v4, v3;
	v3 =	vsel vm3, $0x0, v4  }
0x80: {  	v2 =	vadd.f32 v3, v2  }
0x81: {  	[tilespmem:s20+$0x8030] =	vst v1;
	s20 =	smov.u32 s1  }
0x82: {  	[tilespmem:s17+$0x0] =	vst v2;
	s17 =	smov.u32 s18  }
0x83: {  	v4 =	vld [tilespmem:s20+$0x6000]  }
0x84: {  	v2 =	vld [tilespmem:s20+$0x6010]  }
0x85: {  	v3 =	vld [tilespmem:s20+$0x2000]  }
0x86: {  	v5 =	vld [tilespmem:s20+$0x2010]  }
0x87: {  	v6 =	vld [tilespmem:s20+$0x0]  }
0x88: {  	v1 =	vld [tilespmem:s20+$0x6020]  }
0x89: {  	v7 =	vld [tilespmem:s20+$0x2020]  }
0x8a: {  	v3 =	vadd.f32 v4, v3;
	v8 =	vld [tilespmem:s20+$0x10]  }
0x8b: {  	v5 =	vadd.f32 v2, v5;
	v9 =	vld [tilespmem:s20+$0x20]  }
0x8c: {  	v6 =	vmul.f32 v3, v6;
	v3 =	vld [tilespmem:s20+$0x6030]  }
0x8d: {  	v10 =	vld [tilespmem:s20+$0x2030]  }
0x8e: {  	v7 =	vadd.f32 v1, v7;
	(xrf2) =	vadd.scan.msk.f32 $0xffff, v6  }
0x8f: {  	v5 =	vmul.f32 v5, v8;
	v6 =	vld [tilespmem:s20+$0x30]  }
0x90: {  	v7 =	vmul.f32 v7, v9  }
0x91: {  	(xrf2) =	vadd.scan.msk.f32 $0xffff, v5  }
0x92: {  	v5 =	vadd.f32 v3, v10;
	_ =	sdelay $0x1  }
0x93: {  	v5 =	vmul.f32 v5, v6;
	(xrf2) =	vadd.scan.msk.f32 $0xffff, v7;
	_ =	sdelay $0x2  }
0x94: {  	(xrf2) =	vadd.scan.msk.f32 $0xffff, v5  }
0x95: {  	v5, _, _ =	vpop (xrf2)  }
0x96: {  	v5 =	vmul.f32 $1.442695020e+00, v5;
	_ =	sdelay $0x1  }
0x97: {  	v5 =	vbroadcast v5, $0xF;
	v6, _, _ =	vpop (xrf2)  }
0x98: {  	v6 =	vmul.f32 $1.442695020e+00, v6  }
0x99: {  	(erf) = vpow2.f32 v5  }
0x9a: {  	v8 =	vbroadcast v6, $0xF;
	v7, _, _ =	vpop (xrf2);
	_ =	sdelay $0x1  }
.Ltmp3:
0x9b: {  	v7 =	vmul.f32 $1.442695020e+00, v7;
	v6 =	vld [tilespmem:s20+$0x4000];
	(erf) = vpow2.f32 v8;
	(pc) =	sbr.rel @p1 .LBB2_7-.Ltmp3, $4  }
0x9c: {  	v5, _, _ =	vpop (xrf2)  }
0x9d: {  	v8 =	vbroadcast v7, $0xF;
	v7 =	vmul.f32 $1.442695020e+00, v5  }
0x9e: {  	v5 =	vld [tilespmem:s20+$0x4010]  }
0x9f: {  	v7 =	vbroadcast v7, $0xF;
	(erf) = vpow2.f32 v8  }
0xa0: {  	_ = 	snop  }
0xa1: {  	v56 =	vpop (erf);
	(erf) = vpow2.f32 v7;
	_ =	sdelay $0x1  }
0xa2: {  	v57 =	vld [tilespmem:s20+$0x4020]  }
0xa3: {  	v58 =	vld [tilespmem:s20+$0x4030]  }
0xa4: {  	v4 =	vadd.f32 v6, v4;
	v6 =	vnsel vm0, $0x0, v56  }
0xa5: {  	v6 =	vadd.f32 $0.0e+00, v6;
	v8 =	vpop (erf)  }
0xa6: {  	v2 =	vadd.f32 v5, v2;
	v59 =	vsel vm1, $0x0, v8  }
0xa7: {  	v4 =	vmul.f32 v56, v4;
	v1 =	vadd.f32 v57, v1;
	v5 =	vadd.f32 v59, v6;
	v60 =	vpop (erf)  }
0xa8: {  	v2 =	vmul.f32 v8, v2;
	v3 =	vadd.f32 v58, v3;
	v61 =	vsel vm2, $0x0, v60  }
0xa9: {  	[tilespmem:s20+$0x8000] =	vst v4;
	v1 =	vmul.f32 v60, v1;
	v62 =	vadd.f32 v61, v5;
	v63 =	vpop (erf)  }
0xaa: {  	[tilespmem:s20+$0x8010] =	vst v2;
	v2 =	vmul.f32 v63, v3;
	v3 =	vsel vm3, $0x0, v63  }
0xab: {  	[tilespmem:s20+$0x8020] =	vst v1;
	v1 =	vadd.f32 v3, v62  }
0xac: {  	[tilespmem:s20+$0x8030] =	vst v2  }
0xad: {  	[tilespmem:s17+$0x0] =	vst v1  }
0xae: {  	[spmem:s2] =	stream.indirect.scatter.add.f32 [tilespmem:s21], [sflag:$0x5], $0x40, s25, s26, $0xb8;
	[tilespmem:$0x16C50] =	vst v63  }
0xaf: {  	_ =	swait.ge [sflag:s22], $0x2000  }
0xb0: {  	s19 =	sadd.s32 $0x1, s19;
	[sflag:s22] =	ssyncset.done $0x0  }
0xb1: {  	p1 =	sne.s32 s19, s10;
	[sflag:s22] =	ssyncadd.s32 $0xFFFFE000  }
.Ltmp4:
0xb2: {  	s1 =	rddreg [dreg:$0x3];
	(pc) =	sbr.rel @p1 .LBB2_6-.Ltmp4, $4  }
0xb3: {  	[spmem:s1] =	stream.indirect.scatter.add.f32 [tilespmem:s23], [sflag:$0x5], $0x10, s25, s26, $0xb8;
	[tilespmem:$0x16C50] =	vst v63  }
0xb4: {  	_ =	swait.ge [sflag:s22], $0x800  }
0xb5: {  	[sflag:s22] =	ssyncset.done $0x0  }
0xb6: {  	[sflag:s22] =	ssyncadd.s32 $0xFFFFF800  }
0xb7: {  	[bflag:$0x0] =	sbarrier.arrive $0xFFFF  }
0xb8: {  	s20 =	stileid.u32;
	s1 =	rddreg [dreg:$0x6]  }
.Ltmp5:
0xb9: {  	s2 =	sshll.u32 s20, $0x6;
	s20 =	rddreg [dreg:$0xa];
	(pc) =	sbr.rel @!p0 .LBB2_14-.Ltmp5, $4  }
0xba: {  	s19 =	rddreg [dreg:$0x8]  }
0xbb: {  	s17 =	rddreg [dreg:$0xb]  }
0xbc: {  	s8 =	rddreg [dreg:$0x9]  }
0xbd: {  	p1 =	por $0x0, $0x0;
	s18 =	rddreg [dreg:$0x5];
	s3 =	sadd.s32 $0xFFFFFFFF, s1  }
0xbe: {  	s20 =	rddreg [dreg:$0xa]  }
0xbf: {  	[dreg:$0xc] =	wrdreg s2  }
0xc0: {  	s18 =	sor.u32 $0x1C05, s2;
	s2 =	rddreg [dreg:$0x8];
	s1 =	sshrl.u32 s20, $0x3  }
0xc1: {  	s8 =	sshrl.u32 s2, $0x3;
	s1 =	sadd.s32 s7, s1  }
0xc2: {  	[hbm:s1], [sflag:s18] =	dma.local [spmem:s8], $0x280  }
0xc3: {  	_ =	swait.ge [sflag:s22], $0x280  }
0xc4: {  	p0 =	sne.s32 s3, $0x1;
	s19 =	rddreg [dreg:$0xb]  }
0xc5: {  	s3 =	sadd.s32 $0xFFFFFFFF, s3;
	[sflag:s22] =	ssyncset.done $0x0;
	s17 =	sshrl.u32 s19, $0x3  }
.Ltmp6:
0xc6: {  	s1 =	sadd.s32 s9, s17;
	s17 =	rddreg [dreg:$0x9];
	(pc) =	sbr.rel @!p0 .LBB2_11-.Ltmp6, $4  }
0xc7: {  	p1 =	por $0x1, $0x1;
	[sflag:s22] =	ssyncadd.s32 $0xFFFFFD80;
	s8 =	sshrl.u32 s17, $0x3  }
0xc8: {  	[hbm:s1], [sflag:s18] =	dma.local [spmem:s8], $0xA0  }
0xc9: {  	s20 =	sadd.s32 $0x14000, s20;
	s8 =	sadd.s32 $0x5000, s17;
	_ =	swait.ge [sflag:s22], $0xA0  }
0xca: {  	s17 =	sadd.s32 $0x5000, s19;
	s19 =	sadd.s32 $0x14000, s2;
	[sflag:s22] =	ssyncset.done $0x0  }
.LBB2_12:
0xcb: {  	s1 =	sshrl.u32 s20, $0x3;
	[sflag:s22] =	ssyncadd.s32 $0xFFFFFF60  }
0xcc: {  	s2 =	sshrl.u32 s19, $0x3;
	s1 =	sadd.s32 s7, s1  }
0xcd: {  	[hbm:s1], [sflag:s18] =	dma.local [spmem:s2], $0x280  }
0xce: {  	p0 =	sne.s32 s3, $0x1;
	s3 =	sadd.s32 $0xFFFFFFFF, s3;
	_ =	swait.ge [sflag:s22], $0x280  }
.Ltmp7:
0xcf: {  	s1 =	sshrl.u32 s17, $0x3;
	[sflag:s22] =	ssyncset.done $0x0;
	(pc) =	sbr.rel @p0 .LBB2_12-.Ltmp7, $4  }
0xd0: {  	s2 =	sshrl.u32 s8, $0x3;
	s1 =	sadd.s32 s9, s1;
	[sflag:s22] =	ssyncadd.s32 $0xFFFFFD80  }
0xd1: {  	[hbm:s1], [sflag:s18] =	dma.local [spmem:s2], $0xA0  }
0xd2: {  	s8 =	sadd.s32 $0x5000, s8;
	s17 =	sadd.s32 $0x5000, s17;
	_ =	swait.ge [sflag:s22], $0xA0  }
0xd3: {  	s19 =	sadd.s32 $0x14000, s19;
	s20 =	sadd.s32 $0x14000, s20;
	[sflag:s22] =	ssyncset.done $0x0  }
0xd4: {  	s18 =	rddreg [dreg:$0x5]  }
0xd5: {  	s2 =	rddreg [dreg:$0xc]  }
.LBB2_14:
0xd6: {  	s1 =	sshrl.u32 s20, $0x3;
	[sflag:s22] =	ssyncadd.s32 @p1 $0xFFFFFF60  }
0xd7: {  	s2 =	sor.u32 $0x1C05, s2;
	s3 =	sshrl.u32 s19, $0x3;
	s1 =	sadd.s32 s7, s1  }
0xd8: {  	[hbm:s1], [sflag:s2] =	dma.local [spmem:s3], $0x280  }
0xd9: {  	_ =	swait.ge [sflag:s22], $0x280  }
0xda: {  	s17 =	sshrl.u32 s17, $0x3;
	[sflag:s22] =	ssyncset.done $0x0  }
0xdb: {  	s19 =	sshrl.u32 s8, $0x3;
	s1 =	sadd.s32 s9, s17;
	[sflag:s22] =	ssyncadd.s32 $0xFFFFFD80  }
0xdc: {  	[hbm:s1], [sflag:s2] =	dma.local [spmem:s19], $0xA0  }
0xdd: {  	_ =	swait.ge [sflag:s22], $0xA0  }
0xde: {  	s19 =	sadd.s32 $0x1, s18;
	s20 =	rddreg [dreg:$0x7]  }
0xdf: {  	p0 =	sne.s32 s19, s20  }
.Ltmp8:
0xe0: {  	_ = 	snop;
	(pc) =	sbr.rel @p0 .LBB2_1-.Ltmp8, $4  }
.Ltmp9:
0xe1: {  	_ = 	snop;
	(pc) =	sbr.rel @!p0 .LBB2_15-.Ltmp9, $4  }
0xe2: {  	[sflag:s22] =	ssyncset.done $0x0  }
0xe3: {  	[sflag:s22] =	ssyncadd.s32 $0xFFFFFF60  }
0xe4: {  	s2 =	rddreg [dreg:$0x2]  }
0xe5: {  	_ = 	snop  }
.LBB2_11:
.Ltmp10:
0xe6: {  	(pc) =	sbr.rel .LBB2_14-.Ltmp10, $3  }
0xe7: {  	_ =	sdelay $0x1  }
0xe8: {  	s18 =	rddreg [dreg:$0x5]  }
0xe9: {  	s2 =	rddreg [dreg:$0xc]  }
.LBB2_15:
0xea: {  	_ =	sfence.sel $0x180000  }
0xeb: {  	[bflag:$0x0] =	sbarrier.arrive $0xFFFF  }
0xec: {  	_ =	strace $0x90000047  }
0xed: {  	s0 =	stileid.u32;
	[bflag:$0x2] =	sbarrier.arrive $0xFFFF  }
0xee: {  	p0 =	sne.s32 s0, $0x0;
	s0 =	rddreg [dreg:$0x4]  }
0xef: {  	s0 =	sadd.s32 @!p0 $0x100000, s0  }
0xf0: {  	[sflag:s0] =	ssyncadd.tile.s32 @!p0 $0x1;
	_ =	shalt  }
.Lfunc_end2:
_tile_overlayer_lowered:
.L_overlay_start_2:
0xf1: {  	(tag) =	ssettag $0x2  }
0xf2: {  	s0 =	rddreg [dreg:$0x0];
	s2 =	stileid.u32  }
0xf3: {  	s1 =	rddreg [dreg:$0x1];
	p0 =	sne.s32 s2, $0x0  }
0xf4: {  	s3 =	rddreg [dreg:$0x2];
	[bflag:$0x3] =	sbarrier.arrive $0xFFFF;
	s2 =	simm.s32 @!p0 $0x1C05  }
0xf5: {  	[timem:s3], [sflag:s2] =	dma.local @!p0 [hbm:s0], s1  }
0xf6: {  	s0 =	simm.s32 @!p0 $0x5  }
0xf7: {  	_ =	swait.ge @!p0 [sflag:s0], s1  }
0xf8: {  	s1 =	ssub.s32 @!p0 $0x0, s1;
	[sflag:s0] =	ssyncset.done @!p0 $0x0  }
0xf9: {  	[sflag:s0] =	ssyncadd.s32 @!p0 s1  }
0xfa: {  	[bflag:$0x3] =	sbarrier.arrive $0xFFFF  }
0xfb: {  	_ =	shalt  }

// kernel: sc_edge_l2.3.cloned.1.call-start
scs
__scs_entry_jumppad:
0x0: {  	(pc) =	sbr.rel $0x88, $3  }
0x1: {  	(tag) =	ssettag $0x0;
	lr =	simm.s32 $0x1  }
0x2: {  	[smem:$0x3F8A] =	sst lr;
	_ =	strace $0xD0000000  }
0x3: {  	_ = 	snop  }
0x4: {  	_ = 	snop  }
0x5: {  	_ = 	snop  }
0x6: {  	_ = 	snop  }
0x7: {  	_ = 	snop  }
__scs_overlays_trampoline_lowered:
0x8: {  	[smem:$0x3F99] =	sst s0  }
0x9: {  	[smem:$0x3F9A] =	sst s1  }
0xa: {  	[smem:$0x3F9B] =	sst s2  }
0xb: {  	[smem:$0x3F9C] =	sst s3  }
0xc: {  	[smem:$0x3F9D] =	sst s4  }
0xd: {  	[smem:$0x3F9E] =	sst s5  }
0xe: {  	[smem:$0x3F9F] =	sst s6  }
0xf: {  	[smem:$0x3FA0] =	sst s7  }
0x10: {  	[smem:$0x3FA1] =	sst s8  }
0x11: {  	[smem:$0x3FA2] =	sst s9;
	s0 =	simm.s32 @!p0 $0x0  }
0x12: {  	s1 =	sld [smem:$0x3F88];
	s0 =	simm.s32 @p0 $0x1  }
0x13: {  	[smem:$0x3FA3] =	sst s0;
	s0 =	simm.s32 @!p1 $0x0  }
0x14: {  	s2 =	sld [smem:$0x3F87];
	s0 =	simm.s32 @p1 $0x1  }
0x15: {  	[smem:$0x3FA4] =	sst s0;
	s0 =	simm.s32 @!p2 $0x0  }
0x16: {  	s3 =	sld [smem:$0x3FDB];
	s0 =	simm.s32 @p2 $0x1  }
0x17: {  	s4 =	simm.s32 $0x1BF5;
	[smem:$0x3FA6] =	sst s0  }
0x18: {  	s0 =	sld [smem:$0x3F89];
	_ =	swait.ge [sflag:s4], $0x0  }
0x19: {  	s7 =	sld [smem:$0x3F8A]  }
0x1a: {  	s8 =	sadd.s32 $0xFFFFE003, lr  }
0x1b: {  	s9 =	sadd.s32 $0xFFFFFEF7, lr;
	s5 =	simm.s32 $0xFFFFFFFF;
	p2 =	slt.u32 s8, $0xFFFFF086  }
0x1c: {  	p1 =	slt.u32 s9, $0xF7A;
	s5 =	simm.s32 @!p2 $0x0  }
0x1d: {  	s5 =	simm.s32 @p1 $0x1;
	p0 =	seq.s32 s7, s2  }
0x1e: {  	s7 =	smul.u32 @!p0 $0xF7A, s2;
	p2 =	seq.s32 @!p0 s5, $0x0  }
0x1f: {  	s9 =	smul.u32 $0xF7A, s1;
	s8 =	simm.s32 @!p0 $0x1BF5;
	p2 =	por !p2, p0  }
0x20: {  	[sflag:s8] =	ssyncset.s32 @!p0 $0xFFFFF086;
	s6 =	sadd.s32 @!p0 s3, s7;
	s7 =	simm.s32 @!p0 $0x108  }
0x21: {  	s3 =	sadd.s32 s3, s9;
	s6 =	sadd.s32 @!p0 $0x88, s6;
	s7 =	simm.s32 @p2 $0x1082  }
0x22: {  	[simem:s7], [sflag:s8] =	dma.local @!p0 [hbm:s6], $0xF7A  }
0x23: {  	s9 =	sor.u32 $0xD0000000, s2;
	s6 =	simm.s32 $0x108;
	_ =	swait.ge @!p0 [sflag:s8], $0x0  }
0x24: {  	s3 =	sadd.s32 $0x88, s3;
	s6 =	simm.s32 @!p1 $0x1082;
	[sflag:s4] =	ssyncset.s32 $0xFFFFF086  }
0x25: {  	[simem:s6], [sflag:s4] =	dma.local [hbm:s3], $0xF7A  }
0x26: {  	[smem:$0x3F8A] =	sst s1;
	(tag) =	ssettag s2;
	_ =	strace s9  }
0x27: {  	s1 =	sld [smem:$0x3F9A]  }
0x28: {  	s2 =	sld [smem:$0x3F9B]  }
0x29: {  	s4 =	sld [smem:$0x3F9D]  }
0x2a: {  	p0 =	seq.s32 s5, $0x0;
	s5 =	sld [smem:$0x3F9E]  }
0x2b: {  	s6 =	sld [smem:$0x3F9F]  }
0x2c: {  	s7 =	sld [smem:$0x3FA0]  }
0x2d: {  	s3 =	simm.s32 $0x108;
	s8 =	sld [smem:$0x3FA1]  }
0x2e: {  	s3 =	simm.s32 @!p0 $0x1082;
	s9 =	sld [smem:$0x3FA2]  }
0x2f: {  	lr =	sadd.s32 s0, s3;
	s0 =	sld [smem:$0x3F99]  }
0x30: {  	s3 =	sld [smem:$0x3F9C]  }
0x31: {  	[smem:$0x3FA5] =	sst s10  }
0x32: {  	s10 =	sld [smem:$0x3FA3];
	_ =	sdelay $0x3  }
0x33: {  	p0 =	seq.s32 s10, $0x1;
	s10 =	sld [smem:$0x3FA5];
	_ =	sdelay $0x3  }
0x34: {  	[smem:$0x3FA5] =	sst s10  }
0x35: {  	s10 =	sld [smem:$0x3FA4];
	_ =	sdelay $0x3  }
0x36: {  	p1 =	seq.s32 s10, $0x1;
	s10 =	sld [smem:$0x3FA5];
	_ =	sdelay $0x3  }
0x37: {  	[smem:$0x3FA5] =	sst s10  }
0x38: {  	s10 =	sld [smem:$0x3FA6]  }
0x39: {  	_ = 	snop;
	(pc) =	sbr.ind lr, $3  }
0x3a: {  	_ = 	snop  }
0x3b: {  	_ = 	snop  }
0x3c: {  	p2 =	seq.s32 s10, $0x1;
	s10 =	sld [smem:$0x3FA5]  }
0x3d: {  	_ =	shalt  }
0x3e: {  	_ =	shalt  }
0x3f: {  	_ =	shalt  }
0x40: {  	_ =	shalt  }
0x41: {  	_ =	shalt  }
0x42: {  	_ =	shalt  }
0x43: {  	_ =	shalt  }
0x44: {  	_ =	shalt  }
0x45: {  	_ =	shalt  }
0x46: {  	_ =	shalt  }
0x47: {  	_ =	shalt  }
0x48: {  	_ =	shalt  }
0x49: {  	_ =	shalt  }
0x4a: {  	_ =	shalt  }
0x4b: {  	_ =	shalt  }
0x4c: {  	_ =	shalt  }
0x4d: {  	_ =	shalt  }
0x4e: {  	_ =	shalt  }
0x4f: {  	_ =	shalt  }
0x50: {  	_ =	shalt  }
0x51: {  	_ =	shalt  }
0x52: {  	_ =	shalt  }
0x53: {  	_ =	shalt  }
0x54: {  	_ =	shalt  }
0x55: {  	_ =	shalt  }
0x56: {  	_ =	shalt  }
0x57: {  	_ =	shalt  }
0x58: {  	_ =	shalt  }
0x59: {  	_ =	shalt  }
0x5a: {  	_ =	shalt  }
0x5b: {  	_ =	shalt  }
0x5c: {  	_ =	shalt  }
0x5d: {  	_ =	shalt  }
0x5e: {  	_ =	shalt  }
0x5f: {  	_ =	shalt  }
0x60: {  	_ =	shalt  }
0x61: {  	_ =	shalt  }
0x62: {  	_ =	shalt  }
0x63: {  	_ =	shalt  }
0x64: {  	_ =	shalt  }
0x65: {  	_ =	shalt  }
0x66: {  	_ =	shalt  }
0x67: {  	_ =	shalt  }
0x68: {  	_ =	shalt  }
0x69: {  	_ =	shalt  }
0x6a: {  	_ =	shalt  }
0x6b: {  	_ =	shalt  }
0x6c: {  	_ =	shalt  }
0x6d: {  	_ =	shalt  }
0x6e: {  	_ =	shalt  }
0x6f: {  	_ =	shalt  }
0x70: {  	_ =	shalt  }
0x71: {  	_ =	shalt  }
0x72: {  	_ =	shalt  }
0x73: {  	_ =	shalt  }
0x74: {  	_ =	shalt  }
0x75: {  	_ =	shalt  }
0x76: {  	_ =	shalt  }
0x77: {  	_ =	shalt  }
0x78: {  	_ =	shalt  }
0x79: {  	_ =	shalt  }
0x7a: {  	_ =	shalt  }
0x7b: {  	_ =	shalt  }
0x7c: {  	_ =	shalt  }
0x7d: {  	_ =	shalt  }
0x7e: {  	_ =	shalt  }
0x7f: {  	_ =	shalt  }
0x80: {  	_ =	shalt  }
0x81: {  	_ =	shalt  }
0x82: {  	_ =	shalt  }
0x83: {  	_ =	shalt  }
0x84: {  	_ =	shalt  }
0x85: {  	_ =	shalt  }
0x86: {  	_ =	shalt  }
0x87: {  	_ =	shalt  }
.Lfunc_end0:
.L_simem_size_0:
called_computation.1_lowered:
.L_overlay_start_0:
0x88: {  	s2 =	sld [smem:$0x3FD9]  }
0x89: {  	s3 =	sld [smem:$0x3FFE];
	_ =	sdelay $0x1  }
0x8a: {  	s1 =	srdreg.scid  }
0x8b: {  	s0 =	sand.u32 $0x1, s1  }
0x8c: {  	s16 =	sshll.u32 s0, $0xA;
	s2 =	sadd.s32 s3, s2  }
0x8d: {  	s2 =	sadd.s32 s2, s16  }
0x8e: {  	[smem:$0x3FB1] =	sst s2  }
0x8f: {  	_ = 	snop  }
0x90: {  	(tm) =	ssettm $0x1  }
0x91: {  	s17 =	sld [smem:$0x3FFB];
	_ =	sdelay $0x3  }
0x92: {  	_ =	strace s17  }
0x93: {  	s2 =	sld [smem:$0x3FFC];
	_ =	sdelay $0x3  }
0x94: {  	_ =	strace s2  }
0x95: {  	s2 =	sld [smem:$0x3FFD];
	_ =	sdelay $0x3  }
0x96: {  	_ =	strace s2  }
0x97: {  	_ =	strace $0x8FFFFFFF  }
0x98: {  	s18 =	sld [smem:$0x3FDB];
	_ =	sdelay $0x1  }
0x99: {  	s19 =	simm.s32 $_scs_section_size  }
0x9a: {  	s4 =	simm.s32 $_size__tile_overlayer_lowered;
	s5 =	simm.s32 $_tile_overlayer_lowered  }
0x9b: {  	s22 =	simm.s32 $0x1BFF;
	s21 =	sshll.u32 s5, $0x1;
	s2 =	sadd.s32 s19, s18  }
0x9c: {  	s6 =	simm.s32 $0x0;
	s20 =	sshll.u32 s4, $0x1;
	s4 =	sadd.s32 s21, s2  }
0x9d: {  	[timem:s6], [sflag:s22] =	dma.local [hbm:s4], s20  }
0x9e: {  	_ =	swait.ge [sflag:s22], s20  }
0x9f: {  	s3 =	ssub.s32 $0x0, s20;
	[sflag:s22] =	ssyncset.done $0x0  }
0xa0: {  	[sflag:s22] =	ssyncadd.s32 s3;
	_ =	sdelay $0x1  }
0xa1: {  	s23 =	simm.s32 $0x1B8B  }
0xa2: {  	_ =	swait.ge [sflag:s23], $0x1  }
0xa3: {  	[sflag:s23] =	ssyncset.done $0x0  }
0xa4: {  	s25 =	simm.s32 $0x1B8E;
	s24 =	sld [smem:$0x3FFE];
	[sflag:s23] =	ssyncadd.s32 $0xFFFFFFFF  }
0xa5: {  	s26 =	simm.s32 $execute0_lowered;
	[smem:$0x3FD2] =	sst s25  }
0xa6: {  	s4 =	sshll.u32 s26, $0x1;
	_ =	strace $0x80000049;
	[dreg:$0x1] =	wrdreg $0xFFFFFFFF  }
0xa7: {  	s28 =	simm.s32 $_size_execute0_lowered;
	s2 =	sadd.s32 s2, s4;
	[dreg:$0x0] =	wrdreg $0x0  }
0xa8: {  	s4 =	sshll.u32 s28, $0x1;
	[dreg:$0x2] =	wrdreg s2  }
0xa9: {  	[dreg:$0x3] =	wrdreg s4  }
0xaa: {  	[dreg:$0x4] =	wrdreg $0xC0  }
0xab: {  	_ =	task [dreg:s6], $0x5FFFF  }
0xac: {  	[dreg:$0x1] =	wrdreg $0xFFFFFFFF  }
0xad: {  	[dreg:$0x0] =	wrdreg $0x60  }
0xae: {  	[dreg:$0x2] =	wrdreg s24  }
0xaf: {  	[dreg:$0x3] =	wrdreg $0x129000  }
0xb0: {  	[dreg:$0x4] =	wrdreg $0x1C5400  }
0xb1: {  	[dreg:$0x5] =	wrdreg $0x9  }
0xb2: {  	_ =	task.clear_ibuf [dreg:s6], $0x6FFFF;
	_ =	strace $0x90000049  }
0xb3: {  	s29 =	simm.s32 $0x9;
	_ =	strace $0x8000004B  }
0xb4: {  	_ =	swait.ge [sflag:s29], $0x1  }
0xb5: {  	[sflag:s29] =	ssyncadd.s32 $0xFFFFFFFF  }
0xb6: {  	_ =	strace $0x9000004B  }
0xb7: {  	_ =	sfence  }
0xb8: {  	s30 =	sld [smem:$0x0];
	_ =	sdelay $0x2  }
0xb9: {  	s31 =	sshll.u32 s1, $0xD;
	s1 =	sshrl.u32 s1, $0x2  }
0xba: {  	s3 =	sand.u32 $0x4000, s31;
	s1 =	sadd.s32 s1, s30  }
0xbb: {  	s0 =	sor.u32 s3, s0;
	s1 =	sshll.u32 s1, $0x11  }
0xbc: {  	s0 =	sor.u32 s1, s0  }
0xbd: {  	s0 =	sadd.s32 $0x8F2B, s0  }
0xbe: {  	[sflag:s0] =	ssyncadd.remote.s32 $0x1  }
0xbf: {  	_ =	sfence.sel $0xFFFF  }
0xc0: {  	[dreg:$0x0] =	wrdreg $0xFFFFFFFF;
	(pc) =	sbr.abs _section_cstart, $3  }
0xc1: {  	[dreg:$0x1] =	wrdreg $0xFFFFFFFF  }
0xc2: {  	_ =	task.clear_ibuf [dreg:s6], $0x2FFFF;
	_ =	strace $0x9FFFFFFF  }
0xc3: {  	(tm) =	ssettm $0x7FFFFFFF  }
tec
execute0_lowered:
.L_overlay_start_1:
0x0: {  	(tag) =	ssettag $0x1  }
0x1: {  	s0 =	rddreg [dreg:$0x0]  }
0x2: {  	s17 =	rddreg [dreg:$0x1]  }
0x3: {  	s18 =	rddreg [dreg:$0x2];
	s19 =	simm.s32 $0x0  }
0x4: {  	s1 =	srdreg.scid;
	s20 =	stileid.u32;
	s12 =	simm.s32 $0x8  }
0x5: {  	s13 =	simm.s32 $0x9D;
	s28 =	simm.s32 $0x80;
	s4 =	sadd.s32 $0x60E200, s0  }
0x6: {  	[smem:$0x7FF] =	sst s19;
	s6 =	sadd.s32 $0x1479400, s0;
	s22 =	smul.u32 $0x5000, s20  }
0x7: {  	s1 =	sand.u32 $0x1, s1;
	s8 =	sadd.s32 $0x5DD200, s0;
	s23 =	smul.u32 $0x1400, s20  }
0x8: {  	s5 =	sadd.s32 $0x5E7000, s0;
	s9 =	sadd.s32 $0x5D3400, s0;
	s25 =	smul.u32 $0x500, s20  }
0x9: {  	s10 =	sadd.s32 $0x2DE00, s0;
	s11 =	sadd.s32 $0x635400, s0;
	s2 =	smul.u32 $0x13880, s1  }
0xa: {  	p0 =	slt.u32 s20, $0xD;
	s14 =	sshll.u32 s20, $0x7;
	s3 =	smul.u32 $0x271000, s1  }
0xb: {  	_ =	strace $0x8000004A;
	s16 =	ssub.s32 $0x2, s1;
	s21 =	smul.u32 $0x9C400, s1  }
0xc: {  	s12 =	simm.s32 @!p0 $0x7;
	p0 =	slt.u32 s20, $0x4;
	s1 =	smul.u32 $0x27100, s1  }
0xd: {  	s20 =	simm.s32 $0x4;
	s7 =	sshrl.u32 s16, $0x1;
	[dreg:$0x5] =	wrdreg s12  }
0xe: {  	s13 =	simm.s32 @!p0 $0x9C;
	s24 =	sshrl.u32 s22, $0x2;
	s29 =	sshrl.u32 s23, $0x2  }
0xf: {  	s22 =	simm.s32 $0x10000;
	s12 =	simm.s32 $0x3;
	s2 =	sadd.s32 s2, s0  }
0x10: {  	s3 =	sadd.s32 s3, s0;
	s0 =	ssub.s32 s16, s7;
	s26 =	sadd.s32 s24, s17  }
0x11: {  	s30 =	sadd.s32 s23, s21;
	s31 =	sadd.s32 s25, s1;
	s23 =	simm.s32 $0x6  }
0x12: {  	s24 =	simm.s32 $0x12000;
	s25 =	simm.s32 $0x12800;
	[dreg:$0x7] =	wrdreg s26  }
0x13: {  	s7 =	simm.s32 $0x1;
	s17 =	simm.s32 $0x2;
	[dreg:$0x9] =	wrdreg s30  }
0x14: {  	s21 =	simm.s32 $0x5;
	s0 =	smax.u32 s0, $0x1;
	[dreg:$0xa] =	wrdreg s31  }
0x15: {  	s15 =	sadd.s32 $0x6C00, s2;
	[dreg:$0x6] =	wrdreg s0;
	s0 =	sadd.s32 s29, s18  }
0x16: {  	v0 =	vimm.f32 $0.0e+00;
	vm0 =	vmmov $0x1;
	s16 =	sadd.s32 $0x63F200, s3;
	s26 =	simm.s32 $0x12880;
	[dreg:$0x8] =	wrdreg s0  }
.LBB2_1:
0x17: {  	s1 =	simm.s32 $0x10020  }
0x18: {  	[tilespmem:s1+$0x0] =	vst v0  }
0x19: {  	[tilespmem:s1+$0xFFFFFFE0] =	vst v0  }
0x1a: {  	[tilespmem:s1+$0x10] =	vst v0  }
0x1b: {  	s2 =	simm.s32 $0x40;
	s3 =	simm.s32 $0x0;
	[tilespmem:s1+$0xFFFFFFF0] =	vst v0  }
.LBB2_2:
0x1c: {  	p0 =	sne.s32 s2, $0x1FC0  }
0x1d: {  	[tilespmem:s3+$0x12000] =	vst v0;
	s1 =	sadd.s32 $0x40, s1;
	s3 =	smov.u32 s2;
	s2 =	sadd.s32 $0x40, s2  }
.Ltmp0:
0x1e: {  	[tilespmem:s1+$0x0] =	vst v0;
	(pc) =	sbr.rel @p0 .LBB2_2-.Ltmp0, $4  }
0x1f: {  	_ = 	snop  }
0x20: {  	[tilespmem:s1+$0xFFFFFFE0] =	vst v0  }
0x21: {  	[tilespmem:s1+$0x10] =	vst v0  }
0x22: {  	s3 =	sshra.s32 s3, $0x2;
	[tilespmem:s1+$0xFFFFFFF0] =	vst v0  }
0x23: {  	[dreg:$0x4] =	wrdreg s19  }
0x24: {  	[tilespmem:s3+$0x12000] =	vst v0;
	s2 =	rddreg [dreg:$0x7]  }
0x25: {  	[spmem:s2] =	stream.linear.scatter [tilespmem:s22], [sflag:$0x6], $0x1400, $0x38;
	[tilespmem:$0x1EC50] =	vst v63  }
0x26: {  	_ =	swait.ge [sflag:s23], $0x1400  }
0x27: {  	s0 =	rddreg [dreg:$0x5]  }
0x28: {  	p0 =	sne.s32 s0, $0x1  }
.Ltmp1:
0x29: {  	[sflag:s23] =	ssyncset.done $0x0;
	(pc) =	sbr.rel @!p0 .LBB2_5-.Ltmp1, $4  }
0x2a: {  	s3 =	rddreg [dreg:$0x8];
	[sflag:s23] =	ssyncadd.s32 $0xFFFFEC00  }
0x2b: {  	[spmem:s3] =	stream.linear.scatter [tilespmem:s24], [sflag:$0x6], $0x500, $0x38;
	[tilespmem:$0x1EC50] =	vst v63  }
0x2c: {  	_ =	swait.ge [sflag:s23], $0x500  }
0x2d: {  	s1 =	sadd.s32 $0xFFFFFFFF, s0;
	[sflag:s23] =	ssyncset.done $0x0  }
.LBB2_4:
0x2e: {  	[sflag:s23] =	ssyncadd.s32 $0xFFFFFB00;
	s2 =	sadd.s32 $0x14000, s2;
	s3 =	sadd.s32 $0x5000, s3  }
0x2f: {  	[spmem:s2] =	stream.linear.scatter [tilespmem:s22], [sflag:$0x6], $0x1400, $0x38;
	[tilespmem:$0x1EC50] =	vst v63  }
0x30: {  	p1 =	sne.s32 s1, $0x1;
	s1 =	sadd.s32 $0xFFFFFFFF, s1;
	_ =	swait.ge [sflag:s23], $0x1400  }
.Ltmp2:
0x31: {  	[sflag:s23] =	ssyncset.done $0x0;
	(pc) =	sbr.rel @p1 .LBB2_4-.Ltmp2, $4  }
0x32: {  	[sflag:s23] =	ssyncadd.s32 $0xFFFFEC00  }
0x33: {  	[spmem:s3] =	stream.linear.scatter [tilespmem:s24], [sflag:$0x6], $0x500, $0x38;
	[tilespmem:$0x1EC50] =	vst v63  }
0x34: {  	_ =	swait.ge [sflag:s23], $0x500  }
0x35: {  	[sflag:s23] =	ssyncset.done $0x0  }
.LBB2_5:
0x36: {  	[sflag:s23] =	ssyncadd.s32 $0xFFFFFB00  }
0x37: {  	s18 =	simm.s32 $0x0;
	s19 =	simm.s32 $0x0;
	[bflag:$0x0] =	sbarrier.arrive $0xFFFF  }
.LBB2_6:
0x38: {  	s1 =	sshll.u32 s19, $0xB  }
0x39: {  	s1 =	sor.u32 s14, s1  }
0x3a: {  	s2 =	sshrl.u32 s1, $0x3  }
0x3b: {  	s3 =	sadd.s32 s8, s2  }
0x3c: {  	[tilespmem:s25], [sflag:$0x6] =	stream.linear.gather [hbm4b:s3+s18], $0x80, $0x38;
	[tilespmem:$0x1EC50] =	vst v63  }
0x3d: {  	_ =	swait.ge [sflag:s23], $0x80  }
0x3e: {  	[sflag:s23] =	ssyncset.done $0x0  }
0x3f: {  	s2 =	sadd.s32 s9, s2;
	[sflag:s23] =	ssyncadd.s32 $0xFFFFFF80  }
0x40: {  	[tilespmem:s26], [sflag:$0x6] =	stream.linear.gather [hbm4b:s2+s18], $0x80, $0x38;
	[tilespmem:$0x1EC50] =	vst v63  }
0x41: {  	_ =	swait.ge [sflag:s23], $0x80  }
0x42: {  	[sflag:s23] =	ssyncset.done $0x0  }
0x43: {  	[sflag:s23] =	ssyncadd.s32 $0xFFFFFF80  }
0x44: {  	[tilespmem:s18], [sflag:$0x1] =	stream.indirect.gather [hbm4b:s4+s28], $0x80, s26, s28, $0xb8;
	[tilespmem:$0x1EC50] =	vst v63  }
0x45: {  	s0 =	simm.s32 $0x4000  }
0x46: {  	[tilespmem:s0], [sflag:$0x2] =	stream.indirect.gather [hbm4b:s5+s28], $0x80, s25, s28, $0xb8;
	[tilespmem:$0x1EC50] =	vst v63  }
0x47: {  	s3 =	simm.s32 $0x8000;
	s0 =	sshll.u32 s1, $0x4  }
0x48: {  	[tilespmem:s3], [sflag:$0x3] =	stream.indirect.gather [hbm4b:s15+s28], $0x40, s25, s28, $0xb8;
	[tilespmem:$0x1EC50] =	vst v63  }
0x49: {  	s1 =	sshll.u32 s1, $0x3;
	s2 =	sadd.s32 s6, s0;
	s3 =	simm.s32 $0xA000  }
0x4a: {  	[tilespmem:s3], [sflag:$0x4] =	stream.linear.gather [hbm4b:s2+s18], $0x4000, $0x38;
	[tilespmem:$0x1EC50] =	vst v63  }
0x4b: {  	s1 =	sadd.s32 s1, s16;
	s3 =	simm.s32 $0xE000  }
0x4c: {  	[tilespmem:s3], [sflag:$0x5] =	stream.linear.gather [hbm4b:s1+s18], $0x2000, $0x38;
	[tilespmem:$0x1EC50] =	vst v63  }
0x4d: {  	_ =	swait.ge [sflag:s7], $0x4000  }
0x4e: {  	[sflag:s7] =	ssyncset.done $0x0  }
0x4f: {  	[sflag:s7] =	ssyncadd.s32 $0xFFFFC000  }
0x50: {  	_ =	swait.ge [sflag:s17], $0x4000  }
0x51: {  	[sflag:s17] =	ssyncset.done $0x0  }
0x52: {  	[sflag:s17] =	ssyncadd.s32 $0xFFFFC000  }
0x53: {  	_ =	swait.ge [sflag:s12], $0x2000  }
0x54: {  	[sflag:s12] =	ssyncset.done $0x0  }
0x55: {  	[sflag:s12] =	ssyncadd.s32 $0xFFFFE000  }
0x56: {  	_ =	swait.ge [sflag:s20], $0x4000  }
0x57: {  	[sflag:s20] =	ssyncset.done $0x0  }
0x58: {  	[sflag:s20] =	ssyncadd.s32 $0xFFFFC000  }
0x59: {  	_ =	swait.ge [sflag:s21], $0x2000  }
0x5a: {  	[sflag:s21] =	ssyncset.done $0x0  }
0x5b: {  	s2 =	simm.s32 $0xA040;
	[sflag:s21] =	ssyncadd.s32 $0xFFFFE000  }
0x5c: {  	v1 =	vld [tilespmem:s2+$0x30]  }
0x5d: {  	v2 =	vld [tilespmem:s2+$0x20]  }
0x5e: {  	v3 =	vld [tilespmem:s2+$0x10]  }
0x5f: {  	v4 =	vld [tilespmem:s2+$0x0]  }
0x60: {  	v5 =	vld [tilespmem:s2+$0xFFFFFFF0]  }
0x61: {  	v6 =	vld [tilespmem:s2+$0xFFFFFFE0]  }
0x62: {  	v7 =	vld [tilespmem:s2+$0xFFFFFFD0]  }
0x63: {  	s3 =	simm.s32 $0x4040;
	v8 =	vld [tilespmem:s2+$0xFFFFFFC0]  }
0x64: {  	v9 =	vld [tilespmem:s3+$0xFFFFFFC0]  }
0x65: {  	s0 =	simm.s32 $0x40;
	v10 =	vld [tilespmem:s3+$0xFFFFFFD0]  }
0x66: {  	v11 =	vld [tilespmem:s0+$0xFFFFFFC0]  }
0x67: {  	v12 =	vld [tilespmem:s3+$0xFFFFFFE0]  }
0x68: {  	v13 =	vld [tilespmem:s0+$0xFFFFFFD0]  }
0x69: {  	v14 =	vld [tilespmem:s0+$0xFFFFFFE0];
	v8 =	vadd.f32 v8, v9  }
0x6a: {  	v9 =	vld [tilespmem:s3+$0xFFFFFFF0]  }
0x6b: {  	v7 =	vadd.f32 v7, v10;
	v10 =	vld [tilespmem:s3+$0x0];
	v8 =	vmul.f32 v8, v11  }
0x6c: {  	v11 =	vld [tilespmem:s0+$0xFFFFFFF0]  }
0x6d: {  	v6 =	vadd.f32 v6, v12;
	v12 =	vld [tilespmem:s3+$0x10];
	v7 =	vmul.f32 v7, v13;
	v8 =	vadd.f32 $0.0e+00, v8  }
0x6e: {  	v13 =	vld [tilespmem:s0+$0x0]  }
0x6f: {  	v6 =	vmul.f32 v6, v14;
	v5 =	vadd.f32 v5, v9;
	v9 =	vld [tilespmem:s0+$0x10];
	v7 =	vadd.f32 v7, v8  }
0x70: {  	v8 =	vld [tilespmem:s3+$0x20]  }
0x71: {  	v4 =	vadd.f32 v4, v10;
	v10 =	vld [tilespmem:s0+$0x20];
	v5 =	vmul.f32 v5, v11;
	v6 =	vadd.f32 v6, v7  }
0x72: {  	v7 =	vld [tilespmem:s3+$0x30]  }
0x73: {  	v3 =	vadd.f32 v3, v12;
	v4 =	vmul.f32 v4, v13;
	v5 =	vadd.f32 v5, v6  }
0x74: {  	v6 =	vld [tilespmem:s0+$0x30]  }
0x75: {  	v3 =	vmul.f32 v3, v9;
	v2 =	vadd.f32 v2, v8;
	v4 =	vadd.f32 v4, v5;
	_ =	sdelay $0x1  }
0x76: {  	v2 =	vmul.f32 v2, v10;
	v1 =	vadd.f32 v1, v7;
	v3 =	vadd.f32 v3, v4;
	_ =	sdelay $0x1  }
0x77: {  	v1 =	vmul.f32 v1, v6;
	v2 =	vadd.f32 v2, v3;
	_ =	sdelay $0x1  }
0x78: {  	v1 =	vadd.f32 v1, v2;
	_ =	sdelay $0x1  }
0x79: {  	(xrf2) =	vadd.scan.msk.f32 $0xffff, v1;
	_ =	sdelay $0x9  }
0x7a: {  	v1, _, _ =	vpop (xrf2)  }
0x7b: {  	v1 =	vmul.f32 $1.442695020e+00, v1;
	_ =	sdelay $0x1  }
0x7c: {  	s2 =	simm.s32 $0x0;
	v1 =	vbroadcast v1, $0xF  }
0x7d: {  	v8 =	vld [tilespmem:s2+$0xE030]  }
0x7e: {  	v5 =	vld [tilespmem:s2+$0x8020];
	(erf) = vpow2.f32 v1  }
0x7f: {  	v4 =	vld [tilespmem:s2+$0xE010]  }
0x80: {  	v3 =	vld [tilespmem:s2+$0xE000]  }
0x81: {  	v2 =	vld [tilespmem:s2+$0x8000]  }
0x82: {  	v1 =	vld [tilespmem:s2+$0x8010]  }
0x83: {  	v6 =	vld [tilespmem:s2+$0xE020]  }
0x84: {  	v7 =	vld [tilespmem:s2+$0x8030];
	_ =	sdelay $0x1  }
0x85: {  	v2 =	vadd.f32 v3, v2  }
0x86: {  	v1 =	vadd.f32 v4, v1;
	v3 =	vpop (erf)  }
0x87: {  	v4 =	vadd.f32 v6, v5;
	v2 =	vmul.f32 v3, v2  }
0x88: {  	v5 =	vadd.f32 v8, v7;
	v1 =	vmul.f32 v3, v1  }
0x89: {  	[tilespmem:s2+$0x10000] =	vst v2;
	v2 =	vmul.f32 v4, v3  }
0x8a: {  	[tilespmem:s2+$0x10010] =	vst v1;
	v1 =	vmul.f32 v5, v3  }
0x8b: {  	[tilespmem:s2+$0x10020] =	vst v2  }
0x8c: {  	s3 =	simm.s32 $0x12000;
	[tilespmem:s2+$0x10030] =	vst v1;
	v1 =	vnsel vm0, $0x0, v3  }
0x8d: {  	s30 =	simm.s32 $0xA0C0;
	[tilespmem:s3+$0x0] =	vst v1  }
0x8e: {  	v1 =	vld [tilespmem:s30+$0x30]  }
0x8f: {  	v2 =	vld [tilespmem:s30+$0x20]  }
0x90: {  	v3 =	vld [tilespmem:s30+$0x10]  }
0x91: {  	v4 =	vld [tilespmem:s30+$0x0]  }
0x92: {  	v5 =	vld [tilespmem:s30+$0xFFFFFFF0]  }
0x93: {  	v6 =	vld [tilespmem:s30+$0xFFFFFFE0]  }
0x94: {  	v7 =	vld [tilespmem:s30+$0xFFFFFFD0]  }
0x95: {  	s29 =	simm.s32 $0x40C0;
	v10 =	vld [tilespmem:s30+$0xFFFFFFC0]  }
0x96: {  	v12 =	vld [tilespmem:s29+$0xFFFFFFC0]  }
0x97: {  	s2 =	simm.s32 $0xC0;
	v9 =	vld [tilespmem:s29+$0xFFFFFFD0]  }
0x98: {  	v13 =	vld [tilespmem:s2+$0xFFFFFFC0]  }
0x99: {  	v8 =	vld [tilespmem:s29+$0xFFFFFFE0]  }
0x9a: {  	s31 =	simm.s32 $0x200;
	s1 =	simm.s32 $0x100;
	v11 =	vld [tilespmem:s2+$0xFFFFFFD0]  }
.LBB2_7:
0x9b: {  	p1 =	sne.s32 s31, $0x7F00;
	v10 =	vadd.f32 v10, v12;
	v12 =	vld [tilespmem:s29+$0xFFFFFFF0]  }
0x9c: {  	v14 =	vld [tilespmem:s2+$0xFFFFFFE0]  }
0x9d: {  	v7 =	vadd.f32 v7, v9;
	v10 =	vmul.f32 v10, v13;
	v9 =	vld [tilespmem:s29+$0x0]  }
0x9e: {  	v13 =	vld [tilespmem:s2+$0xFFFFFFF0]  }
0x9f: {  	v6 =	vadd.f32 v6, v8;
	v10 =	vadd.f32 $0.0e+00, v10;
	v7 =	vmul.f32 v7, v11;
	v8 =	vld [tilespmem:s29+$0x10]  }
0xa0: {  	v11 =	vld [tilespmem:s2+$0x0]  }
0xa1: {  	v5 =	vadd.f32 v5, v12;
	v7 =	vadd.f32 v7, v10;
	v6 =	vmul.f32 v6, v14;
	v10 =	vld [tilespmem:s29+$0x20]  }
0xa2: {  	v12 =	vld [tilespmem:s2+$0x10]  }
0xa3: {  	v4 =	vadd.f32 v4, v9;
	v6 =	vadd.f32 v6, v7;
	v5 =	vmul.f32 v5, v13;
	v7 =	vld [tilespmem:s29+$0x30]  }
0xa4: {  	v9 =	vld [tilespmem:s2+$0x20]  }
0xa5: {  	v3 =	vadd.f32 v3, v8;
	v5 =	vadd.f32 v5, v6;
	v4 =	vmul.f32 v4, v11  }
0xa6: {  	v6 =	vld [tilespmem:s2+$0x30]  }
0xa7: {  	v2 =	vadd.f32 v2, v10;
	v4 =	vadd.f32 v4, v5;
	v3 =	vmul.f32 v3, v12;
	_ =	sdelay $0x1  }
0xa8: {  	v1 =	vadd.f32 v1, v7;
	v3 =	vadd.f32 v3, v4;
	v2 =	vmul.f32 v2, v9;
	_ =	sdelay $0x1  }
0xa9: {  	v2 =	vadd.f32 v2, v3;
	v1 =	vmul.f32 v1, v6;
	_ =	sdelay $0x1  }
0xaa: {  	v1 =	vadd.f32 v1, v2;
	_ =	sdelay $0x1  }
0xab: {  	(xrf2) =	vadd.scan.msk.f32 $0xffff, v1;
	_ =	sdelay $0x9  }
0xac: {  	v1, _, _ =	vpop (xrf2)  }
0xad: {  	v1 =	vmul.f32 $1.442695020e+00, v1;
	_ =	sdelay $0x1  }
0xae: {  	s0 =	sshra.s32 s1, $0x2;
	s1 =	smov.u32 s31;
	v1 =	vbroadcast v1, $0xF  }
0xaf: {  	v2 =	vld [tilespmem:s0+$0x8000]  }
0xb0: {  	v3 =	vld [tilespmem:s0+$0xE000];
	(erf) = vpow2.f32 v1  }
0xb1: {  	v1 =	vld [tilespmem:s0+$0x8010]  }
0xb2: {  	v4 =	vld [tilespmem:s0+$0xE010]  }
0xb3: {  	v5 =	vld [tilespmem:s0+$0x8020]  }
0xb4: {  	v6 =	vld [tilespmem:s0+$0xE020]  }
0xb5: {  	v7 =	vld [tilespmem:s0+$0x8030]  }
0xb6: {  	v8 =	vld [tilespmem:s0+$0xE030];
	_ =	sdelay $0x1  }
0xb7: {  	v2 =	vadd.f32 v3, v2  }
0xb8: {  	v1 =	vadd.f32 v4, v1;
	v3 =	vpop (erf)  }
0xb9: {  	v4 =	vadd.f32 v6, v5;
	v2 =	vmul.f32 v3, v2  }
0xba: {  	v1 =	vmul.f32 v3, v1;
	v5 =	vadd.f32 v8, v7  }
0xbb: {  	[tilespmem:s0+$0x10000] =	vst v2;
	v2 =	vmul.f32 v4, v3  }
0xbc: {  	[tilespmem:s0+$0x10010] =	vst v1;
	v1 =	vmul.f32 v5, v3  }
0xbd: {  	[tilespmem:s0+$0x10020] =	vst v2  }
0xbe: {  	s3 =	sadd.s32 $0x10, s3;
	[tilespmem:s0+$0x10030] =	vst v1;
	v1 =	vnsel vm0, $0x0, v3  }
0xbf: {  	s30 =	sadd.s32 $0x80, s30;
	[tilespmem:s3+$0x0] =	vst v1  }
0xc0: {  	v1 =	vld [tilespmem:s30+$0x30]  }
0xc1: {  	v2 =	vld [tilespmem:s30+$0x20]  }
0xc2: {  	v3 =	vld [tilespmem:s30+$0x10]  }
0xc3: {  	v4 =	vld [tilespmem:s30+$0x0]  }
0xc4: {  	v5 =	vld [tilespmem:s30+$0xFFFFFFF0]  }
0xc5: {  	v6 =	vld [tilespmem:s30+$0xFFFFFFE0]  }
0xc6: {  	v7 =	vld [tilespmem:s30+$0xFFFFFFD0]  }
0xc7: {  	s29 =	sadd.s32 $0x80, s29;
	v10 =	vld [tilespmem:s30+$0xFFFFFFC0]  }
.Ltmp3:
0xc8: {  	v12 =	vld [tilespmem:s29+$0xFFFFFFC0];
	(pc) =	sbr.rel @p1 .LBB2_7-.Ltmp3, $4  }
0xc9: {  	s2 =	sadd.s32 $0x80, s2;
	v9 =	vld [tilespmem:s29+$0xFFFFFFD0]  }
0xca: {  	v13 =	vld [tilespmem:s2+$0xFFFFFFC0]  }
0xcb: {  	v8 =	vld [tilespmem:s29+$0xFFFFFFE0]  }
0xcc: {  	s31 =	sadd.s32 $0x100, s31;
	v11 =	vld [tilespmem:s2+$0xFFFFFFD0]  }
0xcd: {  	v10 =	vadd.f32 v10, v12;
	v47 =	vld [tilespmem:s29+$0xFFFFFFF0]  }
0xce: {  	v14 =	vld [tilespmem:s2+$0xFFFFFFE0]  }
0xcf: {  	v48 =	vld [tilespmem:s29+$0x0];
	v7 =	vadd.f32 v7, v9;
	v10 =	vmul.f32 v10, v13  }
0xd0: {  	v49 =	vld [tilespmem:s2+$0xFFFFFFF0]  }
0xd1: {  	v50 =	vld [tilespmem:s29+$0x10];
	v6 =	vadd.f32 v6, v8;
	v10 =	vadd.f32 $0.0e+00, v10;
	v7 =	vmul.f32 v7, v11  }
0xd2: {  	v51 =	vld [tilespmem:s2+$0x0]  }
0xd3: {  	v52 =	vld [tilespmem:s29+$0x20];
	v6 =	vmul.f32 v6, v14;
	v5 =	vadd.f32 v5, v47;
	v7 =	vadd.f32 v7, v10  }
0xd4: {  	v53 =	vld [tilespmem:s2+$0x10]  }
0xd5: {  	v54 =	vld [tilespmem:s29+$0x30];
	v4 =	vadd.f32 v4, v48;
	v5 =	vmul.f32 v5, v49;
	v6 =	vadd.f32 v6, v7  }
0xd6: {  	v55 =	vld [tilespmem:s2+$0x20]  }
0xd7: {  	v3 =	vadd.f32 v3, v50;
	v4 =	vmul.f32 v4, v51;
	v5 =	vadd.f32 v5, v6  }
0xd8: {  	v56 =	vld [tilespmem:s2+$0x30]  }
0xd9: {  	v2 =	vadd.f32 v2, v52;
	v3 =	vmul.f32 v3, v53;
	v4 =	vadd.f32 v4, v5;
	_ =	sdelay $0x1  }
0xda: {  	v1 =	vadd.f32 v1, v54;
	v2 =	vmul.f32 v2, v55;
	v3 =	vadd.f32 v3, v4;
	_ =	sdelay $0x1  }
0xdb: {  	v1 =	vmul.f32 v1, v56;
	v2 =	vadd.f32 v2, v3;
	_ =	sdelay $0x1  }
0xdc: {  	v1 =	vadd.f32 v1, v2;
	_ =	sdelay $0x1  }
0xdd: {  	(xrf2) =	vadd.scan.msk.f32 $0xffff, v1;
	_ =	sdelay $0x9  }
0xde: {  	v1, _, _ =	vpop (xrf2)  }
0xdf: {  	v1 =	vmul.f32 $1.442695020e+00, v1;
	_ =	sdelay $0x1  }
0xe0: {  	s0 =	sshra.s32 s1, $0x2;
	v1 =	vbroadcast v1, $0xF  }
0xe1: {  	v57 =	vld [tilespmem:s0+$0xE010]  }
0xe2: {  	v58 =	vld [tilespmem:s0+$0x8020];
	(erf) = vpow2.f32 v1  }
0xe3: {  	v59 =	vld [tilespmem:s0+$0xE020]  }
0xe4: {  	v3 =	vld [tilespmem:s0+$0xE000]  }
0xe5: {  	v2 =	vld [tilespmem:s0+$0x8000]  }
0xe6: {  	v1 =	vld [tilespmem:s0+$0x8010]  }
0xe7: {  	v60 =	vld [tilespmem:s0+$0x8030]  }
0xe8: {  	v61 =	vld [tilespmem:s0+$0xE030];
	_ =	sdelay $0x1  }
0xe9: {  	v2 =	vadd.f32 v3, v2  }
0xea: {  	v1 =	vadd.f32 v57, v1;
	v3 =	vpop (erf)  }
0xeb: {  	v62 =	vadd.f32 v59, v58;
	v2 =	vmul.f32 v3, v2  }
0xec: {  	v63 =	vadd.f32 v61, v60;
	v1 =	vmul.f32 v3, v1  }
0xed: {  	[tilespmem:s0+$0x10000] =	vst v2;
	v2 =	vmul.f32 v62, v3  }
0xee: {  	[tilespmem:s0+$0x10010] =	vst v1;
	v1 =	vmul.f32 v63, v3  }
0xef: {  	[tilespmem:s0+$0x10020] =	vst v2  }
0xf0: {  	s29 =	sadd.s32 $0x10, s3;
	[tilespmem:s0+$0x10030] =	vst v1;
	v1 =	vnsel vm0, $0x0, v3  }
0xf1: {  	s30 =	rddreg [dreg:$0x1];
	[tilespmem:s29+$0x0] =	vst v1  }
0xf2: {  	[spmem:s30] =	stream.indirect.scatter.add.f32 [tilespmem:s22], [sflag:$0x6], $0x40, s26, s28, $0xb8;
	[tilespmem:$0x1EC50] =	vst v63  }
0xf3: {  	_ =	swait.ge [sflag:s23], $0x2000  }
0xf4: {  	s19 =	sadd.s32 $0x1, s19;
	[sflag:s23] =	ssyncset.done $0x0  }
0xf5: {  	p1 =	sne.s32 s19, s13;
	[sflag:s23] =	ssyncadd.s32 $0xFFFFE000  }
.Ltmp4:
0xf6: {  	s31 =	rddreg [dreg:$0x2];
	(pc) =	sbr.rel @p1 .LBB2_6-.Ltmp4, $4  }
0xf7: {  	[spmem:s31] =	stream.indirect.scatter.add.f32 [tilespmem:s24], [sflag:$0x6], $0x10, s26, s28, $0xb8;
	[tilespmem:$0x1EC50] =	vst v63  }
0xf8: {  	_ =	swait.ge [sflag:s23], $0x800  }
0xf9: {  	[sflag:s23] =	ssyncset.done $0x0  }
0xfa: {  	[sflag:s23] =	ssyncadd.s32 $0xFFFFF800  }
0xfb: {  	[bflag:$0x0] =	sbarrier.arrive $0xFFFF  }
0xfc: {  	s19 =	stileid.u32;
	s0 =	rddreg [dreg:$0x5]  }
.Ltmp5:
0xfd: {  	s29 =	rddreg [dreg:$0x9];
	(pc) =	sbr.rel @!p0 .LBB2_14-.Ltmp5, $4  }
0xfe: {  	s1 =	sshll.u32 s19, $0x6;
	s19 =	rddreg [dreg:$0x7]  }
0xff: {  	s3 =	rddreg [dreg:$0xa]  }
0x100: {  	s2 =	rddreg [dreg:$0x8]  }
0x101: {  	p1 =	por $0x0, $0x0;
	s31 =	rddreg [dreg:$0x4];
	s30 =	sadd.s32 $0xFFFFFFFF, s0  }
0x102: {  	s29 =	rddreg [dreg:$0x9]  }
0x103: {  	s19 =	rddreg [dreg:$0x7];
	s0 =	sshrl.u32 s29, $0x3  }
0x104: {  	s18 =	sor.u32 $0x1C06, s1;
	s2 =	sshrl.u32 s19, $0x3;
	s0 =	sadd.s32 s10, s0  }
0x105: {  	[hbm:s0], [sflag:s18] =	dma.local [spmem:s2], $0x280  }
0x106: {  	_ =	swait.ge [sflag:s23], $0x280  }
0x107: {  	p0 =	sne.s32 s30, $0x1;
	s31 =	rddreg [dreg:$0xa]  }
0x108: {  	s30 =	sadd.s32 $0xFFFFFFFF, s30;
	[sflag:s23] =	ssyncset.done $0x0;
	s3 =	sshrl.u32 s31, $0x3  }
.Ltmp6:
0x109: {  	s0 =	sadd.s32 s11, s3;
	s3 =	rddreg [dreg:$0x8];
	(pc) =	sbr.rel @!p0 .LBB2_11-.Ltmp6, $4  }
0x10a: {  	p1 =	por $0x1, $0x1;
	[sflag:s23] =	ssyncadd.s32 $0xFFFFFD80;
	s2 =	sshrl.u32 s3, $0x3  }
0x10b: {  	[hbm:s0], [sflag:s18] =	dma.local [spmem:s2], $0xA0  }
0x10c: {  	s19 =	sadd.s32 $0x14000, s19;
	s29 =	sadd.s32 $0x14000, s29;
	_ =	swait.ge [sflag:s23], $0xA0  }
0x10d: {  	s2 =	sadd.s32 $0x5000, s3;
	s3 =	sadd.s32 $0x5000, s31;
	[sflag:s23] =	ssyncset.done $0x0  }
.LBB2_12:
0x10e: {  	s0 =	sshrl.u32 s29, $0x3;
	[sflag:s23] =	ssyncadd.s32 $0xFFFFFF60  }
0x10f: {  	s31 =	sshrl.u32 s19, $0x3;
	s0 =	sadd.s32 s10, s0  }
0x110: {  	[hbm:s0], [sflag:s18] =	dma.local [spmem:s31], $0x280  }
0x111: {  	p0 =	sne.s32 s30, $0x1;
	s30 =	sadd.s32 $0xFFFFFFFF, s30;
	_ =	swait.ge [sflag:s23], $0x280  }
.Ltmp7:
0x112: {  	s0 =	sshrl.u32 s3, $0x3;
	[sflag:s23] =	ssyncset.done $0x0;
	(pc) =	sbr.rel @p0 .LBB2_12-.Ltmp7, $4  }
0x113: {  	s31 =	sshrl.u32 s2, $0x3;
	s0 =	sadd.s32 s11, s0;
	[sflag:s23] =	ssyncadd.s32 $0xFFFFFD80  }
0x114: {  	[hbm:s0], [sflag:s18] =	dma.local [spmem:s31], $0xA0  }
0x115: {  	s2 =	sadd.s32 $0x5000, s2;
	s3 =	sadd.s32 $0x5000, s3;
	_ =	swait.ge [sflag:s23], $0xA0  }
0x116: {  	s19 =	sadd.s32 $0x14000, s19;
	s29 =	sadd.s32 $0x14000, s29;
	[sflag:s23] =	ssyncset.done $0x0  }
0x117: {  	s31 =	rddreg [dreg:$0x4]  }
.LBB2_14:
0x118: {  	s0 =	sshrl.u32 s29, $0x3;
	[sflag:s23] =	ssyncadd.s32 @p1 $0xFFFFFF60  }
0x119: {  	s1 =	sor.u32 $0x1C06, s1;
	s18 =	sshrl.u32 s19, $0x3;
	s0 =	sadd.s32 s10, s0  }
0x11a: {  	[hbm:s0], [sflag:s1] =	dma.local [spmem:s18], $0x280  }
0x11b: {  	_ =	swait.ge [sflag:s23], $0x280  }
0x11c: {  	s30 =	sshrl.u32 s3, $0x3;
	[sflag:s23] =	ssyncset.done $0x0  }
0x11d: {  	s2 =	sshrl.u32 s2, $0x3;
	s0 =	sadd.s32 s11, s30;
	[sflag:s23] =	ssyncadd.s32 $0xFFFFFD80  }
0x11e: {  	[hbm:s0], [sflag:s1] =	dma.local [spmem:s2], $0xA0  }
0x11f: {  	_ =	swait.ge [sflag:s23], $0xA0  }
0x120: {  	s19 =	sadd.s32 $0x1, s31;
	s31 =	rddreg [dreg:$0x6]  }
0x121: {  	p0 =	sne.s32 s19, s31  }
.Ltmp8:
0x122: {  	_ = 	snop;
	(pc) =	sbr.rel @p0 .LBB2_1-.Ltmp8, $4  }
.Ltmp9:
0x123: {  	_ = 	snop;
	(pc) =	sbr.rel @!p0 .LBB2_15-.Ltmp9, $4  }
0x124: {  	_ = 	snop  }
0x125: {  	[sflag:s23] =	ssyncset.done $0x0  }
0x126: {  	[sflag:s23] =	ssyncadd.s32 $0xFFFFFF60  }
0x127: {  	_ = 	snop  }
.LBB2_11:
.Ltmp10:
0x128: {  	(pc) =	sbr.rel .LBB2_14-.Ltmp10, $2  }
0x129: {  	_ =	sdelay $0x2  }
0x12a: {  	s31 =	rddreg [dreg:$0x4]  }
.LBB2_15:
0x12b: {  	_ =	sfence.sel $0x180000  }
0x12c: {  	[bflag:$0x0] =	sbarrier.arrive $0xFFFF  }
0x12d: {  	_ =	strace $0x9000004A  }
0x12e: {  	s0 =	stileid.u32;
	[bflag:$0x2] =	sbarrier.arrive $0xFFFF  }
0x12f: {  	p0 =	sne.s32 s0, $0x0;
	s0 =	rddreg [dreg:$0x3]  }
0x130: {  	s0 =	sadd.s32 @!p0 $0x100000, s0  }
0x131: {  	[sflag:s0] =	ssyncadd.tile.s32 @!p0 $0x1;
	_ =	shalt  }
.Lfunc_end2:
_tile_overlayer_lowered:
.L_overlay_start_2:
0x132: {  	(tag) =	ssettag $0x2  }
0x133: {  	s0 =	rddreg [dreg:$0x0];
	s2 =	stileid.u32  }
0x134: {  	s1 =	rddreg [dreg:$0x1];
	p0 =	sne.s32 s2, $0x0  }
0x135: {  	s3 =	rddreg [dreg:$0x2];
	[bflag:$0x3] =	sbarrier.arrive $0xFFFF;
	s2 =	simm.s32 @!p0 $0x1C06  }
0x136: {  	[timem:s3], [sflag:s2] =	dma.local @!p0 [hbm:s0], s1  }
0x137: {  	s0 =	simm.s32 @!p0 $0x6  }
0x138: {  	_ =	swait.ge @!p0 [sflag:s0], s1  }
0x139: {  	s1 =	ssub.s32 @!p0 $0x0, s1;
	[sflag:s0] =	ssyncset.done @!p0 $0x0  }
0x13a: {  	[sflag:s0] =	ssyncadd.s32 @!p0 s1  }
0x13b: {  	[bflag:$0x3] =	sbarrier.arrive $0xFFFF  }
0x13c: {  	_ =	shalt  }

</sc_bundles>
